<compile_context>
chip_gen: v7x
topology: tpu7x:2x2x1
jax: 0.10.2.dev20260603
libtpu: 0.0.44.dev20260713+nightly
codegen_flags: <defaults>
</compile_context>

<pallas_src>
import dataclasses
import functools

import jax
import jax.numpy as jnp
from jax import lax
from jax.experimental import pallas as pl
from jax.experimental.pallas import tpu as pltpu
from jax.experimental.pallas import tpu_sc as plsc

N, C, H, W = 4, 96, 384, 384
CP = 128
NPIX = N * H * W
HB = 64
NC, NS, L = 2, 16, 16
NWORK = NC * NS
PPW = NPIX // NWORK
G = 96
CHUNKS = PPW // G


def _prep_body(flow_ref, idx_ref, w_ref, mask_ref):
    n = pl.program_id(0)
    hb = pl.program_id(1)
    fx = flow_ref[0, 0]
    fy = flow_ref[0, 1]
    wc = lax.broadcasted_iota(jnp.int32, (HB, W), 1).astype(jnp.float32)
    hc = (lax.broadcasted_iota(jnp.int32, (HB, W), 0) + hb * HB).astype(jnp.float32)
    gridx = wc + fx
    gridy = hc + fy
    gx = 2.0 * gridx / (W - 1) - 1.0
    gy = 2.0 * gridy / (H - 1) - 1.0
    ix = ((gx + 1.0) * W - 1.0) / 2.0
    iy = ((gy + 1.0) * H - 1.0) / 2.0
    ix0 = jnp.floor(ix)
    iy0 = jnp.floor(iy)
    ix1 = ix0 + 1.0
    iy1 = iy0 + 1.0
    wx1 = ix - ix0
    wx0 = 1.0 - wx1
    wy1 = iy - iy0
    wy0 = 1.0 - wy1
    mask = (jnp.abs(gx) <= 1.0) & (jnp.abs(gy) <= 1.0)
    mask_ref[...] = mask.astype(jnp.int32)
    corners = [(iy0, ix0, wy0 * wx0), (iy0, ix1, wy0 * wx1),
               (iy1, ix0, wy1 * wx0), (iy1, ix1, wy1 * wx1)]
    for k, (iyc, ixc, wgt) in enumerate(corners):
        valid = (ixc >= 0) & (ixc <= W - 1) & (iyc >= 0) & (iyc <= H - 1)
        ixs = jnp.clip(ixc, 0, W - 1).astype(jnp.int32)
        iys = jnp.clip(iyc, 0, H - 1).astype(jnp.int32)
        p = (n * H + iys) * W + ixs
        p = jnp.clip(p, 0, NPIX - 1)
        idx_ref[k] = p
        w_ref[k] = wgt * valid.astype(jnp.float32)


_prep = pl.pallas_call(
    _prep_body,
    grid=(N, H // HB),
    in_specs=[pl.BlockSpec((1, 2, HB, W), lambda n, hb: (n, 0, hb, 0))],
    out_specs=[
        pl.BlockSpec((4, HB, W), lambda n, hb: (0, n * (H // HB) + hb, 0)),
        pl.BlockSpec((4, HB, W), lambda n, hb: (0, n * (H // HB) + hb, 0)),
        pl.BlockSpec((HB, W), lambda n, hb: (n * (H // HB) + hb, 0)),
    ],
    out_shape=[
        jax.ShapeDtypeStruct((4, N * H, W), jnp.int32),
        jax.ShapeDtypeStruct((4, N * H, W), jnp.float32),
        jax.ShapeDtypeStruct((N * H, W), jnp.int32),
    ],
)


@functools.cache
def _make_sc_warp():
    cp = pltpu.CompilerParams()
    if "needs_layout_passes" in pltpu.CompilerParams.__dataclass_fields__:
        cp = dataclasses.replace(cp, needs_layout_passes=False)
    if "use_tc_tiling_on_sc" in pltpu.CompilerParams.__dataclass_fields__:
        cp = dataclasses.replace(cp, use_tc_tiling_on_sc=False)

    @functools.partial(
        pl.kernel,
        compiler_params=cp,
        out_type=jax.ShapeDtypeStruct((NPIX, CP), jnp.float32),
        mesh=plsc.VectorSubcoreMesh(core_axis_name="c", subcore_axis_name="s",
                                    num_cores=NC, num_subcores=NS),
        scratch_types=[
            pltpu.VMEM((2, 4, G), jnp.int32),
            pltpu.VMEM((2, 4, G), jnp.float32),
            pltpu.VMEM((2, 4, G, CP), jnp.float32),
            pltpu.VMEM((2, G, CP), jnp.float32),
            pltpu.SemaphoreType.DMA,
            pltpu.SemaphoreType.DMA,
            pltpu.SemaphoreType.DMA,
            pltpu.SemaphoreType.DMA,
            pltpu.SemaphoreType.DMA,
            pltpu.SemaphoreType.DMA,
        ],
    )
    def _sc_warp(xt_hbm, idx_hbm, w_hbm, out_hbm, ibuf, wbuf, rows, obuf,
                 g0, g1, i0, i1, o0, o1):
        cid = lax.axis_index("c")
        sid = lax.axis_index("s")
        wid = cid * NS + sid
        gsem = (g0, g1)
        isem = (i0, i1)
        osem = (o0, o1)

        def issue_iw(j, p):
            base = wid * PPW + j * G
            pltpu.async_copy(idx_hbm.at[:, pl.ds(base, G)], ibuf.at[p], isem[p])
            pltpu.async_copy(w_hbm.at[:, pl.ds(base, G)], wbuf.at[p], isem[p])

        def drain_iw(p):
            pltpu.make_async_copy(idx_hbm.at[:, pl.ds(0, G)], ibuf.at[p],
                                  isem[p]).wait()
            pltpu.make_async_copy(w_hbm.at[:, pl.ds(0, G)], wbuf.at[p],
                                  isem[p]).wait()

        def issue_gathers(p):
            for k in range(4):
                pltpu.async_copy(xt_hbm.at[ibuf.at[p, k]], rows.at[p, k],
                                 gsem[p])

        def drain_gathers(p):
            for k in range(4):
                pltpu.make_async_copy(xt_hbm.at[pl.ds(0, G)], rows.at[p, k],
                                      gsem[p]).wait()

        def issue_out(j, p):
            base = wid * PPW + j * G
            pltpu.async_copy(obuf.at[p], out_hbm.at[pl.ds(base, G)], osem[p])

        def drain_out(p):
            pltpu.make_async_copy(obuf.at[p], out_hbm.at[pl.ds(0, G)],
                                  osem[p]).wait()

        def blend(p):
            @pl.loop(0, G)
            def _pix(i):
                isplat = lax.broadcast(i, (L,))
                wb = [plsc.load_gather(wbuf.at[p, k], [isplat])
                      for k in range(4)]
                for c0 in range(0, C, L):
                    acc = wb[0] * rows[p, 0, i, pl.ds(c0, L)]
                    acc = acc + wb[1] * rows[p, 1, i, pl.ds(c0, L)]
                    acc = acc + wb[2] * rows[p, 2, i, pl.ds(c0, L)]
                    acc = acc + wb[3] * rows[p, 3, i, pl.ds(c0, L)]
                    obuf[p, i, pl.ds(c0, L)] = acc

        issue_iw(0, 0)
        issue_iw(1, 1)
        drain_iw(0)
        issue_gathers(0)

        @pl.loop(0, CHUNKS, step=2)
        def _chunk(j2):
            for p in (0, 1):
                j = j2 + p
                q = 1 - p

                @pl.when(j + 1 < CHUNKS)
                def _():
                    drain_iw(q)
                    issue_gathers(q)

                drain_gathers(p)

                @pl.when(j >= 2)
                def _():
                    drain_out(p)

                blend(p)
                issue_out(j, p)

                @pl.when(j + 2 < CHUNKS)
                def _():
                    issue_iw(j + 2, p)

        drain_out(0)
        drain_out(1)

    return _sc_warp


def kernel(x, flow):
    assert x.shape == (N, C, H, W) and flow.shape == (N, 2, H, W)
    idx, wts, maskarr = _prep(flow)
    xt = jnp.concatenate(
        [jnp.transpose(x, (0, 2, 3, 1)),
         jnp.zeros((N, H, W, CP - C), jnp.float32)], axis=3)
    out_flat = _make_sc_warp()(xt.reshape(NPIX, CP), idx.reshape(4, NPIX),
                               wts.reshape(4, NPIX))
    warped = jnp.transpose(out_flat.reshape(N, H, W, CP)[..., :C], (0, 3, 1, 2))
    mask = maskarr.reshape(N, 1, H, W).astype(jnp.bool_)
    return warped, mask

# --- scband reference (transcript-rebuilt; emitter-appended) ---
"""Pipeline reference for scband-flow-warping-62586263437353 (READ-ONLY COPY).

The authoritative reference and input builder live on the scoring server;
editing this copy changes nothing except your own understanding.
"""

import jax, jax.numpy as jnp
import numpy as np


def setup_inputs(seed: int = 0) -> dict:
    key = jax.random.key(seed)
    k1, k2 = jax.random.split(key)
    x = jax.random.normal(k1, (4, 96, 384, 384), dtype=jnp.float32)
    flow = jax.random.normal(k2, (4, 2, 384, 384), dtype=jnp.float32)
    return {"x": x, "flow": flow}


def _grid_sample_zeros(x, grid):
    # x: [N, C, H, W], grid: [N, H, W, 2] normalized to [-1, 1]
    # Bilinear, padding_mode='zeros', align_corners=False (torch default).
    N, C, H, W = x.shape
    xt = jnp.transpose(x, (0, 2, 3, 1))  # [N, H, W, C]
    gx = grid[..., 0]
    gy = grid[..., 1]
    ix = ((gx + 1.0) * W - 1.0) / 2.0
    iy = ((gy + 1.0) * H - 1.0) / 2.0
    ix0 = jnp.floor(ix)
    iy0 = jnp.floor(iy)
    ix1 = ix0 + 1.0
    iy1 = iy0 + 1.0
    wx1 = ix - ix0
    wx0 = 1.0 - wx1
    wy1 = iy - iy0
    wy0 = 1.0 - wy1
    b = jnp.arange(N).reshape(N, 1, 1)

    def corner(iyc, ixc, wgt):
        valid = (ixc >= 0) & (ixc <= W - 1) & (iyc >= 0) & (iyc <= H - 1)
        ixs = jnp.clip(ixc, 0, W - 1).astype(jnp.int32)
        iys = jnp.clip(iyc, 0, H - 1).astype(jnp.int32)
        v = xt[b, iys, ixs]  # gather -> [N, H, W, C]
        return v * (wgt * valid.astype(x.dtype))[..., None]

    out = (corner(iy0, ix0, wy0 * wx0) + corner(iy0, ix1, wy0 * wx1)
           + corner(iy1, ix0, wy1 * wx0) + corner(iy1, ix1, wy1 * wx1))
    return jnp.transpose(out, (0, 3, 1, 2))  # [N, C, H, W]


def reference(x, flow):
    n, c, h, w = x.shape
    x_ = jnp.arange(w, dtype=jnp.float32).reshape(1, -1) * jnp.ones((h, 1), dtype=jnp.float32)
    y_ = jnp.arange(h, dtype=jnp.float32).reshape(-1, 1) * jnp.ones((1, w), dtype=jnp.float32)
    base = jnp.stack([x_, y_], axis=0)[None]  # [1, 2, H, W]
    grid = base + flow  # [N, 2, H, W]
    gx = 2.0 * grid[:, 0] / (w - 1) - 1.0
    gy = 2.0 * grid[:, 1] / (h - 1) - 1.0
    grid_n = jnp.stack([gx, gy], axis=-1)  # [N, H, W, 2]
    mask = (jnp.abs(grid_n) <= 1.0).sum(axis=3) == 2
    mask = mask[:, None, :, :]
    warped_img = _grid_sample_zeros(x, grid_n)
    return (warped_img, mask)

if __name__ == "__main__":
    import jax
    _d = setup_inputs()
    print(jax.jit(kernel)(*tuple(_d.values())))

</pallas_src>

<mosaic_0001>
#map = affine_map<(d0, d1) -> (0, 0)>
module attributes {stable_mosaic.version = 14 : i64} {
  func.func @_sc_warp(%arg0: i32, %arg1: i32, %arg2: memref<589824x128xf32, #tpu.memory_space<hbm>>, %arg3: memref<4x589824xi32, #tpu.memory_space<hbm>>, %arg4: memref<4x589824xf32, #tpu.memory_space<hbm>>, %arg5: memref<589824x128xf32, #tpu.memory_space<hbm>>, %arg6: memref<2x4x96xi32, #tpu.memory_space<vmem>>, %arg7: memref<2x4x96xf32, #tpu.memory_space<vmem>>, %arg8: memref<2x4x96x128xf32, #tpu.memory_space<vmem>>, %arg9: memref<2x96x128xf32, #tpu.memory_space<vmem>>, %arg10: memref<!tpu.dma_semaphore, #tpu.memory_space<semaphore_mem>>, %arg11: memref<!tpu.dma_semaphore, #tpu.memory_space<semaphore_mem>>, %arg12: memref<!tpu.dma_semaphore, #tpu.memory_space<semaphore_mem>>, %arg13: memref<!tpu.dma_semaphore, #tpu.memory_space<semaphore_mem>>, %arg14: memref<!tpu.dma_semaphore, #tpu.memory_space<semaphore_mem>>, %arg15: memref<!tpu.dma_semaphore, #tpu.memory_space<semaphore_mem>>) attributes {dimension_semantics = [#tpu.dimension_semantics<core_parallel>, #tpu.dimension_semantics<subcore_parallel>], iteration_bounds = array<i64: 2, 16>, scalar_prefetch = 0 : i64, scratch_operands = 10 : i64, tpu.core_type = #tpu.core_type<sc_vector_subcore>, window_params = [{transform_indices = #map}, {transform_indices = #map}, {transform_indices = #map}, {transform_indices = #map}]} {
    %mul3A = arith.constant 16 : i32
    %mul3A_0 = arith.muli %arg0, %mul3A : i32
    %add3A = arith.addi %mul3A_0, %arg1 : i32
    %mul3A_1 = arith.constant 18432 : i32
    %mul3A_2 = arith.muli %add3A, %mul3A_1 : i32
    %add3A_3 = arith.constant 0 : i32
    %add3A_4 = arith.addi %mul3A_2, %add3A_3 : i32
    %dma_start3A = arith.constant 0 : i32
    %dma_start3A_5 = arith.constant 0 : i32
    %dma_start3A_6 = arith.constant 0 : i32
    %dma_start3A_7 = tpu.memref_slice %arg6[%dma_start3A, %dma_start3A_5, %dma_start3A_6] : memref<2x4x96xi32, #tpu.memory_space<vmem>> -> memref<1x4x96xi32, #tpu.memory_space<vmem>>
    %dma_start3A_8 = tpu.memref_squeeze %dma_start3A_7 : memref<1x4x96xi32, #tpu.memory_space<vmem>> -> memref<4x96xi32, #tpu.memory_space<vmem>>
    %dma_start3A_9 = arith.constant 0 : i32
    %dma_start3A_10 = tpu.memref_slice %arg3[%dma_start3A_9, %add3A_4] : memref<4x589824xi32, #tpu.memory_space<hbm>> -> memref<4x96xi32, #tpu.memory_space<hbm>>
    %dma_start3A_11 = arith.constant 0 : i32
    %dma_start3A_12 = arith.constant 0 : i32
    %dma_start3A_13 = tpu.memref_slice %arg6[%dma_start3A, %dma_start3A_11, %dma_start3A_12] : memref<2x4x96xi32, #tpu.memory_space<vmem>> -> memref<1x4x96xi32, #tpu.memory_space<vmem>>
    %dma_start3A_14 = tpu.memref_squeeze %dma_start3A_13 : memref<1x4x96xi32, #tpu.memory_space<vmem>> -> memref<4x96xi32, #tpu.memory_space<vmem>>
    %dma_start3A_15 = arith.constant 0 : i32
    %dma_start3A_16 = tpu.memref_slice %arg3[%dma_start3A_15, %add3A_4] : memref<4x589824xi32, #tpu.memory_space<hbm>> -> memref<4x96xi32, #tpu.memory_space<hbm>>
    tpu.enqueue_dma source(%dma_start3A_16 : memref<4x96xi32, #tpu.memory_space<hbm>>) target(%dma_start3A_14 : memref<4x96xi32, #tpu.memory_space<vmem>>) target_semaphore(%arg12 : memref<!tpu.dma_semaphore, #tpu.memory_space<semaphore_mem>>)
    %dma_start3A_17 = arith.constant 0 : i32
    %dma_start3A_18 = arith.constant 0 : i32
    %dma_start3A_19 = arith.constant 0 : i32
    %dma_start3A_20 = tpu.memref_slice %arg7[%dma_start3A_17, %dma_start3A_18, %dma_start3A_19] : memref<2x4x96xf32, #tpu.memory_space<vmem>> -> memref<1x4x96xf32, #tpu.memory_space<vmem>>
    %dma_start3A_21 = tpu.memref_squeeze %dma_start3A_20 : memref<1x4x96xf32, #tpu.memory_space<vmem>> -> memref<4x96xf32, #tpu.memory_space<vmem>>
    %dma_start3A_22 = arith.constant 0 : i32
    %dma_start3A_23 = tpu.memref_slice %arg4[%dma_start3A_22, %add3A_4] : memref<4x589824xf32, #tpu.memory_space<hbm>> -> memref<4x96xf32, #tpu.memory_space<hbm>>
    %dma_start3A_24 = arith.constant 0 : i32
    %dma_start3A_25 = arith.constant 0 : i32
    %dma_start3A_26 = tpu.memref_slice %arg7[%dma_start3A_17, %dma_start3A_24, %dma_start3A_25] : memref<2x4x96xf32, #tpu.memory_space<vmem>> -> memref<1x4x96xf32, #tpu.memory_space<vmem>>
    %dma_start3A_27 = tpu.memref_squeeze %dma_start3A_26 : memref<1x4x96xf32, #tpu.memory_space<vmem>> -> memref<4x96xf32, #tpu.memory_space<vmem>>
    %dma_start3A_28 = arith.constant 0 : i32
    %dma_start3A_29 = tpu.memref_slice %arg4[%dma_start3A_28, %add3A_4] : memref<4x589824xf32, #tpu.memory_space<hbm>> -> memref<4x96xf32, #tpu.memory_space<hbm>>
    tpu.enqueue_dma source(%dma_start3A_29 : memref<4x96xf32, #tpu.memory_space<hbm>>) target(%dma_start3A_27 : memref<4x96xf32, #tpu.memory_space<vmem>>) target_semaphore(%arg12 : memref<!tpu.dma_semaphore, #tpu.memory_space<semaphore_mem>>)
    %mul3A_30 = arith.constant 18432 : i32
    %mul3A_31 = arith.muli %add3A, %mul3A_30 : i32
    %add3A_32 = arith.constant 96 : i32
    %add3A_33 = arith.addi %mul3A_31, %add3A_32 : i32
    %dma_start3A_34 = arith.constant 1 : i32
    %dma_start3A_35 = arith.constant 0 : i32
    %dma_start3A_36 = arith.constant 0 : i32
    %dma_start3A_37 = tpu.memref_slice %arg6[%dma_start3A_34, %dma_start3A_35, %dma_start3A_36] : memref<2x4x96xi32, #tpu.memory_space<vmem>> -> memref<1x4x96xi32, #tpu.memory_space<vmem>>
    %dma_start3A_38 = tpu.memref_squeeze %dma_start3A_37 : memref<1x4x96xi32, #tpu.memory_space<vmem>> -> memref<4x96xi32, #tpu.memory_space<vmem>>
    %dma_start3A_39 = arith.constant 0 : i32
    %dma_start3A_40 = tpu.memref_slice %arg3[%dma_start3A_39, %add3A_33] : memref<4x589824xi32, #tpu.memory_space<hbm>> -> memref<4x96xi32, #tpu.memory_space<hbm>>
    %dma_start3A_41 = arith.constant 0 : i32
    %dma_start3A_42 = arith.constant 0 : i32
    %dma_start3A_43 = tpu.memref_slice %arg6[%dma_start3A_34, %dma_start3A_41, %dma_start3A_42] : memref<2x4x96xi32, #tpu.memory_space<vmem>> -> memref<1x4x96xi32, #tpu.memory_space<vmem>>
    %dma_start3A_44 = tpu.memref_squeeze %dma_start3A_43 : memref<1x4x96xi32, #tpu.memory_space<vmem>> -> memref<4x96xi32, #tpu.memory_space<vmem>>
    %dma_start3A_45 = arith.constant 0 : i32
    %dma_start3A_46 = tpu.memref_slice %arg3[%dma_start3A_45, %add3A_33] : memref<4x589824xi32, #tpu.memory_space<hbm>> -> memref<4x96xi32, #tpu.memory_space<hbm>>
    tpu.enqueue_dma source(%dma_start3A_46 : memref<4x96xi32, #tpu.memory_space<hbm>>) target(%dma_start3A_44 : memref<4x96xi32, #tpu.memory_space<vmem>>) target_semaphore(%arg13 : memref<!tpu.dma_semaphore, #tpu.memory_space<semaphore_mem>>)
    %dma_start3A_47 = arith.constant 1 : i32
    %dma_start3A_48 = arith.constant 0 : i32
    %dma_start3A_49 = arith.constant 0 : i32
    %dma_start3A_50 = tpu.memref_slice %arg7[%dma_start3A_47, %dma_start3A_48, %dma_start3A_49] : memref<2x4x96xf32, #tpu.memory_space<vmem>> -> memref<1x4x96xf32, #tpu.memory_space<vmem>>
    %dma_start3A_51 = tpu.memref_squeeze %dma_start3A_50 : memref<1x4x96xf32, #tpu.memory_space<vmem>> -> memref<4x96xf32, #tpu.memory_space<vmem>>
    %dma_start3A_52 = arith.constant 0 : i32
    %dma_start3A_53 = tpu.memref_slice %arg4[%dma_start3A_52, %add3A_33] : memref<4x589824xf32, #tpu.memory_space<hbm>> -> memref<4x96xf32, #tpu.memory_space<hbm>>
    %dma_start3A_54 = arith.constant 0 : i32
    %dma_start3A_55 = arith.constant 0 : i32
    %dma_start3A_56 = tpu.memref_slice %arg7[%dma_start3A_47, %dma_start3A_54, %dma_start3A_55] : memref<2x4x96xf32, #tpu.memory_space<vmem>> -> memref<1x4x96xf32, #tpu.memory_space<vmem>>
    %dma_start3A_57 = tpu.memref_squeeze %dma_start3A_56 : memref<1x4x96xf32, #tpu.memory_space<vmem>> -> memref<4x96xf32, #tpu.memory_space<vmem>>
    %dma_start3A_58 = arith.constant 0 : i32
    %dma_start3A_59 = tpu.memref_slice %arg4[%dma_start3A_58, %add3A_33] : memref<4x589824xf32, #tpu.memory_space<hbm>> -> memref<4x96xf32, #tpu.memory_space<hbm>>
    tpu.enqueue_dma source(%dma_start3A_59 : memref<4x96xf32, #tpu.memory_space<hbm>>) target(%dma_start3A_57 : memref<4x96xf32, #tpu.memory_space<vmem>>) target_semaphore(%arg13 : memref<!tpu.dma_semaphore, #tpu.memory_space<semaphore_mem>>)
    %dma_wait3A = arith.constant 0 : i32
    %dma_wait3A_60 = arith.constant 0 : i32
    %dma_wait3A_61 = arith.constant 0 : i32
    %dma_wait3A_62 = tpu.memref_slice %arg6[%dma_wait3A, %dma_wait3A_60, %dma_wait3A_61] : memref<2x4x96xi32, #tpu.memory_space<vmem>> -> memref<1x4x96xi32, #tpu.memory_space<vmem>>
    %dma_wait3A_63 = tpu.memref_squeeze %dma_wait3A_62 : memref<1x4x96xi32, #tpu.memory_space<vmem>> -> memref<4x96xi32, #tpu.memory_space<vmem>>
    %dma_wait3A_64 = arith.constant 0 : i32
    %dma_wait3A_65 = arith.constant 0 : i32
    %dma_wait3A_66 = tpu.memref_slice %arg3[%dma_wait3A_64, %dma_wait3A_65] : memref<4x589824xi32, #tpu.memory_space<hbm>> -> memref<4x96xi32, #tpu.memory_space<hbm>>
    %dma_wait3A_67 = arith.constant 0 : i32
    %dma_wait3A_68 = arith.constant 0 : i32
    %dma_wait3A_69 = tpu.memref_slice %arg6[%dma_wait3A, %dma_wait3A_67, %dma_wait3A_68] : memref<2x4x96xi32, #tpu.memory_space<vmem>> -> memref<1x4x96xi32, #tpu.memory_space<vmem>>
    %dma_wait3A_70 = tpu.memref_squeeze %dma_wait3A_69 : memref<1x4x96xi32, #tpu.memory_space<vmem>> -> memref<4x96xi32, #tpu.memory_space<vmem>>
    %dma_wait3A_71 = arith.constant 0 : i32
    %dma_wait3A_72 = arith.constant 0 : i32
    %dma_wait3A_73 = tpu.memref_slice %arg3[%dma_wait3A_71, %dma_wait3A_72] : memref<4x589824xi32, #tpu.memory_space<hbm>> -> memref<4x96xi32, #tpu.memory_space<hbm>>
    tpu.wait_dma2 semaphore(%arg12 : memref<!tpu.dma_semaphore, #tpu.memory_space<semaphore_mem>>) src(%dma_wait3A_73 : memref<4x96xi32, #tpu.memory_space<hbm>>) dst(%dma_wait3A_70 : memref<4x96xi32, #tpu.memory_space<vmem>>)
    %dma_wait3A_74 = arith.constant 0 : i32
    %dma_wait3A_75 = arith.constant 0 : i32
    %dma_wait3A_76 = arith.constant 0 : i32
    %dma_wait3A_77 = tpu.memref_slice %arg7[%dma_wait3A_74, %dma_wait3A_75, %dma_wait3A_76] : memref<2x4x96xf32, #tpu.memory_space<vmem>> -> memref<1x4x96xf32, #tpu.memory_space<vmem>>
    %dma_wait3A_78 = tpu.memref_squeeze %dma_wait3A_77 : memref<1x4x96xf32, #tpu.memory_space<vmem>> -> memref<4x96xf32, #tpu.memory_space<vmem>>
    %dma_wait3A_79 = arith.constant 0 : i32
    %dma_wait3A_80 = arith.constant 0 : i32
    %dma_wait3A_81 = tpu.memref_slice %arg4[%dma_wait3A_79, %dma_wait3A_80] : memref<4x589824xf32, #tpu.memory_space<hbm>> -> memref<4x96xf32, #tpu.memory_space<hbm>>
    %dma_wait3A_82 = arith.constant 0 : i32
    %dma_wait3A_83 = arith.constant 0 : i32
    %dma_wait3A_84 = tpu.memref_slice %arg7[%dma_wait3A_74, %dma_wait3A_82, %dma_wait3A_83] : memref<2x4x96xf32, #tpu.memory_space<vmem>> -> memref<1x4x96xf32, #tpu.memory_space<vmem>>
    %dma_wait3A_85 = tpu.memref_squeeze %dma_wait3A_84 : memref<1x4x96xf32, #tpu.memory_space<vmem>> -> memref<4x96xf32, #tpu.memory_space<vmem>>
    %dma_wait3A_86 = arith.constant 0 : i32
    %dma_wait3A_87 = arith.constant 0 : i32
    %dma_wait3A_88 = tpu.memref_slice %arg4[%dma_wait3A_86, %dma_wait3A_87] : memref<4x589824xf32, #tpu.memory_space<hbm>> -> memref<4x96xf32, #tpu.memory_space<hbm>>
    tpu.wait_dma2 semaphore(%arg12 : memref<!tpu.dma_semaphore, #tpu.memory_space<semaphore_mem>>) src(%dma_wait3A_88 : memref<4x96xf32, #tpu.memory_space<hbm>>) dst(%dma_wait3A_85 : memref<4x96xf32, #tpu.memory_space<vmem>>)
    %dma_start3A_89 = arith.constant 0 : i32
    %dma_start3A_90 = arith.constant 0 : i32
    %dma_start3A_91 = arith.constant 0 : i32
    %dma_start3A_92 = arith.constant 0 : i32
    %dma_start3A_93 = arith.constant 0 : i32
    %dma_start3A_94 = arith.constant 0 : i32
    %dma_start3A_95 = tpu.memref_slice %arg8[%dma_start3A_91, %dma_start3A_92, %dma_start3A_93, %dma_start3A_94] : memref<2x4x96x128xf32, #tpu.memory_space<vmem>> -> memref<1x1x96x128xf32, #tpu.memory_space<vmem>>
    %dma_start3A_96 = tpu.memref_squeeze %dma_start3A_95 : memref<1x1x96x128xf32, #tpu.memory_space<vmem>> -> memref<96x128xf32, #tpu.memory_space<vmem>>
    %dma_start3A_97 = arith.constant 0 : i32
    %dma_start3A_98 = tpu.memref_slice %arg6[%dma_start3A_89, %dma_start3A_90, %dma_start3A_97] : memref<2x4x96xi32, #tpu.memory_space<vmem>> -> memref<1x1x96xi32, #tpu.memory_space<vmem>>
    %dma_start3A_99 = tpu.memref_squeeze %dma_start3A_98 : memref<1x1x96xi32, #tpu.memory_space<vmem>> -> memref<96xi32, #tpu.memory_space<vmem>>
    %dma_start3A_100 = arith.constant 0 : i32
    %dma_start3A_101 = arith.constant 0 : i32
    %dma_start3A_102 = tpu.memref_slice %arg2[%dma_start3A_100, %dma_start3A_101] : memref<589824x128xf32, #tpu.memory_space<hbm>> -> memref<589824x128xf32, #tpu.memory_space<hbm>>
    tpu.enqueue_indirect_dma source(%dma_start3A_102 : memref<589824x128xf32, #tpu.memory_space<hbm>>) target(%dma_start3A_96 : memref<96x128xf32, #tpu.memory_space<vmem>>) offsets(%dma_start3A_99 : memref<96xi32, #tpu.memory_space<vmem>>) semaphore(%arg10 : memref<!tpu.dma_semaphore, #tpu.memory_space<semaphore_mem>>)
    %dma_start3A_103 = arith.constant 0 : i32
    %dma_start3A_104 = arith.constant 1 : i32
    %dma_start3A_105 = arith.constant 0 : i32
    %dma_start3A_106 = arith.constant 1 : i32
    %dma_start3A_107 = arith.constant 0 : i32
    %dma_start3A_108 = arith.constant 0 : i32
    %dma_start3A_109 = tpu.memref_slice %arg8[%dma_start3A_105, %dma_start3A_106, %dma_start3A_107, %dma_start3A_108] : memref<2x4x96x128xf32, #tpu.memory_space<vmem>> -> memref<1x1x96x128xf32, #tpu.memory_space<vmem>>
    %dma_start3A_110 = tpu.memref_squeeze %dma_start3A_109 : memref<1x1x96x128xf32, #tpu.memory_space<vmem>> -> memref<96x128xf32, #tpu.memory_space<vmem>>
    %dma_start3A_111 = arith.constant 0 : i32
    %dma_start3A_112 = tpu.memref_slice %arg6[%dma_start3A_103, %dma_start3A_104, %dma_start3A_111] : memref<2x4x96xi32, #tpu.memory_space<vmem>> -> memref<1x1x96xi32, #tpu.memory_space<vmem>>
    %dma_start3A_113 = tpu.memref_squeeze %dma_start3A_112 : memref<1x1x96xi32, #tpu.memory_space<vmem>> -> memref<96xi32, #tpu.memory_space<vmem>>
    %dma_start3A_114 = arith.constant 0 : i32
    %dma_start3A_115 = arith.constant 0 : i32
    %dma_start3A_116 = tpu.memref_slice %arg2[%dma_start3A_114, %dma_start3A_115] : memref<589824x128xf32, #tpu.memory_space<hbm>> -> memref<589824x128xf32, #tpu.memory_space<hbm>>
    tpu.enqueue_indirect_dma source(%dma_start3A_116 : memref<589824x128xf32, #tpu.memory_space<hbm>>) target(%dma_start3A_110 : memref<96x128xf32, #tpu.memory_space<vmem>>) offsets(%dma_start3A_113 : memref<96xi32, #tpu.memory_space<vmem>>) semaphore(%arg10 : memref<!tpu.dma_semaphore, #tpu.memory_space<semaphore_mem>>)
    %dma_start3A_117 = arith.constant 0 : i32
    %dma_start3A_118 = arith.constant 2 : i32
    %dma_start3A_119 = arith.constant 0 : i32
    %dma_start3A_120 = arith.constant 2 : i32
    %dma_start3A_121 = arith.constant 0 : i32
    %dma_start3A_122 = arith.constant 0 : i32
    %dma_start3A_123 = tpu.memref_slice %arg8[%dma_start3A_119, %dma_start3A_120, %dma_start3A_121, %dma_start3A_122] : memref<2x4x96x128xf32, #tpu.memory_space<vmem>> -> memref<1x1x96x128xf32, #tpu.memory_space<vmem>>
    %dma_start3A_124 = tpu.memref_squeeze %dma_start3A_123 : memref<1x1x96x128xf32, #tpu.memory_space<vmem>> -> memref<96x128xf32, #tpu.memory_space<vmem>>
    %dma_start3A_125 = arith.constant 0 : i32
    %dma_start3A_126 = tpu.memref_slice %arg6[%dma_start3A_117, %dma_start3A_118, %dma_start3A_125] : memref<2x4x96xi32, #tpu.memory_space<vmem>> -> memref<1x1x96xi32, #tpu.memory_space<vmem>>
    %dma_start3A_127 = tpu.memref_squeeze %dma_start3A_126 : memref<1x1x96xi32, #tpu.memory_space<vmem>> -> memref<96xi32, #tpu.memory_space<vmem>>
    %dma_start3A_128 = arith.constant 0 : i32
    %dma_start3A_129 = arith.constant 0 : i32
    %dma_start3A_130 = tpu.memref_slice %arg2[%dma_start3A_128, %dma_start3A_129] : memref<589824x128xf32, #tpu.memory_space<hbm>> -> memref<589824x128xf32, #tpu.memory_space<hbm>>
    tpu.enqueue_indirect_dma source(%dma_start3A_130 : memref<589824x128xf32, #tpu.memory_space<hbm>>) target(%dma_start3A_124 : memref<96x128xf32, #tpu.memory_space<vmem>>) offsets(%dma_start3A_127 : memref<96xi32, #tpu.memory_space<vmem>>) semaphore(%arg10 : memref<!tpu.dma_semaphore, #tpu.memory_space<semaphore_mem>>)
    %dma_start3A_131 = arith.constant 0 : i32
    %dma_start3A_132 = arith.constant 3 : i32
    %dma_start3A_133 = arith.constant 0 : i32
    %dma_start3A_134 = arith.constant 3 : i32
    %dma_start3A_135 = arith.constant 0 : i32
    %dma_start3A_136 = arith.constant 0 : i32
    %dma_start3A_137 = tpu.memref_slice %arg8[%dma_start3A_133, %dma_start3A_134, %dma_start3A_135, %dma_start3A_136] : memref<2x4x96x128xf32, #tpu.memory_space<vmem>> -> memref<1x1x96x128xf32, #tpu.memory_space<vmem>>
    %dma_start3A_138 = tpu.memref_squeeze %dma_start3A_137 : memref<1x1x96x128xf32, #tpu.memory_space<vmem>> -> memref<96x128xf32, #tpu.memory_space<vmem>>
    %dma_start3A_139 = arith.constant 0 : i32
    %dma_start3A_140 = tpu.memref_slice %arg6[%dma_start3A_131, %dma_start3A_132, %dma_start3A_139] : memref<2x4x96xi32, #tpu.memory_space<vmem>> -> memref<1x1x96xi32, #tpu.memory_space<vmem>>
    %dma_start3A_141 = tpu.memref_squeeze %dma_start3A_140 : memref<1x1x96xi32, #tpu.memory_space<vmem>> -> memref<96xi32, #tpu.memory_space<vmem>>
    %dma_start3A_142 = arith.constant 0 : i32
    %dma_start3A_143 = arith.constant 0 : i32
    %dma_start3A_144 = tpu.memref_slice %arg2[%dma_start3A_142, %dma_start3A_143] : memref<589824x128xf32, #tpu.memory_space<hbm>> -> memref<589824x128xf32, #tpu.memory_space<hbm>>
    tpu.enqueue_indirect_dma source(%dma_start3A_144 : memref<589824x128xf32, #tpu.memory_space<hbm>>) target(%dma_start3A_138 : memref<96x128xf32, #tpu.memory_space<vmem>>) offsets(%dma_start3A_141 : memref<96xi32, #tpu.memory_space<vmem>>) semaphore(%arg10 : memref<!tpu.dma_semaphore, #tpu.memory_space<semaphore_mem>>)
    %scan3A = arith.constant 0 : i32
    %scan3A_145 = arith.constant 96 : i32
    %scan3A_146 = arith.addi %scan3A, %scan3A_145 : i32
    %scan3A_147 = arith.constant 1 : i32
    scf.for %scan3A_179 = %scan3A to %scan3A_146 step %scan3A_147  : i32 {
      %mul3A_180 = arith.constant 2 : i32
      %mul3A_181 = arith.muli %scan3A_179, %mul3A_180 : i32
      %add3A_182 = arith.constant 0 : i32
      %add3A_183 = arith.addi %add3A_182, %mul3A_181 : i32
      %add3A_184 = arith.constant 0 : i32
      %add3A_185 = arith.addi %add3A_183, %add3A_184 : i32
      %add3A_186 = arith.constant 1 : i32
      %add3A_187 = arith.addi %add3A_185, %add3A_186 : i32
      %lt3A = arith.constant 192 : i32
      %lt3A_188 = arith.cmpi slt, %add3A_187, %lt3A : i32
      %convert_element_type3A = arith.extui %lt3A_188 : i1 to i32
      %cond3A = arith.constant 0 : i32
      %cond3A_189 = arith.cmpi ne, %convert_element_type3A, %cond3A : i32
      scf.if %cond3A_189 {
        %dma_wait3A_396 = arith.constant 1 : i32
        %dma_wait3A_397 = arith.constant 0 : i32
        %dma_wait3A_398 = arith.constant 0 : i32
        %dma_wait3A_399 = tpu.memref_slice %arg6[%dma_wait3A_396, %dma_wait3A_397, %dma_wait3A_398] : memref<2x4x96xi32, #tpu.memory_space<vmem>> -> memref<1x4x96xi32, #tpu.memory_space<vmem>>
        %dma_wait3A_400 = tpu.memref_squeeze %dma_wait3A_399 : memref<1x4x96xi32, #tpu.memory_space<vmem>> -> memref<4x96xi32, #tpu.memory_space<vmem>>
        %dma_wait3A_401 = arith.constant 0 : i32
        %dma_wait3A_402 = arith.constant 0 : i32
        %dma_wait3A_403 = tpu.memref_slice %arg3[%dma_wait3A_401, %dma_wait3A_402] : memref<4x589824xi32, #tpu.memory_space<hbm>> -> memref<4x96xi32, #tpu.memory_space<hbm>>
        %dma_wait3A_404 = arith.constant 0 : i32
        %dma_wait3A_405 = arith.constant 0 : i32
        %dma_wait3A_406 = tpu.memref_slice %arg6[%dma_wait3A_396, %dma_wait3A_404, %dma_wait3A_405] : memref<2x4x96xi32, #tpu.memory_space<vmem>> -> memref<1x4x96xi32, #tpu.memory_space<vmem>>
        %dma_wait3A_407 = tpu.memref_squeeze %dma_wait3A_406 : memref<1x4x96xi32, #tpu.memory_space<vmem>> -> memref<4x96xi32, #tpu.memory_space<vmem>>
        %dma_wait3A_408 = arith.constant 0 : i32
        %dma_wait3A_409 = arith.constant 0 : i32
        %dma_wait3A_410 = tpu.memref_slice %arg3[%dma_wait3A_408, %dma_wait3A_409] : memref<4x589824xi32, #tpu.memory_space<hbm>> -> memref<4x96xi32, #tpu.memory_space<hbm>>
        tpu.wait_dma2 semaphore(%arg13 : memref<!tpu.dma_semaphore, #tpu.memory_space<semaphore_mem>>) src(%dma_wait3A_410 : memref<4x96xi32, #tpu.memory_space<hbm>>) dst(%dma_wait3A_407 : memref<4x96xi32, #tpu.memory_space<vmem>>)
        %dma_wait3A_411 = arith.constant 1 : i32
        %dma_wait3A_412 = arith.constant 0 : i32
        %dma_wait3A_413 = arith.constant 0 : i32
        %dma_wait3A_414 = tpu.memref_slice %arg7[%dma_wait3A_411, %dma_wait3A_412, %dma_wait3A_413] : memref<2x4x96xf32, #tpu.memory_space<vmem>> -> memref<1x4x96xf32, #tpu.memory_space<vmem>>
        %dma_wait3A_415 = tpu.memref_squeeze %dma_wait3A_414 : memref<1x4x96xf32, #tpu.memory_space<vmem>> -> memref<4x96xf32, #tpu.memory_space<vmem>>
        %dma_wait3A_416 = arith.constant 0 : i32
        %dma_wait3A_417 = arith.constant 0 : i32
        %dma_wait3A_418 = tpu.memref_slice %arg4[%dma_wait3A_416, %dma_wait3A_417] : memref<4x589824xf32, #tpu.memory_space<hbm>> -> memref<4x96xf32, #tpu.memory_space<hbm>>
        %dma_wait3A_419 = arith.constant 0 : i32
        %dma_wait3A_420 = arith.constant 0 : i32
        %dma_wait3A_421 = tpu.memref_slice %arg7[%dma_wait3A_411, %dma_wait3A_419, %dma_wait3A_420] : memref<2x4x96xf32, #tpu.memory_space<vmem>> -> memref<1x4x96xf32, #tpu.memory_space<vmem>>
        %dma_wait3A_422 = tpu.memref_squeeze %dma_wait3A_421 : memref<1x4x96xf32, #tpu.memory_space<vmem>> -> memref<4x96xf32, #tpu.memory_space<vmem>>
        %dma_wait3A_423 = arith.constant 0 : i32
        %dma_wait3A_424 = arith.constant 0 : i32
        %dma_wait3A_425 = tpu.memref_slice %arg4[%dma_wait3A_423, %dma_wait3A_424] : memref<4x589824xf32, #tpu.memory_space<hbm>> -> memref<4x96xf32, #tpu.memory_space<hbm>>
        tpu.wait_dma2 semaphore(%arg13 : memref<!tpu.dma_semaphore, #tpu.memory_space<semaphore_mem>>) src(%dma_wait3A_425 : memref<4x96xf32, #tpu.memory_space<hbm>>) dst(%dma_wait3A_422 : memref<4x96xf32, #tpu.memory_space<vmem>>)
        %dma_start3A_426 = arith.constant 1 : i32
        %dma_start3A_427 = arith.constant 0 : i32
        %dma_start3A_428 = arith.constant 1 : i32
        %dma_start3A_429 = arith.constant 0 : i32
        %dma_start3A_430 = arith.constant 0 : i32
        %dma_start3A_431 = arith.constant 0 : i32
        %dma_start3A_432 = tpu.memref_slice %arg8[%dma_start3A_428, %dma_start3A_429, %dma_start3A_430, %dma_start3A_431] : memref<2x4x96x128xf32, #tpu.memory_space<vmem>> -> memref<1x1x96x128xf32, #tpu.memory_space<vmem>>
        %dma_start3A_433 = tpu.memref_squeeze %dma_start3A_432 : memref<1x1x96x128xf32, #tpu.memory_space<vmem>> -> memref<96x128xf32, #tpu.memory_space<vmem>>
        %dma_start3A_434 = arith.constant 0 : i32
        %dma_start3A_435 = tpu.memref_slice %arg6[%dma_start3A_426, %dma_start3A_427, %dma_start3A_434] : memref<2x4x96xi32, #tpu.memory_space<vmem>> -> memref<1x1x96xi32, #tpu.memory_space<vmem>>
        %dma_start3A_436 = tpu.memref_squeeze %dma_start3A_435 : memref<1x1x96xi32, #tpu.memory_space<vmem>> -> memref<96xi32, #tpu.memory_space<vmem>>
        %dma_start3A_437 = arith.constant 0 : i32
        %dma_start3A_438 = arith.constant 0 : i32
        %dma_start3A_439 = tpu.memref_slice %arg2[%dma_start3A_437, %dma_start3A_438] : memref<589824x128xf32, #tpu.memory_space<hbm>> -> memref<589824x128xf32, #tpu.memory_space<hbm>>
        tpu.enqueue_indirect_dma source(%dma_start3A_439 : memref<589824x128xf32, #tpu.memory_space<hbm>>) target(%dma_start3A_433 : memref<96x128xf32, #tpu.memory_space<vmem>>) offsets(%dma_start3A_436 : memref<96xi32, #tpu.memory_space<vmem>>) semaphore(%arg11 : memref<!tpu.dma_semaphore, #tpu.memory_space<semaphore_mem>>)
        %dma_start3A_440 = arith.constant 1 : i32
        %dma_start3A_441 = arith.constant 1 : i32
        %dma_start3A_442 = arith.constant 1 : i32
        %dma_start3A_443 = arith.constant 1 : i32
        %dma_start3A_444 = arith.constant 0 : i32
        %dma_start3A_445 = arith.constant 0 : i32
        %dma_start3A_446 = tpu.memref_slice %arg8[%dma_start3A_442, %dma_start3A_443, %dma_start3A_444, %dma_start3A_445] : memref<2x4x96x128xf32, #tpu.memory_space<vmem>> -> memref<1x1x96x128xf32, #tpu.memory_space<vmem>>
        %dma_start3A_447 = tpu.memref_squeeze %dma_start3A_446 : memref<1x1x96x128xf32, #tpu.memory_space<vmem>> -> memref<96x128xf32, #tpu.memory_space<vmem>>
        %dma_start3A_448 = arith.constant 0 : i32
        %dma_start3A_449 = tpu.memref_slice %arg6[%dma_start3A_440, %dma_start3A_441, %dma_start3A_448] : memref<2x4x96xi32, #tpu.memory_space<vmem>> -> memref<1x1x96xi32, #tpu.memory_space<vmem>>
        %dma_start3A_450 = tpu.memref_squeeze %dma_start3A_449 : memref<1x1x96xi32, #tpu.memory_space<vmem>> -> memref<96xi32, #tpu.memory_space<vmem>>
        %dma_start3A_451 = arith.constant 0 : i32
        %dma_start3A_452 = arith.constant 0 : i32
        %dma_start3A_453 = tpu.memref_slice %arg2[%dma_start3A_451, %dma_start3A_452] : memref<589824x128xf32, #tpu.memory_space<hbm>> -> memref<589824x128xf32, #tpu.memory_space<hbm>>
        tpu.enqueue_indirect_dma source(%dma_start3A_453 : memref<589824x128xf32, #tpu.memory_space<hbm>>) target(%dma_start3A_447 : memref<96x128xf32, #tpu.memory_space<vmem>>) offsets(%dma_start3A_450 : memref<96xi32, #tpu.memory_space<vmem>>) semaphore(%arg11 : memref<!tpu.dma_semaphore, #tpu.memory_space<semaphore_mem>>)
        %dma_start3A_454 = arith.constant 1 : i32
        %dma_start3A_455 = arith.constant 2 : i32
        %dma_start3A_456 = arith.constant 1 : i32
        %dma_start3A_457 = arith.constant 2 : i32
        %dma_start3A_458 = arith.constant 0 : i32
        %dma_start3A_459 = arith.constant 0 : i32
        %dma_start3A_460 = tpu.memref_slice %arg8[%dma_start3A_456, %dma_start3A_457, %dma_start3A_458, %dma_start3A_459] : memref<2x4x96x128xf32, #tpu.memory_space<vmem>> -> memref<1x1x96x128xf32, #tpu.memory_space<vmem>>
        %dma_start3A_461 = tpu.memref_squeeze %dma_start3A_460 : memref<1x1x96x128xf32, #tpu.memory_space<vmem>> -> memref<96x128xf32, #tpu.memory_space<vmem>>
        %dma_start3A_462 = arith.constant 0 : i32
        %dma_start3A_463 = tpu.memref_slice %arg6[%dma_start3A_454, %dma_start3A_455, %dma_start3A_462] : memref<2x4x96xi32, #tpu.memory_space<vmem>> -> memref<1x1x96xi32, #tpu.memory_space<vmem>>
        %dma_start3A_464 = tpu.memref_squeeze %dma_start3A_463 : memref<1x1x96xi32, #tpu.memory_space<vmem>> -> memref<96xi32, #tpu.memory_space<vmem>>
        %dma_start3A_465 = arith.constant 0 : i32
        %dma_start3A_466 = arith.constant 0 : i32
        %dma_start3A_467 = tpu.memref_slice %arg2[%dma_start3A_465, %dma_start3A_466] : memref<589824x128xf32, #tpu.memory_space<hbm>> -> memref<589824x128xf32, #tpu.memory_space<hbm>>
        tpu.enqueue_indirect_dma source(%dma_start3A_467 : memref<589824x128xf32, #tpu.memory_space<hbm>>) target(%dma_start3A_461 : memref<96x128xf32, #tpu.memory_space<vmem>>) offsets(%dma_start3A_464 : memref<96xi32, #tpu.memory_space<vmem>>) semaphore(%arg11 : memref<!tpu.dma_semaphore, #tpu.memory_space<semaphore_mem>>)
        %dma_start3A_468 = arith.constant 1 : i32
        %dma_start3A_469 = arith.constant 3 : i32
        %dma_start3A_470 = arith.constant 1 : i32
        %dma_start3A_471 = arith.constant 3 : i32
        %dma_start3A_472 = arith.constant 0 : i32
        %dma_start3A_473 = arith.constant 0 : i32
        %dma_start3A_474 = tpu.memref_slice %arg8[%dma_start3A_470, %dma_start3A_471, %dma_start3A_472, %dma_start3A_473] : memref<2x4x96x128xf32, #tpu.memory_space<vmem>> -> memref<1x1x96x128xf32, #tpu.memory_space<vmem>>
        %dma_start3A_475 = tpu.memref_squeeze %dma_start3A_474 : memref<1x1x96x128xf32, #tpu.memory_space<vmem>> -> memref<96x128xf32, #tpu.memory_space<vmem>>
        %dma_start3A_476 = arith.constant 0 : i32
        %dma_start3A_477 = tpu.memref_slice %arg6[%dma_start3A_468, %dma_start3A_469, %dma_start3A_476] : memref<2x4x96xi32, #tpu.memory_space<vmem>> -> memref<1x1x96xi32, #tpu.memory_space<vmem>>
        %dma_start3A_478 = tpu.memref_squeeze %dma_start3A_477 : memref<1x1x96xi32, #tpu.memory_space<vmem>> -> memref<96xi32, #tpu.memory_space<vmem>>
        %dma_start3A_479 = arith.constant 0 : i32
        %dma_start3A_480 = arith.constant 0 : i32
        %dma_start3A_481 = tpu.memref_slice %arg2[%dma_start3A_479, %dma_start3A_480] : memref<589824x128xf32, #tpu.memory_space<hbm>> -> memref<589824x128xf32, #tpu.memory_space<hbm>>
        tpu.enqueue_indirect_dma source(%dma_start3A_481 : memref<589824x128xf32, #tpu.memory_space<hbm>>) target(%dma_start3A_475 : memref<96x128xf32, #tpu.memory_space<vmem>>) offsets(%dma_start3A_478 : memref<96xi32, #tpu.memory_space<vmem>>) semaphore(%arg11 : memref<!tpu.dma_semaphore, #tpu.memory_space<semaphore_mem>>)
      } else {
      }
      %dma_wait3A_190 = arith.constant 0 : i32
      %dma_wait3A_191 = arith.constant 0 : i32
      %dma_wait3A_192 = arith.constant 0 : i32
      %dma_wait3A_193 = arith.constant 0 : i32
      %dma_wait3A_194 = tpu.memref_slice %arg8[%dma_wait3A_190, %dma_wait3A_191, %dma_wait3A_192, %dma_wait3A_193] : memref<2x4x96x128xf32, #tpu.memory_space<vmem>> -> memref<1x1x96x128xf32, #tpu.memory_space<vmem>>
      %dma_wait3A_195 = tpu.memref_squeeze %dma_wait3A_194 : memref<1x1x96x128xf32, #tpu.memory_space<vmem>> -> memref<96x128xf32, #tpu.memory_space<vmem>>
      %dma_wait3A_196 = arith.constant 0 : i32
      %dma_wait3A_197 = arith.constant 0 : i32
      %dma_wait3A_198 = tpu.memref_slice %arg2[%dma_wait3A_196, %dma_wait3A_197] : memref<589824x128xf32, #tpu.memory_space<hbm>> -> memref<96x128xf32, #tpu.memory_space<hbm>>
      %dma_wait3A_199 = arith.constant 0 : i32
      %dma_wait3A_200 = arith.constant 0 : i32
      %dma_wait3A_201 = tpu.memref_slice %arg8[%dma_wait3A_190, %dma_wait3A_191, %dma_wait3A_199, %dma_wait3A_200] : memref<2x4x96x128xf32, #tpu.memory_space<vmem>> -> memref<1x1x96x128xf32, #tpu.memory_space<vmem>>
      %dma_wait3A_202 = tpu.memref_squeeze %dma_wait3A_201 : memref<1x1x96x128xf32, #tpu.memory_space<vmem>> -> memref<96x128xf32, #tpu.memory_space<vmem>>
      %dma_wait3A_203 = arith.constant 0 : i32
      %dma_wait3A_204 = arith.constant 0 : i32
      %dma_wait3A_205 = tpu.memref_slice %arg2[%dma_wait3A_203, %dma_wait3A_204] : memref<589824x128xf32, #tpu.memory_space<hbm>> -> memref<96x128xf32, #tpu.memory_space<hbm>>
      tpu.wait_dma2 semaphore(%arg10 : memref<!tpu.dma_semaphore, #tpu.memory_space<semaphore_mem>>) src(%dma_wait3A_205 : memref<96x128xf32, #tpu.memory_space<hbm>>) dst(%dma_wait3A_202 : memref<96x128xf32, #tpu.memory_space<vmem>>)
      %dma_wait3A_206 = arith.constant 0 : i32
      %dma_wait3A_207 = arith.constant 1 : i32
      %dma_wait3A_208 = arith.constant 0 : i32
      %dma_wait3A_209 = arith.constant 0 : i32
      %dma_wait3A_210 = tpu.memref_slice %arg8[%dma_wait3A_206, %dma_wait3A_207, %dma_wait3A_208, %dma_wait3A_209] : memref<2x4x96x128xf32, #tpu.memory_space<vmem>> -> memref<1x1x96x128xf32, #tpu.memory_space<vmem>>
      %dma_wait3A_211 = tpu.memref_squeeze %dma_wait3A_210 : memref<1x1x96x128xf32, #tpu.memory_space<vmem>> -> memref<96x128xf32, #tpu.memory_space<vmem>>
      %dma_wait3A_212 = arith.constant 0 : i32
      %dma_wait3A_213 = arith.constant 0 : i32
      %dma_wait3A_214 = tpu.memref_slice %arg2[%dma_wait3A_212, %dma_wait3A_213] : memref<589824x128xf32, #tpu.memory_space<hbm>> -> memref<96x128xf32, #tpu.memory_space<hbm>>
      %dma_wait3A_215 = arith.constant 0 : i32
      %dma_wait3A_216 = arith.constant 0 : i32
      %dma_wait3A_217 = tpu.memref_slice %arg8[%dma_wait3A_206, %dma_wait3A_207, %dma_wait3A_215, %dma_wait3A_216] : memref<2x4x96x128xf32, #tpu.memory_space<vmem>> -> memref<1x1x96x128xf32, #tpu.memory_space<vmem>>
      %dma_wait3A_218 = tpu.memref_squeeze %dma_wait3A_217 : memref<1x1x96x128xf32, #tpu.memory_space<vmem>> -> memref<96x128xf32, #tpu.memory_space<vmem>>
      %dma_wait3A_219 = arith.constant 0 : i32
      %dma_wait3A_220 = arith.constant 0 : i32
      %dma_wait3A_221 = tpu.memref_slice %arg2[%dma_wait3A_219, %dma_wait3A_220] : memref<589824x128xf32, #tpu.memory_space<hbm>> -> memref<96x128xf32, #tpu.memory_space<hbm>>
      tpu.wait_dma2 semaphore(%arg10 : memref<!tpu.dma_semaphore, #tpu.memory_space<semaphore_mem>>) src(%dma_wait3A_221 : memref<96x128xf32, #tpu.memory_space<hbm>>) dst(%dma_wait3A_218 : memref<96x128xf32, #tpu.memory_space<vmem>>)
      %dma_wait3A_222 = arith.constant 0 : i32
      %dma_wait3A_223 = arith.constant 2 : i32
      %dma_wait3A_224 = arith.constant 0 : i32
      %dma_wait3A_225 = arith.constant 0 : i32
      %dma_wait3A_226 = tpu.memref_slice %arg8[%dma_wait3A_222, %dma_wait3A_223, %dma_wait3A_224, %dma_wait3A_225] : memref<2x4x96x128xf32, #tpu.memory_space<vmem>> -> memref<1x1x96x128xf32, #tpu.memory_space<vmem>>
      %dma_wait3A_227 = tpu.memref_squeeze %dma_wait3A_226 : memref<1x1x96x128xf32, #tpu.memory_space<vmem>> -> memref<96x128xf32, #tpu.memory_space<vmem>>
      %dma_wait3A_228 = arith.constant 0 : i32
      %dma_wait3A_229 = arith.constant 0 : i32
      %dma_wait3A_230 = tpu.memref_slice %arg2[%dma_wait3A_228, %dma_wait3A_229] : memref<589824x128xf32, #tpu.memory_space<hbm>> -> memref<96x128xf32, #tpu.memory_space<hbm>>
      %dma_wait3A_231 = arith.constant 0 : i32
      %dma_wait3A_232 = arith.constant 0 : i32
      %dma_wait3A_233 = tpu.memref_slice %arg8[%dma_wait3A_222, %dma_wait3A_223, %dma_wait3A_231, %dma_wait3A_232] : memref<2x4x96x128xf32, #tpu.memory_space<vmem>> -> memref<1x1x96x128xf32, #tpu.memory_space<vmem>>
      %dma_wait3A_234 = tpu.memref_squeeze %dma_wait3A_233 : memref<1x1x96x128xf32, #tpu.memory_space<vmem>> -> memref<96x128xf32, #tpu.memory_space<vmem>>
      %dma_wait3A_235 = arith.constant 0 : i32
      %dma_wait3A_236 = arith.constant 0 : i32
      %dma_wait3A_237 = tpu.memref_slice %arg2[%dma_wait3A_235, %dma_wait3A_236] : memref<589824x128xf32, #tpu.memory_space<hbm>> -> memref<96x128xf32, #tpu.memory_space<hbm>>
      tpu.wait_dma2 semaphore(%arg10 : memref<!tpu.dma_semaphore, #tpu.memory_space<semaphore_mem>>) src(%dma_wait3A_237 : memref<96x128xf32, #tpu.memory_space<hbm>>) dst(%dma_wait3A_234 : memref<96x128xf32, #tpu.memory_space<vmem>>)
      %dma_wait3A_238 = arith.constant 0 : i32
      %dma_wait3A_239 = arith.constant 3 : i32
      %dma_wait3A_240 = arith.constant 0 : i32
      %dma_wait3A_241 = arith.constant 0 : i32
      %dma_wait3A_242 = tpu.memref_slice %arg8[%dma_wait3A_238, %dma_wait3A_239, %dma_wait3A_240, %dma_wait3A_241] : memref<2x4x96x128xf32, #tpu.memory_space<vmem>> -> memref<1x1x96x128xf32, #tpu.memory_space<vmem>>
      %dma_wait3A_243 = tpu.memref_squeeze %dma_wait3A_242 : memref<1x1x96x128xf32, #tpu.memory_space<vmem>> -> memref<96x128xf32, #tpu.memory_space<vmem>>
      %dma_wait3A_244 = arith.constant 0 : i32
      %dma_wait3A_245 = arith.constant 0 : i32
      %dma_wait3A_246 = tpu.memref_slice %arg2[%dma_wait3A_244, %dma_wait3A_245] : memref<589824x128xf32, #tpu.memory_space<hbm>> -> memref<96x128xf32, #tpu.memory_space<hbm>>
      %dma_wait3A_247 = arith.constant 0 : i32
      %dma_wait3A_248 = arith.constant 0 : i32
      %dma_wait3A_249 = tpu.memref_slice %arg8[%dma_wait3A_238, %dma_wait3A_239, %dma_wait3A_247, %dma_wait3A_248] : memref<2x4x96x128xf32, #tpu.memory_space<vmem>> -> memref<1x1x96x128xf32, #tpu.memory_space<vmem>>
      %dma_wait3A_250 = tpu.memref_squeeze %dma_wait3A_249 : memref<1x1x96x128xf32, #tpu.memory_space<vmem>> -> memref<96x128xf32, #tpu.memory_space<vmem>>
      %dma_wait3A_251 = arith.constant 0 : i32
      %dma_wait3A_252 = arith.constant 0 : i32
      %dma_wait3A_253 = tpu.memref_slice %arg2[%dma_wait3A_251, %dma_wait3A_252] : memref<589824x128xf32, #tpu.memory_space<hbm>> -> memref<96x128xf32, #tpu.memory_space<hbm>>
      tpu.wait_dma2 semaphore(%arg10 : memref<!tpu.dma_semaphore, #tpu.memory_space<semaphore_mem>>) src(%dma_wait3A_253 : memref<96x128xf32, #tpu.memory_space<hbm>>) dst(%dma_wait3A_250 : memref<96x128xf32, #tpu.memory_space<vmem>>)
      %ge3A = arith.constant 2 : i32
      %ge3A_254 = arith.cmpi sge, %add3A_185, %ge3A : i32
      %convert_element_type3A_255 = arith.extui %ge3A_254 : i1 to i32
      %cond3A_256 = arith.constant 0 : i32
      %cond3A_257 = arith.cmpi ne, %convert_element_type3A_255, %cond3A_256 : i32
      scf.if %cond3A_257 {
        %dma_wait3A_396 = arith.constant 0 : i32
        %dma_wait3A_397 = arith.constant 0 : i32
        %dma_wait3A_398 = arith.constant 0 : i32
        %dma_wait3A_399 = tpu.memref_slice %arg9[%dma_wait3A_396, %dma_wait3A_397, %dma_wait3A_398] : memref<2x96x128xf32, #tpu.memory_space<vmem>> -> memref<1x96x128xf32, #tpu.memory_space<vmem>>
        %dma_wait3A_400 = tpu.memref_squeeze %dma_wait3A_399 : memref<1x96x128xf32, #tpu.memory_space<vmem>> -> memref<96x128xf32, #tpu.memory_space<vmem>>
        %dma_wait3A_401 = arith.constant 0 : i32
        %dma_wait3A_402 = arith.constant 0 : i32
        %dma_wait3A_403 = tpu.memref_slice %arg5[%dma_wait3A_401, %dma_wait3A_402] : memref<589824x128xf32, #tpu.memory_space<hbm>> -> memref<96x128xf32, #tpu.memory_space<hbm>>
        %dma_wait3A_404 = arith.constant 0 : i32
        %dma_wait3A_405 = arith.constant 0 : i32
        %dma_wait3A_406 = tpu.memref_slice %arg5[%dma_wait3A_404, %dma_wait3A_405] : memref<589824x128xf32, #tpu.memory_space<hbm>> -> memref<96x128xf32, #tpu.memory_space<hbm>>
        %dma_wait3A_407 = arith.constant 0 : i32
        %dma_wait3A_408 = arith.constant 0 : i32
        %dma_wait3A_409 = tpu.memref_slice %arg9[%dma_wait3A_396, %dma_wait3A_407, %dma_wait3A_408] : memref<2x96x128xf32, #tpu.memory_space<vmem>> -> memref<1x96x128xf32, #tpu.memory_space<vmem>>
        %dma_wait3A_410 = tpu.memref_squeeze %dma_wait3A_409 : memref<1x96x128xf32, #tpu.memory_space<vmem>> -> memref<96x128xf32, #tpu.memory_space<vmem>>
        tpu.wait_dma2 semaphore(%arg14 : memref<!tpu.dma_semaphore, #tpu.memory_space<semaphore_mem>>) src(%dma_wait3A_410 : memref<96x128xf32, #tpu.memory_space<vmem>>) dst(%dma_wait3A_406 : memref<96x128xf32, #tpu.memory_space<hbm>>)
      } else {
      }
      %scan3A_258 = arith.constant 0 : i32
      %scan3A_259 = arith.constant 96 : i32
      %scan3A_260 = arith.addi %scan3A_258, %scan3A_259 : i32
      %scan3A_261 = arith.constant 1 : i32
      scf.for %scan3A_396 = %scan3A_258 to %scan3A_260 step %scan3A_261  : i32 {
        %mul3A_397 = arith.constant 1 : i32
        %mul3A_398 = arith.muli %scan3A_396, %mul3A_397 : i32
        %add3A_399 = arith.constant 0 : i32
        %add3A_400 = arith.addi %add3A_399, %mul3A_398 : i32
        %broadcast_in_dim3A = vector.broadcast %add3A_400 : i32 to vector<16xi32>
        %gather3A = arith.constant 0 : i32
        %gather3A_401 = arith.constant 0 : i32
        %gather3A_402 = arith.constant 0 : i32
        %gather3A_403 = tpu.memref_slice %arg7[%gather3A, %gather3A_401, %gather3A_402] : memref<2x4x96xf32, #tpu.memory_space<vmem>> -> memref<1x1x96xf32, #tpu.memory_space<vmem>>
        %gather3A_404 = tpu.memref_squeeze %gather3A_403 : memref<1x1x96xf32, #tpu.memory_space<vmem>> -> memref<96xf32, #tpu.memory_space<vmem>>
        %gather3A_405 = tpu.vector_load_idx %gather3A_404[%broadcast_in_dim3A] : memref<96xf32, #tpu.memory_space<vmem>>[vector<16xi32>], vector<16xf32>,
        %gather3A_406 = arith.constant 0 : i32
        %gather3A_407 = arith.constant 1 : i32
        %gather3A_408 = arith.constant 0 : i32
        %gather3A_409 = tpu.memref_slice %arg7[%gather3A_406, %gather3A_407, %gather3A_408] : memref<2x4x96xf32, #tpu.memory_space<vmem>> -> memref<1x1x96xf32, #tpu.memory_space<vmem>>
        %gather3A_410 = tpu.memref_squeeze %gather3A_409 : memref<1x1x96xf32, #tpu.memory_space<vmem>> -> memref<96xf32, #tpu.memory_space<vmem>>
        %gather3A_411 = tpu.vector_load_idx %gather3A_410[%broadcast_in_dim3A] : memref<96xf32, #tpu.memory_space<vmem>>[vector<16xi32>], vector<16xf32>,
        %gather3A_412 = arith.constant 0 : i32
        %gather3A_413 = arith.constant 2 : i32
        %gather3A_414 = arith.constant 0 : i32
        %gather3A_415 = tpu.memref_slice %arg7[%gather3A_412, %gather3A_413, %gather3A_414] : memref<2x4x96xf32, #tpu.memory_space<vmem>> -> memref<1x1x96xf32, #tpu.memory_space<vmem>>
        %gather3A_416 = tpu.memref_squeeze %gather3A_415 : memref<1x1x96xf32, #tpu.memory_space<vmem>> -> memref<96xf32, #tpu.memory_space<vmem>>
        %gather3A_417 = tpu.vector_load_idx %gather3A_416[%broadcast_in_dim3A] : memref<96xf32, #tpu.memory_space<vmem>>[vector<16xi32>], vector<16xf32>,
        %gather3A_418 = arith.constant 0 : i32
        %gather3A_419 = arith.constant 3 : i32
        %gather3A_420 = arith.constant 0 : i32
        %gather3A_421 = tpu.memref_slice %arg7[%gather3A_418, %gather3A_419, %gather3A_420] : memref<2x4x96xf32, #tpu.memory_space<vmem>> -> memref<1x1x96xf32, #tpu.memory_space<vmem>>
        %gather3A_422 = tpu.memref_squeeze %gather3A_421 : memref<1x1x96xf32, #tpu.memory_space<vmem>> -> memref<96xf32, #tpu.memory_space<vmem>>
        %gather3A_423 = tpu.vector_load_idx %gather3A_422[%broadcast_in_dim3A] : memref<96xf32, #tpu.memory_space<vmem>>[vector<16xi32>], vector<16xf32>,
        %get3A = arith.constant 0 : i32
        %get3A_424 = arith.constant 0 : i32
        %get3A_425 = arith.index_cast %get3A : i32 to index
        %get3A_426 = arith.index_cast %get3A_424 : i32 to index
        %get3A_427 = arith.index_cast %add3A_400 : i32 to index
        %get3A_428 = arith.constant 0 : index
        %get3A_429 = tpu.vector_load %arg8[%get3A_425, %get3A_426, %get3A_427, %get3A_428] {strides = array<i32>} : memref<2x4x96x128xf32, #tpu.memory_space<vmem>>, vector<16xf32>,
        %mul3A_430 = arith.mulf %gather3A_405, %get3A_429 : vector<16xf32>
        %get3A_431 = arith.constant 0 : i32
        %get3A_432 = arith.constant 1 : i32
        %get3A_433 = arith.index_cast %get3A_431 : i32 to index
        %get3A_434 = arith.index_cast %get3A_432 : i32 to index
        %get3A_435 = arith.index_cast %add3A_400 : i32 to index
        %get3A_436 = arith.constant 0 : index
        %get3A_437 = tpu.vector_load %arg8[%get3A_433, %get3A_434, %get3A_435, %get3A_436] {strides = array<i32>} : memref<2x4x96x128xf32, #tpu.memory_space<vmem>>, vector<16xf32>,
        %mul3A_438 = arith.mulf %gather3A_411, %get3A_437 : vector<16xf32>
        %add3A_439 = arith.addf %mul3A_430, %mul3A_438 : vector<16xf32>
        %get3A_440 = arith.constant 0 : i32
        %get3A_441 = arith.constant 2 : i32
        %get3A_442 = arith.index_cast %get3A_440 : i32 to index
        %get3A_443 = arith.index_cast %get3A_441 : i32 to index
        %get3A_444 = arith.index_cast %add3A_400 : i32 to index
        %get3A_445 = arith.constant 0 : index
        %get3A_446 = tpu.vector_load %arg8[%get3A_442, %get3A_443, %get3A_444, %get3A_445] {strides = array<i32>} : memref<2x4x96x128xf32, #tpu.memory_space<vmem>>, vector<16xf32>,
        %mul3A_447 = arith.mulf %gather3A_417, %get3A_446 : vector<16xf32>
        %add3A_448 = arith.addf %add3A_439, %mul3A_447 : vector<16xf32>
        %get3A_449 = arith.constant 0 : i32
        %get3A_450 = arith.constant 3 : i32
        %get3A_451 = arith.index_cast %get3A_449 : i32 to index
        %get3A_452 = arith.index_cast %get3A_450 : i32 to index
        %get3A_453 = arith.index_cast %add3A_400 : i32 to index
        %get3A_454 = arith.constant 0 : index
        %get3A_455 = tpu.vector_load %arg8[%get3A_451, %get3A_452, %get3A_453, %get3A_454] {strides = array<i32>} : memref<2x4x96x128xf32, #tpu.memory_space<vmem>>, vector<16xf32>,
        %mul3A_456 = arith.mulf %gather3A_423, %get3A_455 : vector<16xf32>
        %add3A_457 = arith.addf %add3A_448, %mul3A_456 : vector<16xf32>
        %swap3A = arith.constant 0 : i32
        %swap3A_458 = arith.index_cast %swap3A : i32 to index
        %swap3A_459 = arith.index_cast %add3A_400 : i32 to index
        %swap3A_460 = arith.constant 0 : index
        %swap3A_461 = tpu.vector_load %arg9[%swap3A_458, %swap3A_459, %swap3A_460] {strides = array<i32>} : memref<2x96x128xf32, #tpu.memory_space<vmem>>, vector<16xf32>,
        tpu.vector_store %arg9[%swap3A_458, %swap3A_459, %swap3A_460], %add3A_457 {strides = array<i32>} : memref<2x96x128xf32, #tpu.memory_space<vmem>>, vector<16xf32>,
        %get3A_462 = arith.constant 0 : i32
        %get3A_463 = arith.constant 0 : i32
        %get3A_464 = arith.index_cast %get3A_462 : i32 to index
        %get3A_465 = arith.index_cast %get3A_463 : i32 to index
        %get3A_466 = arith.index_cast %add3A_400 : i32 to index
        %get3A_467 = arith.constant 16 : index
        %get3A_468 = tpu.vector_load %arg8[%get3A_464, %get3A_465, %get3A_466, %get3A_467] {strides = array<i32>} : memref<2x4x96x128xf32, #tpu.memory_space<vmem>>, vector<16xf32>,
        %mul3A_469 = arith.mulf %gather3A_405, %get3A_468 : vector<16xf32>
        %get3A_470 = arith.constant 0 : i32
        %get3A_471 = arith.constant 1 : i32
        %get3A_472 = arith.index_cast %get3A_470 : i32 to index
        %get3A_473 = arith.index_cast %get3A_471 : i32 to index
        %get3A_474 = arith.index_cast %add3A_400 : i32 to index
        %get3A_475 = arith.constant 16 : index
        %get3A_476 = tpu.vector_load %arg8[%get3A_472, %get3A_473, %get3A_474, %get3A_475] {strides = array<i32>} : memref<2x4x96x128xf32, #tpu.memory_space<vmem>>, vector<16xf32>,
        %mul3A_477 = arith.mulf %gather3A_411, %get3A_476 : vector<16xf32>
        %add3A_478 = arith.addf %mul3A_469, %mul3A_477 : vector<16xf32>
        %get3A_479 = arith.constant 0 : i32
        %get3A_480 = arith.constant 2 : i32
        %get3A_481 = arith.index_cast %get3A_479 : i32 to index
        %get3A_482 = arith.index_cast %get3A_480 : i32 to index
        %get3A_483 = arith.index_cast %add3A_400 : i32 to index
        %get3A_484 = arith.constant 16 : index
        %get3A_485 = tpu.vector_load %arg8[%get3A_481, %get3A_482, %get3A_483, %get3A_484] {strides = array<i32>} : memref<2x4x96x128xf32, #tpu.memory_space<vmem>>, vector<16xf32>,
        %mul3A_486 = arith.mulf %gather3A_417, %get3A_485 : vector<16xf32>
        %add3A_487 = arith.addf %add3A_478, %mul3A_486 : vector<16xf32>
        %get3A_488 = arith.constant 0 : i32
        %get3A_489 = arith.constant 3 : i32
        %get3A_490 = arith.index_cast %get3A_488 : i32 to index
        %get3A_491 = arith.index_cast %get3A_489 : i32 to index
        %get3A_492 = arith.index_cast %add3A_400 : i32 to index
        %get3A_493 = arith.constant 16 : index
        %get3A_494 = tpu.vector_load %arg8[%get3A_490, %get3A_491, %get3A_492, %get3A_493] {strides = array<i32>} : memref<2x4x96x128xf32, #tpu.memory_space<vmem>>, vector<16xf32>,
        %mul3A_495 = arith.mulf %gather3A_423, %get3A_494 : vector<16xf32>
        %add3A_496 = arith.addf %add3A_487, %mul3A_495 : vector<16xf32>
        %swap3A_497 = arith.constant 0 : i32
        %swap3A_498 = arith.index_cast %swap3A_497 : i32 to index
        %swap3A_499 = arith.index_cast %add3A_400 : i32 to index
        %swap3A_500 = arith.constant 16 : index
        %swap3A_501 = tpu.vector_load %arg9[%swap3A_498, %swap3A_499, %swap3A_500] {strides = array<i32>} : memref<2x96x128xf32, #tpu.memory_space<vmem>>, vector<16xf32>,
        tpu.vector_store %arg9[%swap3A_498, %swap3A_499, %swap3A_500], %add3A_496 {strides = array<i32>} : memref<2x96x128xf32, #tpu.memory_space<vmem>>, vector<16xf32>,
        %get3A_502 = arith.constant 0 : i32
        %get3A_503 = arith.constant 0 : i32
        %get3A_504 = arith.index_cast %get3A_502 : i32 to index
        %get3A_505 = arith.index_cast %get3A_503 : i32 to index
        %get3A_506 = arith.index_cast %add3A_400 : i32 to index
        %get3A_507 = arith.constant 32 : index
        %get3A_508 = tpu.vector_load %arg8[%get3A_504, %get3A_505, %get3A_506, %get3A_507] {strides = array<i32>} : memref<2x4x96x128xf32, #tpu.memory_space<vmem>>, vector<16xf32>,
        %mul3A_509 = arith.mulf %gather3A_405, %get3A_508 : vector<16xf32>
        %get3A_510 = arith.constant 0 : i32
        %get3A_511 = arith.constant 1 : i32
        %get3A_512 = arith.index_cast %get3A_510 : i32 to index
        %get3A_513 = arith.index_cast %get3A_511 : i32 to index
        %get3A_514 = arith.index_cast %add3A_400 : i32 to index
        %get3A_515 = arith.constant 32 : index
        %get3A_516 = tpu.vector_load %arg8[%get3A_512, %get3A_513, %get3A_514, %get3A_515] {strides = array<i32>} : memref<2x4x96x128xf32, #tpu.memory_space<vmem>>, vector<16xf32>,
        %mul3A_517 = arith.mulf %gather3A_411, %get3A_516 : vector<16xf32>
        %add3A_518 = arith.addf %mul3A_509, %mul3A_517 : vector<16xf32>
        %get3A_519 = arith.constant 0 : i32
        %get3A_520 = arith.constant 2 : i32
        %get3A_521 = arith.index_cast %get3A_519 : i32 to index
        %get3A_522 = arith.index_cast %get3A_520 : i32 to index
        %get3A_523 = arith.index_cast %add3A_400 : i32 to index
        %get3A_524 = arith.constant 32 : index
        %get3A_525 = tpu.vector_load %arg8[%get3A_521, %get3A_522, %get3A_523, %get3A_524] {strides = array<i32>} : memref<2x4x96x128xf32, #tpu.memory_space<vmem>>, vector<16xf32>,
        %mul3A_526 = arith.mulf %gather3A_417, %get3A_525 : vector<16xf32>
        %add3A_527 = arith.addf %add3A_518, %mul3A_526 : vector<16xf32>
        %get3A_528 = arith.constant 0 : i32
        %get3A_529 = arith.constant 3 : i32
        %get3A_530 = arith.index_cast %get3A_528 : i32 to index
        %get3A_531 = arith.index_cast %get3A_529 : i32 to index
        %get3A_532 = arith.index_cast %add3A_400 : i32 to index
        %get3A_533 = arith.constant 32 : index
        %get3A_534 = tpu.vector_load %arg8[%get3A_530, %get3A_531, %get3A_532, %get3A_533] {strides = array<i32>} : memref<2x4x96x128xf32, #tpu.memory_space<vmem>>, vector<16xf32>,
        %mul3A_535 = arith.mulf %gather3A_423, %get3A_534 : vector<16xf32>
        %add3A_536 = arith.addf %add3A_527, %mul3A_535 : vector<16xf32>
        %swap3A_537 = arith.constant 0 : i32
        %swap3A_538 = arith.index_cast %swap3A_537 : i32 to index
        %swap3A_539 = arith.index_cast %add3A_400 : i32 to index
        %swap3A_540 = arith.constant 32 : index
        %swap3A_541 = tpu.vector_load %arg9[%swap3A_538, %swap3A_539, %swap3A_540] {strides = array<i32>} : memref<2x96x128xf32, #tpu.memory_space<vmem>>, vector<16xf32>,
        tpu.vector_store %arg9[%swap3A_538, %swap3A_539, %swap3A_540], %add3A_536 {strides = array<i32>} : memref<2x96x128xf32, #tpu.memory_space<vmem>>, vector<16xf32>,
        %get3A_542 = arith.constant 0 : i32
        %get3A_543 = arith.constant 0 : i32
        %get3A_544 = arith.index_cast %get3A_542 : i32 to index
        %get3A_545 = arith.index_cast %get3A_543 : i32 to index
        %get3A_546 = arith.index_cast %add3A_400 : i32 to index
        %get3A_547 = arith.constant 48 : index
        %get3A_548 = tpu.vector_load %arg8[%get3A_544, %get3A_545, %get3A_546, %get3A_547] {strides = array<i32>} : memref<2x4x96x128xf32, #tpu.memory_space<vmem>>, vector<16xf32>,
        %mul3A_549 = arith.mulf %gather3A_405, %get3A_548 : vector<16xf32>
        %get3A_550 = arith.constant 0 : i32
        %get3A_551 = arith.constant 1 : i32
        %get3A_552 = arith.index_cast %get3A_550 : i32 to index
        %get3A_553 = arith.index_cast %get3A_551 : i32 to index
        %get3A_554 = arith.index_cast %add3A_400 : i32 to index
        %get3A_555 = arith.constant 48 : index
        %get3A_556 = tpu.vector_load %arg8[%get3A_552, %get3A_553, %get3A_554, %get3A_555] {strides = array<i32>} : memref<2x4x96x128xf32, #tpu.memory_space<vmem>>, vector<16xf32>,
        %mul3A_557 = arith.mulf %gather3A_411, %get3A_556 : vector<16xf32>
        %add3A_558 = arith.addf %mul3A_549, %mul3A_557 : vector<16xf32>
        %get3A_559 = arith.constant 0 : i32
        %get3A_560 = arith.constant 2 : i32
        %get3A_561 = arith.index_cast %get3A_559 : i32 to index
        %get3A_562 = arith.index_cast %get3A_560 : i32 to index
        %get3A_563 = arith.index_cast %add3A_400 : i32 to index
        %get3A_564 = arith.constant 48 : index
        %get3A_565 = tpu.vector_load %arg8[%get3A_561, %get3A_562, %get3A_563, %get3A_564] {strides = array<i32>} : memref<2x4x96x128xf32, #tpu.memory_space<vmem>>, vector<16xf32>,
        %mul3A_566 = arith.mulf %gather3A_417, %get3A_565 : vector<16xf32>
        %add3A_567 = arith.addf %add3A_558, %mul3A_566 : vector<16xf32>
        %get3A_568 = arith.constant 0 : i32
        %get3A_569 = arith.constant 3 : i32
        %get3A_570 = arith.index_cast %get3A_568 : i32 to index
        %get3A_571 = arith.index_cast %get3A_569 : i32 to index
        %get3A_572 = arith.index_cast %add3A_400 : i32 to index
        %get3A_573 = arith.constant 48 : index
        %get3A_574 = tpu.vector_load %arg8[%get3A_570, %get3A_571, %get3A_572, %get3A_573] {strides = array<i32>} : memref<2x4x96x128xf32, #tpu.memory_space<vmem>>, vector<16xf32>,
        %mul3A_575 = arith.mulf %gather3A_423, %get3A_574 : vector<16xf32>
        %add3A_576 = arith.addf %add3A_567, %mul3A_575 : vector<16xf32>
        %swap3A_577 = arith.constant 0 : i32
        %swap3A_578 = arith.index_cast %swap3A_577 : i32 to index
        %swap3A_579 = arith.index_cast %add3A_400 : i32 to index
        %swap3A_580 = arith.constant 48 : index
        %swap3A_581 = tpu.vector_load %arg9[%swap3A_578, %swap3A_579, %swap3A_580] {strides = array<i32>} : memref<2x96x128xf32, #tpu.memory_space<vmem>>, vector<16xf32>,
        tpu.vector_store %arg9[%swap3A_578, %swap3A_579, %swap3A_580], %add3A_576 {strides = array<i32>} : memref<2x96x128xf32, #tpu.memory_space<vmem>>, vector<16xf32>,
        %get3A_582 = arith.constant 0 : i32
        %get3A_583 = arith.constant 0 : i32
        %get3A_584 = arith.index_cast %get3A_582 : i32 to index
        %get3A_585 = arith.index_cast %get3A_583 : i32 to index
        %get3A_586 = arith.index_cast %add3A_400 : i32 to index
        %get3A_587 = arith.constant 64 : index
        %get3A_588 = tpu.vector_load %arg8[%get3A_584, %get3A_585, %get3A_586, %get3A_587] {strides = array<i32>} : memref<2x4x96x128xf32, #tpu.memory_space<vmem>>, vector<16xf32>,
        %mul3A_589 = arith.mulf %gather3A_405, %get3A_588 : vector<16xf32>
        %get3A_590 = arith.constant 0 : i32
        %get3A_591 = arith.constant 1 : i32
        %get3A_592 = arith.index_cast %get3A_590 : i32 to index
        %get3A_593 = arith.index_cast %get3A_591 : i32 to index
        %get3A_594 = arith.index_cast %add3A_400 : i32 to index
        %get3A_595 = arith.constant 64 : index
        %get3A_596 = tpu.vector_load %arg8[%get3A_592, %get3A_593, %get3A_594, %get3A_595] {strides = array<i32>} : memref<2x4x96x128xf32, #tpu.memory_space<vmem>>, vector<16xf32>,
        %mul3A_597 = arith.mulf %gather3A_411, %get3A_596 : vector<16xf32>
        %add3A_598 = arith.addf %mul3A_589, %mul3A_597 : vector<16xf32>
        %get3A_599 = arith.constant 0 : i32
        %get3A_600 = arith.constant 2 : i32
        %get3A_601 = arith.index_cast %get3A_599 : i32 to index
        %get3A_602 = arith.index_cast %get3A_600 : i32 to index
        %get3A_603 = arith.index_cast %add3A_400 : i32 to index
        %get3A_604 = arith.constant 64 : index
        %get3A_605 = tpu.vector_load %arg8[%get3A_601, %get3A_602, %get3A_603, %get3A_604] {strides = array<i32>} : memref<2x4x96x128xf32, #tpu.memory_space<vmem>>, vector<16xf32>,
        %mul3A_606 = arith.mulf %gather3A_417, %get3A_605 : vector<16xf32>
        %add3A_607 = arith.addf %add3A_598, %mul3A_606 : vector<16xf32>
        %get3A_608 = arith.constant 0 : i32
        %get3A_609 = arith.constant 3 : i32
        %get3A_610 = arith.index_cast %get3A_608 : i32 to index
        %get3A_611 = arith.index_cast %get3A_609 : i32 to index
        %get3A_612 = arith.index_cast %add3A_400 : i32 to index
        %get3A_613 = arith.constant 64 : index
        %get3A_614 = tpu.vector_load %arg8[%get3A_610, %get3A_611, %get3A_612, %get3A_613] {strides = array<i32>} : memref<2x4x96x128xf32, #tpu.memory_space<vmem>>, vector<16xf32>,
        %mul3A_615 = arith.mulf %gather3A_423, %get3A_614 : vector<16xf32>
        %add3A_616 = arith.addf %add3A_607, %mul3A_615 : vector<16xf32>
        %swap3A_617 = arith.constant 0 : i32
        %swap3A_618 = arith.index_cast %swap3A_617 : i32 to index
        %swap3A_619 = arith.index_cast %add3A_400 : i32 to index
        %swap3A_620 = arith.constant 64 : index
        %swap3A_621 = tpu.vector_load %arg9[%swap3A_618, %swap3A_619, %swap3A_620] {strides = array<i32>} : memref<2x96x128xf32, #tpu.memory_space<vmem>>, vector<16xf32>,
        tpu.vector_store %arg9[%swap3A_618, %swap3A_619, %swap3A_620], %add3A_616 {strides = array<i32>} : memref<2x96x128xf32, #tpu.memory_space<vmem>>, vector<16xf32>,
        %get3A_622 = arith.constant 0 : i32
        %get3A_623 = arith.constant 0 : i32
        %get3A_624 = arith.index_cast %get3A_622 : i32 to index
        %get3A_625 = arith.index_cast %get3A_623 : i32 to index
        %get3A_626 = arith.index_cast %add3A_400 : i32 to index
        %get3A_627 = arith.constant 80 : index
        %get3A_628 = tpu.vector_load %arg8[%get3A_624, %get3A_625, %get3A_626, %get3A_627] {strides = array<i32>} : memref<2x4x96x128xf32, #tpu.memory_space<vmem>>, vector<16xf32>,
        %mul3A_629 = arith.mulf %gather3A_405, %get3A_628 : vector<16xf32>
        %get3A_630 = arith.constant 0 : i32
        %get3A_631 = arith.constant 1 : i32
        %get3A_632 = arith.index_cast %get3A_630 : i32 to index
        %get3A_633 = arith.index_cast %get3A_631 : i32 to index
        %get3A_634 = arith.index_cast %add3A_400 : i32 to index
        %get3A_635 = arith.constant 80 : index
        %get3A_636 = tpu.vector_load %arg8[%get3A_632, %get3A_633, %get3A_634, %get3A_635] {strides = array<i32>} : memref<2x4x96x128xf32, #tpu.memory_space<vmem>>, vector<16xf32>,
        %mul3A_637 = arith.mulf %gather3A_411, %get3A_636 : vector<16xf32>
        %add3A_638 = arith.addf %mul3A_629, %mul3A_637 : vector<16xf32>
        %get3A_639 = arith.constant 0 : i32
        %get3A_640 = arith.constant 2 : i32
        %get3A_641 = arith.index_cast %get3A_639 : i32 to index
        %get3A_642 = arith.index_cast %get3A_640 : i32 to index
        %get3A_643 = arith.index_cast %add3A_400 : i32 to index
        %get3A_644 = arith.constant 80 : index
        %get3A_645 = tpu.vector_load %arg8[%get3A_641, %get3A_642, %get3A_643, %get3A_644] {strides = array<i32>} : memref<2x4x96x128xf32, #tpu.memory_space<vmem>>, vector<16xf32>,
        %mul3A_646 = arith.mulf %gather3A_417, %get3A_645 : vector<16xf32>
        %add3A_647 = arith.addf %add3A_638, %mul3A_646 : vector<16xf32>
        %get3A_648 = arith.constant 0 : i32
        %get3A_649 = arith.constant 3 : i32
        %get3A_650 = arith.index_cast %get3A_648 : i32 to index
        %get3A_651 = arith.index_cast %get3A_649 : i32 to index
        %get3A_652 = arith.index_cast %add3A_400 : i32 to index
        %get3A_653 = arith.constant 80 : index
        %get3A_654 = tpu.vector_load %arg8[%get3A_650, %get3A_651, %get3A_652, %get3A_653] {strides = array<i32>} : memref<2x4x96x128xf32, #tpu.memory_space<vmem>>, vector<16xf32>,
        %mul3A_655 = arith.mulf %gather3A_423, %get3A_654 : vector<16xf32>
        %add3A_656 = arith.addf %add3A_647, %mul3A_655 : vector<16xf32>
        %swap3A_657 = arith.constant 0 : i32
        %swap3A_658 = arith.index_cast %swap3A_657 : i32 to index
        %swap3A_659 = arith.index_cast %add3A_400 : i32 to index
        %swap3A_660 = arith.constant 80 : index
        %swap3A_661 = tpu.vector_load %arg9[%swap3A_658, %swap3A_659, %swap3A_660] {strides = array<i32>} : memref<2x96x128xf32, #tpu.memory_space<vmem>>, vector<16xf32>,
        tpu.vector_store %arg9[%swap3A_658, %swap3A_659, %swap3A_660], %add3A_656 {strides = array<i32>} : memref<2x96x128xf32, #tpu.memory_space<vmem>>, vector<16xf32>,
      }
      %scan3A_262 = arith.constant 96 : i32
      %mul3A_263 = arith.constant 18432 : i32
      %mul3A_264 = arith.muli %add3A, %mul3A_263 : i32
      %mul3A_265 = arith.constant 96 : i32
      %mul3A_266 = arith.muli %add3A_185, %mul3A_265 : i32
      %add3A_267 = arith.addi %mul3A_264, %mul3A_266 : i32
      %dma_start3A_268 = arith.constant 0 : i32
      %dma_start3A_269 = arith.constant 0 : i32
      %dma_start3A_270 = arith.constant 0 : i32
      %dma_start3A_271 = tpu.memref_slice %arg9[%dma_start3A_268, %dma_start3A_269, %dma_start3A_270] : memref<2x96x128xf32, #tpu.memory_space<vmem>> -> memref<1x96x128xf32, #tpu.memory_space<vmem>>
      %dma_start3A_272 = tpu.memref_squeeze %dma_start3A_271 : memref<1x96x128xf32, #tpu.memory_space<vmem>> -> memref<96x128xf32, #tpu.memory_space<vmem>>
      %dma_start3A_273 = arith.constant 0 : i32
      %dma_start3A_274 = tpu.memref_slice %arg5[%add3A_267, %dma_start3A_273] : memref<589824x128xf32, #tpu.memory_space<hbm>> -> memref<96x128xf32, #tpu.memory_space<hbm>>
      %dma_start3A_275 = arith.constant 0 : i32
      %dma_start3A_276 = tpu.memref_slice %arg5[%add3A_267, %dma_start3A_275] : memref<589824x128xf32, #tpu.memory_space<hbm>> -> memref<96x128xf32, #tpu.memory_space<hbm>>
      %dma_start3A_277 = arith.constant 0 : i32
      %dma_start3A_278 = arith.constant 0 : i32
      %dma_start3A_279 = tpu.memref_slice %arg9[%dma_start3A_268, %dma_start3A_277, %dma_start3A_278] : memref<2x96x128xf32, #tpu.memory_space<vmem>> -> memref<1x96x128xf32, #tpu.memory_space<vmem>>
      %dma_start3A_280 = tpu.memref_squeeze %dma_start3A_279 : memref<1x96x128xf32, #tpu.memory_space<vmem>> -> memref<96x128xf32, #tpu.memory_space<vmem>>
      tpu.enqueue_dma source(%dma_start3A_280 : memref<96x128xf32, #tpu.memory_space<vmem>>) target(%dma_start3A_276 : memref<96x128xf32, #tpu.memory_space<hbm>>) target_semaphore(%arg14 : memref<!tpu.dma_semaphore, #tpu.memory_space<semaphore_mem>>)
      %add3A_281 = arith.constant 2 : i32
      %add3A_282 = arith.addi %add3A_185, %add3A_281 : i32
      %lt3A_283 = arith.constant 192 : i32
      %lt3A_284 = arith.cmpi slt, %add3A_282, %lt3A_283 : i32
      %convert_element_type3A_285 = arith.extui %lt3A_284 : i1 to i32
      %cond3A_286 = arith.constant 0 : i32
      %cond3A_287 = arith.cmpi ne, %convert_element_type3A_285, %cond3A_286 : i32
      scf.if %cond3A_287 {
        %add3A_396 = arith.constant 2 : i32
        %add3A_397 = arith.addi %add3A_185, %add3A_396 : i32
        %mul3A_398 = arith.constant 18432 : i32
        %mul3A_399 = arith.muli %add3A, %mul3A_398 : i32
        %mul3A_400 = arith.constant 96 : i32
        %mul3A_401 = arith.muli %add3A_397, %mul3A_400 : i32
        %add3A_402 = arith.addi %mul3A_399, %mul3A_401 : i32
        %dma_start3A_403 = arith.constant 0 : i32
        %dma_start3A_404 = arith.constant 0 : i32
        %dma_start3A_405 = arith.constant 0 : i32
        %dma_start3A_406 = tpu.memref_slice %arg6[%dma_start3A_403, %dma_start3A_404, %dma_start3A_405] : memref<2x4x96xi32, #tpu.memory_space<vmem>> -> memref<1x4x96xi32, #tpu.memory_space<vmem>>
        %dma_start3A_407 = tpu.memref_squeeze %dma_start3A_406 : memref<1x4x96xi32, #tpu.memory_space<vmem>> -> memref<4x96xi32, #tpu.memory_space<vmem>>
        %dma_start3A_408 = arith.constant 0 : i32
        %dma_start3A_409 = tpu.memref_slice %arg3[%dma_start3A_408, %add3A_402] : memref<4x589824xi32, #tpu.memory_space<hbm>> -> memref<4x96xi32, #tpu.memory_space<hbm>>
        %dma_start3A_410 = arith.constant 0 : i32
        %dma_start3A_411 = arith.constant 0 : i32
        %dma_start3A_412 = tpu.memref_slice %arg6[%dma_start3A_403, %dma_start3A_410, %dma_start3A_411] : memref<2x4x96xi32, #tpu.memory_space<vmem>> -> memref<1x4x96xi32, #tpu.memory_space<vmem>>
        %dma_start3A_413 = tpu.memref_squeeze %dma_start3A_412 : memref<1x4x96xi32, #tpu.memory_space<vmem>> -> memref<4x96xi32, #tpu.memory_space<vmem>>
        %dma_start3A_414 = arith.constant 0 : i32
        %dma_start3A_415 = tpu.memref_slice %arg3[%dma_start3A_414, %add3A_402] : memref<4x589824xi32, #tpu.memory_space<hbm>> -> memref<4x96xi32, #tpu.memory_space<hbm>>
        tpu.enqueue_dma source(%dma_start3A_415 : memref<4x96xi32, #tpu.memory_space<hbm>>) target(%dma_start3A_413 : memref<4x96xi32, #tpu.memory_space<vmem>>) target_semaphore(%arg12 : memref<!tpu.dma_semaphore, #tpu.memory_space<semaphore_mem>>)
        %dma_start3A_416 = arith.constant 0 : i32
        %dma_start3A_417 = arith.constant 0 : i32
        %dma_start3A_418 = arith.constant 0 : i32
        %dma_start3A_419 = tpu.memref_slice %arg7[%dma_start3A_416, %dma_start3A_417, %dma_start3A_418] : memref<2x4x96xf32, #tpu.memory_space<vmem>> -> memref<1x4x96xf32, #tpu.memory_space<vmem>>
        %dma_start3A_420 = tpu.memref_squeeze %dma_start3A_419 : memref<1x4x96xf32, #tpu.memory_space<vmem>> -> memref<4x96xf32, #tpu.memory_space<vmem>>
        %dma_start3A_421 = arith.constant 0 : i32
        %dma_start3A_422 = tpu.memref_slice %arg4[%dma_start3A_421, %add3A_402] : memref<4x589824xf32, #tpu.memory_space<hbm>> -> memref<4x96xf32, #tpu.memory_space<hbm>>
        %dma_start3A_423 = arith.constant 0 : i32
        %dma_start3A_424 = arith.constant 0 : i32
        %dma_start3A_425 = tpu.memref_slice %arg7[%dma_start3A_416, %dma_start3A_423, %dma_start3A_424] : memref<2x4x96xf32, #tpu.memory_space<vmem>> -> memref<1x4x96xf32, #tpu.memory_space<vmem>>
        %dma_start3A_426 = tpu.memref_squeeze %dma_start3A_425 : memref<1x4x96xf32, #tpu.memory_space<vmem>> -> memref<4x96xf32, #tpu.memory_space<vmem>>
        %dma_start3A_427 = arith.constant 0 : i32
        %dma_start3A_428 = tpu.memref_slice %arg4[%dma_start3A_427, %add3A_402] : memref<4x589824xf32, #tpu.memory_space<hbm>> -> memref<4x96xf32, #tpu.memory_space<hbm>>
        tpu.enqueue_dma source(%dma_start3A_428 : memref<4x96xf32, #tpu.memory_space<hbm>>) target(%dma_start3A_426 : memref<4x96xf32, #tpu.memory_space<vmem>>) target_semaphore(%arg12 : memref<!tpu.dma_semaphore, #tpu.memory_space<semaphore_mem>>)
      } else {
      }
      %add3A_288 = arith.constant 1 : i32
      %add3A_289 = arith.addi %add3A_183, %add3A_288 : i32
      %add3A_290 = arith.constant 1 : i32
      %add3A_291 = arith.addi %add3A_289, %add3A_290 : i32
      %lt3A_292 = arith.constant 192 : i32
      %lt3A_293 = arith.cmpi slt, %add3A_291, %lt3A_292 : i32
      %convert_element_type3A_294 = arith.extui %lt3A_293 : i1 to i32
      %cond3A_295 = arith.constant 0 : i32
      %cond3A_296 = arith.cmpi ne, %convert_element_type3A_294, %cond3A_295 : i32
      scf.if %cond3A_296 {
        %dma_wait3A_396 = arith.constant 0 : i32
        %dma_wait3A_397 = arith.constant 0 : i32
        %dma_wait3A_398 = arith.constant 0 : i32
        %dma_wait3A_399 = tpu.memref_slice %arg6[%dma_wait3A_396, %dma_wait3A_397, %dma_wait3A_398] : memref<2x4x96xi32, #tpu.memory_space<vmem>> -> memref<1x4x96xi32, #tpu.memory_space<vmem>>
        %dma_wait3A_400 = tpu.memref_squeeze %dma_wait3A_399 : memref<1x4x96xi32, #tpu.memory_space<vmem>> -> memref<4x96xi32, #tpu.memory_space<vmem>>
        %dma_wait3A_401 = arith.constant 0 : i32
        %dma_wait3A_402 = arith.constant 0 : i32
        %dma_wait3A_403 = tpu.memref_slice %arg3[%dma_wait3A_401, %dma_wait3A_402] : memref<4x589824xi32, #tpu.memory_space<hbm>> -> memref<4x96xi32, #tpu.memory_space<hbm>>
        %dma_wait3A_404 = arith.constant 0 : i32
        %dma_wait3A_405 = arith.constant 0 : i32
        %dma_wait3A_406 = tpu.memref_slice %arg6[%dma_wait3A_396, %dma_wait3A_404, %dma_wait3A_405] : memref<2x4x96xi32, #tpu.memory_space<vmem>> -> memref<1x4x96xi32, #tpu.memory_space<vmem>>
        %dma_wait3A_407 = tpu.memref_squeeze %dma_wait3A_406 : memref<1x4x96xi32, #tpu.memory_space<vmem>> -> memref<4x96xi32, #tpu.memory_space<vmem>>
        %dma_wait3A_408 = arith.constant 0 : i32
        %dma_wait3A_409 = arith.constant 0 : i32
        %dma_wait3A_410 = tpu.memref_slice %arg3[%dma_wait3A_408, %dma_wait3A_409] : memref<4x589824xi32, #tpu.memory_space<hbm>> -> memref<4x96xi32, #tpu.memory_space<hbm>>
        tpu.wait_dma2 semaphore(%arg12 : memref<!tpu.dma_semaphore, #tpu.memory_space<semaphore_mem>>) src(%dma_wait3A_410 : memref<4x96xi32, #tpu.memory_space<hbm>>) dst(%dma_wait3A_407 : memref<4x96xi32, #tpu.memory_space<vmem>>)
        %dma_wait3A_411 = arith.constant 0 : i32
        %dma_wait3A_412 = arith.constant 0 : i32
        %dma_wait3A_413 = arith.constant 0 : i32
        %dma_wait3A_414 = tpu.memref_slice %arg7[%dma_wait3A_411, %dma_wait3A_412, %dma_wait3A_413] : memref<2x4x96xf32, #tpu.memory_space<vmem>> -> memref<1x4x96xf32, #tpu.memory_space<vmem>>
        %dma_wait3A_415 = tpu.memref_squeeze %dma_wait3A_414 : memref<1x4x96xf32, #tpu.memory_space<vmem>> -> memref<4x96xf32, #tpu.memory_space<vmem>>
        %dma_wait3A_416 = arith.constant 0 : i32
        %dma_wait3A_417 = arith.constant 0 : i32
        %dma_wait3A_418 = tpu.memref_slice %arg4[%dma_wait3A_416, %dma_wait3A_417] : memref<4x589824xf32, #tpu.memory_space<hbm>> -> memref<4x96xf32, #tpu.memory_space<hbm>>
        %dma_wait3A_419 = arith.constant 0 : i32
        %dma_wait3A_420 = arith.constant 0 : i32
        %dma_wait3A_421 = tpu.memref_slice %arg7[%dma_wait3A_411, %dma_wait3A_419, %dma_wait3A_420] : memref<2x4x96xf32, #tpu.memory_space<vmem>> -> memref<1x4x96xf32, #tpu.memory_space<vmem>>
        %dma_wait3A_422 = tpu.memref_squeeze %dma_wait3A_421 : memref<1x4x96xf32, #tpu.memory_space<vmem>> -> memref<4x96xf32, #tpu.memory_space<vmem>>
        %dma_wait3A_423 = arith.constant 0 : i32
        %dma_wait3A_424 = arith.constant 0 : i32
        %dma_wait3A_425 = tpu.memref_slice %arg4[%dma_wait3A_423, %dma_wait3A_424] : memref<4x589824xf32, #tpu.memory_space<hbm>> -> memref<4x96xf32, #tpu.memory_space<hbm>>
        tpu.wait_dma2 semaphore(%arg12 : memref<!tpu.dma_semaphore, #tpu.memory_space<semaphore_mem>>) src(%dma_wait3A_425 : memref<4x96xf32, #tpu.memory_space<hbm>>) dst(%dma_wait3A_422 : memref<4x96xf32, #tpu.memory_space<vmem>>)
        %dma_start3A_426 = arith.constant 0 : i32
        %dma_start3A_427 = arith.constant 0 : i32
        %dma_start3A_428 = arith.constant 0 : i32
        %dma_start3A_429 = arith.constant 0 : i32
        %dma_start3A_430 = arith.constant 0 : i32
        %dma_start3A_431 = arith.constant 0 : i32
        %dma_start3A_432 = tpu.memref_slice %arg8[%dma_start3A_428, %dma_start3A_429, %dma_start3A_430, %dma_start3A_431] : memref<2x4x96x128xf32, #tpu.memory_space<vmem>> -> memref<1x1x96x128xf32, #tpu.memory_space<vmem>>
        %dma_start3A_433 = tpu.memref_squeeze %dma_start3A_432 : memref<1x1x96x128xf32, #tpu.memory_space<vmem>> -> memref<96x128xf32, #tpu.memory_space<vmem>>
        %dma_start3A_434 = arith.constant 0 : i32
        %dma_start3A_435 = tpu.memref_slice %arg6[%dma_start3A_426, %dma_start3A_427, %dma_start3A_434] : memref<2x4x96xi32, #tpu.memory_space<vmem>> -> memref<1x1x96xi32, #tpu.memory_space<vmem>>
        %dma_start3A_436 = tpu.memref_squeeze %dma_start3A_435 : memref<1x1x96xi32, #tpu.memory_space<vmem>> -> memref<96xi32, #tpu.memory_space<vmem>>
        %dma_start3A_437 = arith.constant 0 : i32
        %dma_start3A_438 = arith.constant 0 : i32
        %dma_start3A_439 = tpu.memref_slice %arg2[%dma_start3A_437, %dma_start3A_438] : memref<589824x128xf32, #tpu.memory_space<hbm>> -> memref<589824x128xf32, #tpu.memory_space<hbm>>
        tpu.enqueue_indirect_dma source(%dma_start3A_439 : memref<589824x128xf32, #tpu.memory_space<hbm>>) target(%dma_start3A_433 : memref<96x128xf32, #tpu.memory_space<vmem>>) offsets(%dma_start3A_436 : memref<96xi32, #tpu.memory_space<vmem>>) semaphore(%arg10 : memref<!tpu.dma_semaphore, #tpu.memory_space<semaphore_mem>>)
        %dma_start3A_440 = arith.constant 0 : i32
        %dma_start3A_441 = arith.constant 1 : i32
        %dma_start3A_442 = arith.constant 0 : i32
        %dma_start3A_443 = arith.constant 1 : i32
        %dma_start3A_444 = arith.constant 0 : i32
        %dma_start3A_445 = arith.constant 0 : i32
        %dma_start3A_446 = tpu.memref_slice %arg8[%dma_start3A_442, %dma_start3A_443, %dma_start3A_444, %dma_start3A_445] : memref<2x4x96x128xf32, #tpu.memory_space<vmem>> -> memref<1x1x96x128xf32, #tpu.memory_space<vmem>>
        %dma_start3A_447 = tpu.memref_squeeze %dma_start3A_446 : memref<1x1x96x128xf32, #tpu.memory_space<vmem>> -> memref<96x128xf32, #tpu.memory_space<vmem>>
        %dma_start3A_448 = arith.constant 0 : i32
        %dma_start3A_449 = tpu.memref_slice %arg6[%dma_start3A_440, %dma_start3A_441, %dma_start3A_448] : memref<2x4x96xi32, #tpu.memory_space<vmem>> -> memref<1x1x96xi32, #tpu.memory_space<vmem>>
        %dma_start3A_450 = tpu.memref_squeeze %dma_start3A_449 : memref<1x1x96xi32, #tpu.memory_space<vmem>> -> memref<96xi32, #tpu.memory_space<vmem>>
        %dma_start3A_451 = arith.constant 0 : i32
        %dma_start3A_452 = arith.constant 0 : i32
        %dma_start3A_453 = tpu.memref_slice %arg2[%dma_start3A_451, %dma_start3A_452] : memref<589824x128xf32, #tpu.memory_space<hbm>> -> memref<589824x128xf32, #tpu.memory_space<hbm>>
        tpu.enqueue_indirect_dma source(%dma_start3A_453 : memref<589824x128xf32, #tpu.memory_space<hbm>>) target(%dma_start3A_447 : memref<96x128xf32, #tpu.memory_space<vmem>>) offsets(%dma_start3A_450 : memref<96xi32, #tpu.memory_space<vmem>>) semaphore(%arg10 : memref<!tpu.dma_semaphore, #tpu.memory_space<semaphore_mem>>)
        %dma_start3A_454 = arith.constant 0 : i32
        %dma_start3A_455 = arith.constant 2 : i32
        %dma_start3A_456 = arith.constant 0 : i32
        %dma_start3A_457 = arith.constant 2 : i32
        %dma_start3A_458 = arith.constant 0 : i32
        %dma_start3A_459 = arith.constant 0 : i32
        %dma_start3A_460 = tpu.memref_slice %arg8[%dma_start3A_456, %dma_start3A_457, %dma_start3A_458, %dma_start3A_459] : memref<2x4x96x128xf32, #tpu.memory_space<vmem>> -> memref<1x1x96x128xf32, #tpu.memory_space<vmem>>
        %dma_start3A_461 = tpu.memref_squeeze %dma_start3A_460 : memref<1x1x96x128xf32, #tpu.memory_space<vmem>> -> memref<96x128xf32, #tpu.memory_space<vmem>>
        %dma_start3A_462 = arith.constant 0 : i32
        %dma_start3A_463 = tpu.memref_slice %arg6[%dma_start3A_454, %dma_start3A_455, %dma_start3A_462] : memref<2x4x96xi32, #tpu.memory_space<vmem>> -> memref<1x1x96xi32, #tpu.memory_space<vmem>>
        %dma_start3A_464 = tpu.memref_squeeze %dma_start3A_463 : memref<1x1x96xi32, #tpu.memory_space<vmem>> -> memref<96xi32, #tpu.memory_space<vmem>>
        %dma_start3A_465 = arith.constant 0 : i32
        %dma_start3A_466 = arith.constant 0 : i32
        %dma_start3A_467 = tpu.memref_slice %arg2[%dma_start3A_465, %dma_start3A_466] : memref<589824x128xf32, #tpu.memory_space<hbm>> -> memref<589824x128xf32, #tpu.memory_space<hbm>>
        tpu.enqueue_indirect_dma source(%dma_start3A_467 : memref<589824x128xf32, #tpu.memory_space<hbm>>) target(%dma_start3A_461 : memref<96x128xf32, #tpu.memory_space<vmem>>) offsets(%dma_start3A_464 : memref<96xi32, #tpu.memory_space<vmem>>) semaphore(%arg10 : memref<!tpu.dma_semaphore, #tpu.memory_space<semaphore_mem>>)
        %dma_start3A_468 = arith.constant 0 : i32
        %dma_start3A_469 = arith.constant 3 : i32
        %dma_start3A_470 = arith.constant 0 : i32
        %dma_start3A_471 = arith.constant 3 : i32
        %dma_start3A_472 = arith.constant 0 : i32
        %dma_start3A_473 = arith.constant 0 : i32
        %dma_start3A_474 = tpu.memref_slice %arg8[%dma_start3A_470, %dma_start3A_471, %dma_start3A_472, %dma_start3A_473] : memref<2x4x96x128xf32, #tpu.memory_space<vmem>> -> memref<1x1x96x128xf32, #tpu.memory_space<vmem>>
        %dma_start3A_475 = tpu.memref_squeeze %dma_start3A_474 : memref<1x1x96x128xf32, #tpu.memory_space<vmem>> -> memref<96x128xf32, #tpu.memory_space<vmem>>
        %dma_start3A_476 = arith.constant 0 : i32
        %dma_start3A_477 = tpu.memref_slice %arg6[%dma_start3A_468, %dma_start3A_469, %dma_start3A_476] : memref<2x4x96xi32, #tpu.memory_space<vmem>> -> memref<1x1x96xi32, #tpu.memory_space<vmem>>
        %dma_start3A_478 = tpu.memref_squeeze %dma_start3A_477 : memref<1x1x96xi32, #tpu.memory_space<vmem>> -> memref<96xi32, #tpu.memory_space<vmem>>
        %dma_start3A_479 = arith.constant 0 : i32
        %dma_start3A_480 = arith.constant 0 : i32
        %dma_start3A_481 = tpu.memref_slice %arg2[%dma_start3A_479, %dma_start3A_480] : memref<589824x128xf32, #tpu.memory_space<hbm>> -> memref<589824x128xf32, #tpu.memory_space<hbm>>
        tpu.enqueue_indirect_dma source(%dma_start3A_481 : memref<589824x128xf32, #tpu.memory_space<hbm>>) target(%dma_start3A_475 : memref<96x128xf32, #tpu.memory_space<vmem>>) offsets(%dma_start3A_478 : memref<96xi32, #tpu.memory_space<vmem>>) semaphore(%arg10 : memref<!tpu.dma_semaphore, #tpu.memory_space<semaphore_mem>>)
      } else {
      }
      %dma_wait3A_297 = arith.constant 1 : i32
      %dma_wait3A_298 = arith.constant 0 : i32
      %dma_wait3A_299 = arith.constant 0 : i32
      %dma_wait3A_300 = arith.constant 0 : i32
      %dma_wait3A_301 = tpu.memref_slice %arg8[%dma_wait3A_297, %dma_wait3A_298, %dma_wait3A_299, %dma_wait3A_300] : memref<2x4x96x128xf32, #tpu.memory_space<vmem>> -> memref<1x1x96x128xf32, #tpu.memory_space<vmem>>
      %dma_wait3A_302 = tpu.memref_squeeze %dma_wait3A_301 : memref<1x1x96x128xf32, #tpu.memory_space<vmem>> -> memref<96x128xf32, #tpu.memory_space<vmem>>
      %dma_wait3A_303 = arith.constant 0 : i32
      %dma_wait3A_304 = arith.constant 0 : i32
      %dma_wait3A_305 = tpu.memref_slice %arg2[%dma_wait3A_303, %dma_wait3A_304] : memref<589824x128xf32, #tpu.memory_space<hbm>> -> memref<96x128xf32, #tpu.memory_space<hbm>>
      %dma_wait3A_306 = arith.constant 0 : i32
      %dma_wait3A_307 = arith.constant 0 : i32
      %dma_wait3A_308 = tpu.memref_slice %arg8[%dma_wait3A_297, %dma_wait3A_298, %dma_wait3A_306, %dma_wait3A_307] : memref<2x4x96x128xf32, #tpu.memory_space<vmem>> -> memref<1x1x96x128xf32, #tpu.memory_space<vmem>>
      %dma_wait3A_309 = tpu.memref_squeeze %dma_wait3A_308 : memref<1x1x96x128xf32, #tpu.memory_space<vmem>> -> memref<96x128xf32, #tpu.memory_space<vmem>>
      %dma_wait3A_310 = arith.constant 0 : i32
      %dma_wait3A_311 = arith.constant 0 : i32
      %dma_wait3A_312 = tpu.memref_slice %arg2[%dma_wait3A_310, %dma_wait3A_311] : memref<589824x128xf32, #tpu.memory_space<hbm>> -> memref<96x128xf32, #tpu.memory_space<hbm>>
      tpu.wait_dma2 semaphore(%arg11 : memref<!tpu.dma_semaphore, #tpu.memory_space<semaphore_mem>>) src(%dma_wait3A_312 : memref<96x128xf32, #tpu.memory_space<hbm>>) dst(%dma_wait3A_309 : memref<96x128xf32, #tpu.memory_space<vmem>>)
      %dma_wait3A_313 = arith.constant 1 : i32
      %dma_wait3A_314 = arith.constant 1 : i32
      %dma_wait3A_315 = arith.constant 0 : i32
      %dma_wait3A_316 = arith.constant 0 : i32
      %dma_wait3A_317 = tpu.memref_slice %arg8[%dma_wait3A_313, %dma_wait3A_314, %dma_wait3A_315, %dma_wait3A_316] : memref<2x4x96x128xf32, #tpu.memory_space<vmem>> -> memref<1x1x96x128xf32, #tpu.memory_space<vmem>>
      %dma_wait3A_318 = tpu.memref_squeeze %dma_wait3A_317 : memref<1x1x96x128xf32, #tpu.memory_space<vmem>> -> memref<96x128xf32, #tpu.memory_space<vmem>>
      %dma_wait3A_319 = arith.constant 0 : i32
      %dma_wait3A_320 = arith.constant 0 : i32
      %dma_wait3A_321 = tpu.memref_slice %arg2[%dma_wait3A_319, %dma_wait3A_320] : memref<589824x128xf32, #tpu.memory_space<hbm>> -> memref<96x128xf32, #tpu.memory_space<hbm>>
      %dma_wait3A_322 = arith.constant 0 : i32
      %dma_wait3A_323 = arith.constant 0 : i32
      %dma_wait3A_324 = tpu.memref_slice %arg8[%dma_wait3A_313, %dma_wait3A_314, %dma_wait3A_322, %dma_wait3A_323] : memref<2x4x96x128xf32, #tpu.memory_space<vmem>> -> memref<1x1x96x128xf32, #tpu.memory_space<vmem>>
      %dma_wait3A_325 = tpu.memref_squeeze %dma_wait3A_324 : memref<1x1x96x128xf32, #tpu.memory_space<vmem>> -> memref<96x128xf32, #tpu.memory_space<vmem>>
      %dma_wait3A_326 = arith.constant 0 : i32
      %dma_wait3A_327 = arith.constant 0 : i32
      %dma_wait3A_328 = tpu.memref_slice %arg2[%dma_wait3A_326, %dma_wait3A_327] : memref<589824x128xf32, #tpu.memory_space<hbm>> -> memref<96x128xf32, #tpu.memory_space<hbm>>
      tpu.wait_dma2 semaphore(%arg11 : memref<!tpu.dma_semaphore, #tpu.memory_space<semaphore_mem>>) src(%dma_wait3A_328 : memref<96x128xf32, #tpu.memory_space<hbm>>) dst(%dma_wait3A_325 : memref<96x128xf32, #tpu.memory_space<vmem>>)
      %dma_wait3A_329 = arith.constant 1 : i32
      %dma_wait3A_330 = arith.constant 2 : i32
      %dma_wait3A_331 = arith.constant 0 : i32
      %dma_wait3A_332 = arith.constant 0 : i32
      %dma_wait3A_333 = tpu.memref_slice %arg8[%dma_wait3A_329, %dma_wait3A_330, %dma_wait3A_331, %dma_wait3A_332] : memref<2x4x96x128xf32, #tpu.memory_space<vmem>> -> memref<1x1x96x128xf32, #tpu.memory_space<vmem>>
      %dma_wait3A_334 = tpu.memref_squeeze %dma_wait3A_333 : memref<1x1x96x128xf32, #tpu.memory_space<vmem>> -> memref<96x128xf32, #tpu.memory_space<vmem>>
      %dma_wait3A_335 = arith.constant 0 : i32
      %dma_wait3A_336 = arith.constant 0 : i32
      %dma_wait3A_337 = tpu.memref_slice %arg2[%dma_wait3A_335, %dma_wait3A_336] : memref<589824x128xf32, #tpu.memory_space<hbm>> -> memref<96x128xf32, #tpu.memory_space<hbm>>
      %dma_wait3A_338 = arith.constant 0 : i32
      %dma_wait3A_339 = arith.constant 0 : i32
      %dma_wait3A_340 = tpu.memref_slice %arg8[%dma_wait3A_329, %dma_wait3A_330, %dma_wait3A_338, %dma_wait3A_339] : memref<2x4x96x128xf32, #tpu.memory_space<vmem>> -> memref<1x1x96x128xf32, #tpu.memory_space<vmem>>
      %dma_wait3A_341 = tpu.memref_squeeze %dma_wait3A_340 : memref<1x1x96x128xf32, #tpu.memory_space<vmem>> -> memref<96x128xf32, #tpu.memory_space<vmem>>
      %dma_wait3A_342 = arith.constant 0 : i32
      %dma_wait3A_343 = arith.constant 0 : i32
      %dma_wait3A_344 = tpu.memref_slice %arg2[%dma_wait3A_342, %dma_wait3A_343] : memref<589824x128xf32, #tpu.memory_space<hbm>> -> memref<96x128xf32, #tpu.memory_space<hbm>>
      tpu.wait_dma2 semaphore(%arg11 : memref<!tpu.dma_semaphore, #tpu.memory_space<semaphore_mem>>) src(%dma_wait3A_344 : memref<96x128xf32, #tpu.memory_space<hbm>>) dst(%dma_wait3A_341 : memref<96x128xf32, #tpu.memory_space<vmem>>)
      %dma_wait3A_345 = arith.constant 1 : i32
      %dma_wait3A_346 = arith.constant 3 : i32
      %dma_wait3A_347 = arith.constant 0 : i32
      %dma_wait3A_348 = arith.constant 0 : i32
      %dma_wait3A_349 = tpu.memref_slice %arg8[%dma_wait3A_345, %dma_wait3A_346, %dma_wait3A_347, %dma_wait3A_348] : memref<2x4x96x128xf32, #tpu.memory_space<vmem>> -> memref<1x1x96x128xf32, #tpu.memory_space<vmem>>
      %dma_wait3A_350 = tpu.memref_squeeze %dma_wait3A_349 : memref<1x1x96x128xf32, #tpu.memory_space<vmem>> -> memref<96x128xf32, #tpu.memory_space<vmem>>
      %dma_wait3A_351 = arith.constant 0 : i32
      %dma_wait3A_352 = arith.constant 0 : i32
      %dma_wait3A_353 = tpu.memref_slice %arg2[%dma_wait3A_351, %dma_wait3A_352] : memref<589824x128xf32, #tpu.memory_space<hbm>> -> memref<96x128xf32, #tpu.memory_space<hbm>>
      %dma_wait3A_354 = arith.constant 0 : i32
      %dma_wait3A_355 = arith.constant 0 : i32
      %dma_wait3A_356 = tpu.memref_slice %arg8[%dma_wait3A_345, %dma_wait3A_346, %dma_wait3A_354, %dma_wait3A_355] : memref<2x4x96x128xf32, #tpu.memory_space<vmem>> -> memref<1x1x96x128xf32, #tpu.memory_space<vmem>>
      %dma_wait3A_357 = tpu.memref_squeeze %dma_wait3A_356 : memref<1x1x96x128xf32, #tpu.memory_space<vmem>> -> memref<96x128xf32, #tpu.memory_space<vmem>>
      %dma_wait3A_358 = arith.constant 0 : i32
      %dma_wait3A_359 = arith.constant 0 : i32
      %dma_wait3A_360 = tpu.memref_slice %arg2[%dma_wait3A_358, %dma_wait3A_359] : memref<589824x128xf32, #tpu.memory_space<hbm>> -> memref<96x128xf32, #tpu.memory_space<hbm>>
      tpu.wait_dma2 semaphore(%arg11 : memref<!tpu.dma_semaphore, #tpu.memory_space<semaphore_mem>>) src(%dma_wait3A_360 : memref<96x128xf32, #tpu.memory_space<hbm>>) dst(%dma_wait3A_357 : memref<96x128xf32, #tpu.memory_space<vmem>>)
      %ge3A_361 = arith.constant 2 : i32
      %ge3A_362 = arith.cmpi sge, %add3A_289, %ge3A_361 : i32
      %convert_element_type3A_363 = arith.extui %ge3A_362 : i1 to i32
      %cond3A_364 = arith.constant 0 : i32
      %cond3A_365 = arith.cmpi ne, %convert_element_type3A_363, %cond3A_364 : i32
      scf.if %cond3A_365 {
        %dma_wait3A_396 = arith.constant 1 : i32
        %dma_wait3A_397 = arith.constant 0 : i32
        %dma_wait3A_398 = arith.constant 0 : i32
        %dma_wait3A_399 = tpu.memref_slice %arg9[%dma_wait3A_396, %dma_wait3A_397, %dma_wait3A_398] : memref<2x96x128xf32, #tpu.memory_space<vmem>> -> memref<1x96x128xf32, #tpu.memory_space<vmem>>
        %dma_wait3A_400 = tpu.memref_squeeze %dma_wait3A_399 : memref<1x96x128xf32, #tpu.memory_space<vmem>> -> memref<96x128xf32, #tpu.memory_space<vmem>>
        %dma_wait3A_401 = arith.constant 0 : i32
        %dma_wait3A_402 = arith.constant 0 : i32
        %dma_wait3A_403 = tpu.memref_slice %arg5[%dma_wait3A_401, %dma_wait3A_402] : memref<589824x128xf32, #tpu.memory_space<hbm>> -> memref<96x128xf32, #tpu.memory_space<hbm>>
        %dma_wait3A_404 = arith.constant 0 : i32
        %dma_wait3A_405 = arith.constant 0 : i32
        %dma_wait3A_406 = tpu.memref_slice %arg5[%dma_wait3A_404, %dma_wait3A_405] : memref<589824x128xf32, #tpu.memory_space<hbm>> -> memref<96x128xf32, #tpu.memory_space<hbm>>
        %dma_wait3A_407 = arith.constant 0 : i32
        %dma_wait3A_408 = arith.constant 0 : i32
        %dma_wait3A_409 = tpu.memref_slice %arg9[%dma_wait3A_396, %dma_wait3A_407, %dma_wait3A_408] : memref<2x96x128xf32, #tpu.memory_space<vmem>> -> memref<1x96x128xf32, #tpu.memory_space<vmem>>
        %dma_wait3A_410 = tpu.memref_squeeze %dma_wait3A_409 : memref<1x96x128xf32, #tpu.memory_space<vmem>> -> memref<96x128xf32, #tpu.memory_space<vmem>>
        tpu.wait_dma2 semaphore(%arg15 : memref<!tpu.dma_semaphore, #tpu.memory_space<semaphore_mem>>) src(%dma_wait3A_410 : memref<96x128xf32, #tpu.memory_space<vmem>>) dst(%dma_wait3A_406 : memref<96x128xf32, #tpu.memory_space<hbm>>)
      } else {
      }
      %scan3A_366 = arith.constant 0 : i32
      %scan3A_367 = arith.constant 96 : i32
      %scan3A_368 = arith.addi %scan3A_366, %scan3A_367 : i32
      %scan3A_369 = arith.constant 1 : i32
      scf.for %scan3A_396 = %scan3A_366 to %scan3A_368 step %scan3A_369  : i32 {
        %mul3A_397 = arith.constant 1 : i32
        %mul3A_398 = arith.muli %scan3A_396, %mul3A_397 : i32
        %add3A_399 = arith.constant 0 : i32
        %add3A_400 = arith.addi %add3A_399, %mul3A_398 : i32
        %broadcast_in_dim3A = vector.broadcast %add3A_400 : i32 to vector<16xi32>
        %gather3A = arith.constant 1 : i32
        %gather3A_401 = arith.constant 0 : i32
        %gather3A_402 = arith.constant 0 : i32
        %gather3A_403 = tpu.memref_slice %arg7[%gather3A, %gather3A_401, %gather3A_402] : memref<2x4x96xf32, #tpu.memory_space<vmem>> -> memref<1x1x96xf32, #tpu.memory_space<vmem>>
        %gather3A_404 = tpu.memref_squeeze %gather3A_403 : memref<1x1x96xf32, #tpu.memory_space<vmem>> -> memref<96xf32, #tpu.memory_space<vmem>>
        %gather3A_405 = tpu.vector_load_idx %gather3A_404[%broadcast_in_dim3A] : memref<96xf32, #tpu.memory_space<vmem>>[vector<16xi32>], vector<16xf32>,
        %gather3A_406 = arith.constant 1 : i32
        %gather3A_407 = arith.constant 1 : i32
        %gather3A_408 = arith.constant 0 : i32
        %gather3A_409 = tpu.memref_slice %arg7[%gather3A_406, %gather3A_407, %gather3A_408] : memref<2x4x96xf32, #tpu.memory_space<vmem>> -> memref<1x1x96xf32, #tpu.memory_space<vmem>>
        %gather3A_410 = tpu.memref_squeeze %gather3A_409 : memref<1x1x96xf32, #tpu.memory_space<vmem>> -> memref<96xf32, #tpu.memory_space<vmem>>
        %gather3A_411 = tpu.vector_load_idx %gather3A_410[%broadcast_in_dim3A] : memref<96xf32, #tpu.memory_space<vmem>>[vector<16xi32>], vector<16xf32>,
        %gather3A_412 = arith.constant 1 : i32
        %gather3A_413 = arith.constant 2 : i32
        %gather3A_414 = arith.constant 0 : i32
        %gather3A_415 = tpu.memref_slice %arg7[%gather3A_412, %gather3A_413, %gather3A_414] : memref<2x4x96xf32, #tpu.memory_space<vmem>> -> memref<1x1x96xf32, #tpu.memory_space<vmem>>
        %gather3A_416 = tpu.memref_squeeze %gather3A_415 : memref<1x1x96xf32, #tpu.memory_space<vmem>> -> memref<96xf32, #tpu.memory_space<vmem>>
        %gather3A_417 = tpu.vector_load_idx %gather3A_416[%broadcast_in_dim3A] : memref<96xf32, #tpu.memory_space<vmem>>[vector<16xi32>], vector<16xf32>,
        %gather3A_418 = arith.constant 1 : i32
        %gather3A_419 = arith.constant 3 : i32
        %gather3A_420 = arith.constant 0 : i32
        %gather3A_421 = tpu.memref_slice %arg7[%gather3A_418, %gather3A_419, %gather3A_420] : memref<2x4x96xf32, #tpu.memory_space<vmem>> -> memref<1x1x96xf32, #tpu.memory_space<vmem>>
        %gather3A_422 = tpu.memref_squeeze %gather3A_421 : memref<1x1x96xf32, #tpu.memory_space<vmem>> -> memref<96xf32, #tpu.memory_space<vmem>>
        %gather3A_423 = tpu.vector_load_idx %gather3A_422[%broadcast_in_dim3A] : memref<96xf32, #tpu.memory_space<vmem>>[vector<16xi32>], vector<16xf32>,
        %get3A = arith.constant 1 : i32
        %get3A_424 = arith.constant 0 : i32
        %get3A_425 = arith.index_cast %get3A : i32 to index
        %get3A_426 = arith.index_cast %get3A_424 : i32 to index
        %get3A_427 = arith.index_cast %add3A_400 : i32 to index
        %get3A_428 = arith.constant 0 : index
        %get3A_429 = tpu.vector_load %arg8[%get3A_425, %get3A_426, %get3A_427, %get3A_428] {strides = array<i32>} : memref<2x4x96x128xf32, #tpu.memory_space<vmem>>, vector<16xf32>,
        %mul3A_430 = arith.mulf %gather3A_405, %get3A_429 : vector<16xf32>
        %get3A_431 = arith.constant 1 : i32
        %get3A_432 = arith.constant 1 : i32
        %get3A_433 = arith.index_cast %get3A_431 : i32 to index
        %get3A_434 = arith.index_cast %get3A_432 : i32 to index
        %get3A_435 = arith.index_cast %add3A_400 : i32 to index
        %get3A_436 = arith.constant 0 : index
        %get3A_437 = tpu.vector_load %arg8[%get3A_433, %get3A_434, %get3A_435, %get3A_436] {strides = array<i32>} : memref<2x4x96x128xf32, #tpu.memory_space<vmem>>, vector<16xf32>,
        %mul3A_438 = arith.mulf %gather3A_411, %get3A_437 : vector<16xf32>
        %add3A_439 = arith.addf %mul3A_430, %mul3A_438 : vector<16xf32>
        %get3A_440 = arith.constant 1 : i32
        %get3A_441 = arith.constant 2 : i32
        %get3A_442 = arith.index_cast %get3A_440 : i32 to index
        %get3A_443 = arith.index_cast %get3A_441 : i32 to index
        %get3A_444 = arith.index_cast %add3A_400 : i32 to index
        %get3A_445 = arith.constant 0 : index
        %get3A_446 = tpu.vector_load %arg8[%get3A_442, %get3A_443, %get3A_444, %get3A_445] {strides = array<i32>} : memref<2x4x96x128xf32, #tpu.memory_space<vmem>>, vector<16xf32>,
        %mul3A_447 = arith.mulf %gather3A_417, %get3A_446 : vector<16xf32>
        %add3A_448 = arith.addf %add3A_439, %mul3A_447 : vector<16xf32>
        %get3A_449 = arith.constant 1 : i32
        %get3A_450 = arith.constant 3 : i32
        %get3A_451 = arith.index_cast %get3A_449 : i32 to index
        %get3A_452 = arith.index_cast %get3A_450 : i32 to index
        %get3A_453 = arith.index_cast %add3A_400 : i32 to index
        %get3A_454 = arith.constant 0 : index
        %get3A_455 = tpu.vector_load %arg8[%get3A_451, %get3A_452, %get3A_453, %get3A_454] {strides = array<i32>} : memref<2x4x96x128xf32, #tpu.memory_space<vmem>>, vector<16xf32>,
        %mul3A_456 = arith.mulf %gather3A_423, %get3A_455 : vector<16xf32>
        %add3A_457 = arith.addf %add3A_448, %mul3A_456 : vector<16xf32>
        %swap3A = arith.constant 1 : i32
        %swap3A_458 = arith.index_cast %swap3A : i32 to index
        %swap3A_459 = arith.index_cast %add3A_400 : i32 to index
        %swap3A_460 = arith.constant 0 : index
        %swap3A_461 = tpu.vector_load %arg9[%swap3A_458, %swap3A_459, %swap3A_460] {strides = array<i32>} : memref<2x96x128xf32, #tpu.memory_space<vmem>>, vector<16xf32>,
        tpu.vector_store %arg9[%swap3A_458, %swap3A_459, %swap3A_460], %add3A_457 {strides = array<i32>} : memref<2x96x128xf32, #tpu.memory_space<vmem>>, vector<16xf32>,
        %get3A_462 = arith.constant 1 : i32
        %get3A_463 = arith.constant 0 : i32
        %get3A_464 = arith.index_cast %get3A_462 : i32 to index
        %get3A_465 = arith.index_cast %get3A_463 : i32 to index
        %get3A_466 = arith.index_cast %add3A_400 : i32 to index
        %get3A_467 = arith.constant 16 : index
        %get3A_468 = tpu.vector_load %arg8[%get3A_464, %get3A_465, %get3A_466, %get3A_467] {strides = array<i32>} : memref<2x4x96x128xf32, #tpu.memory_space<vmem>>, vector<16xf32>,
        %mul3A_469 = arith.mulf %gather3A_405, %get3A_468 : vector<16xf32>
        %get3A_470 = arith.constant 1 : i32
        %get3A_471 = arith.constant 1 : i32
        %get3A_472 = arith.index_cast %get3A_470 : i32 to index
        %get3A_473 = arith.index_cast %get3A_471 : i32 to index
        %get3A_474 = arith.index_cast %add3A_400 : i32 to index
        %get3A_475 = arith.constant 16 : index
        %get3A_476 = tpu.vector_load %arg8[%get3A_472, %get3A_473, %get3A_474, %get3A_475] {strides = array<i32>} : memref<2x4x96x128xf32, #tpu.memory_space<vmem>>, vector<16xf32>,
        %mul3A_477 = arith.mulf %gather3A_411, %get3A_476 : vector<16xf32>
        %add3A_478 = arith.addf %mul3A_469, %mul3A_477 : vector<16xf32>
        %get3A_479 = arith.constant 1 : i32
        %get3A_480 = arith.constant 2 : i32
        %get3A_481 = arith.index_cast %get3A_479 : i32 to index
        %get3A_482 = arith.index_cast %get3A_480 : i32 to index
        %get3A_483 = arith.index_cast %add3A_400 : i32 to index
        %get3A_484 = arith.constant 16 : index
        %get3A_485 = tpu.vector_load %arg8[%get3A_481, %get3A_482, %get3A_483, %get3A_484] {strides = array<i32>} : memref<2x4x96x128xf32, #tpu.memory_space<vmem>>, vector<16xf32>,
        %mul3A_486 = arith.mulf %gather3A_417, %get3A_485 : vector<16xf32>
        %add3A_487 = arith.addf %add3A_478, %mul3A_486 : vector<16xf32>
        %get3A_488 = arith.constant 1 : i32
        %get3A_489 = arith.constant 3 : i32
        %get3A_490 = arith.index_cast %get3A_488 : i32 to index
        %get3A_491 = arith.index_cast %get3A_489 : i32 to index
        %get3A_492 = arith.index_cast %add3A_400 : i32 to index
        %get3A_493 = arith.constant 16 : index
        %get3A_494 = tpu.vector_load %arg8[%get3A_490, %get3A_491, %get3A_492, %get3A_493] {strides = array<i32>} : memref<2x4x96x128xf32, #tpu.memory_space<vmem>>, vector<16xf32>,
        %mul3A_495 = arith.mulf %gather3A_423, %get3A_494 : vector<16xf32>
        %add3A_496 = arith.addf %add3A_487, %mul3A_495 : vector<16xf32>
        %swap3A_497 = arith.constant 1 : i32
        %swap3A_498 = arith.index_cast %swap3A_497 : i32 to index
        %swap3A_499 = arith.index_cast %add3A_400 : i32 to index
        %swap3A_500 = arith.constant 16 : index
        %swap3A_501 = tpu.vector_load %arg9[%swap3A_498, %swap3A_499, %swap3A_500] {strides = array<i32>} : memref<2x96x128xf32, #tpu.memory_space<vmem>>, vector<16xf32>,
        tpu.vector_store %arg9[%swap3A_498, %swap3A_499, %swap3A_500], %add3A_496 {strides = array<i32>} : memref<2x96x128xf32, #tpu.memory_space<vmem>>, vector<16xf32>,
        %get3A_502 = arith.constant 1 : i32
        %get3A_503 = arith.constant 0 : i32
        %get3A_504 = arith.index_cast %get3A_502 : i32 to index
        %get3A_505 = arith.index_cast %get3A_503 : i32 to index
        %get3A_506 = arith.index_cast %add3A_400 : i32 to index
        %get3A_507 = arith.constant 32 : index
        %get3A_508 = tpu.vector_load %arg8[%get3A_504, %get3A_505, %get3A_506, %get3A_507] {strides = array<i32>} : memref<2x4x96x128xf32, #tpu.memory_space<vmem>>, vector<16xf32>,
        %mul3A_509 = arith.mulf %gather3A_405, %get3A_508 : vector<16xf32>
        %get3A_510 = arith.constant 1 : i32
        %get3A_511 = arith.constant 1 : i32
        %get3A_512 = arith.index_cast %get3A_510 : i32 to index
        %get3A_513 = arith.index_cast %get3A_511 : i32 to index
        %get3A_514 = arith.index_cast %add3A_400 : i32 to index
        %get3A_515 = arith.constant 32 : index
        %get3A_516 = tpu.vector_load %arg8[%get3A_512, %get3A_513, %get3A_514, %get3A_515] {strides = array<i32>} : memref<2x4x96x128xf32, #tpu.memory_space<vmem>>, vector<16xf32>,
        %mul3A_517 = arith.mulf %gather3A_411, %get3A_516 : vector<16xf32>
        %add3A_518 = arith.addf %mul3A_509, %mul3A_517 : vector<16xf32>
        %get3A_519 = arith.constant 1 : i32
        %get3A_520 = arith.constant 2 : i32
        %get3A_521 = arith.index_cast %get3A_519 : i32 to index
        %get3A_522 = arith.index_cast %get3A_520 : i32 to index
        %get3A_523 = arith.index_cast %add3A_400 : i32 to index
        %get3A_524 = arith.constant 32 : index
        %get3A_525 = tpu.vector_load %arg8[%get3A_521, %get3A_522, %get3A_523, %get3A_524] {strides = array<i32>} : memref<2x4x96x128xf32, #tpu.memory_space<vmem>>, vector<16xf32>,
        %mul3A_526 = arith.mulf %gather3A_417, %get3A_525 : vector<16xf32>
        %add3A_527 = arith.addf %add3A_518, %mul3A_526 : vector<16xf32>
        %get3A_528 = arith.constant 1 : i32
        %get3A_529 = arith.constant 3 : i32
        %get3A_530 = arith.index_cast %get3A_528 : i32 to index
        %get3A_531 = arith.index_cast %get3A_529 : i32 to index
        %get3A_532 = arith.index_cast %add3A_400 : i32 to index
        %get3A_533 = arith.constant 32 : index
        %get3A_534 = tpu.vector_load %arg8[%get3A_530, %get3A_531, %get3A_532, %get3A_533] {strides = array<i32>} : memref<2x4x96x128xf32, #tpu.memory_space<vmem>>, vector<16xf32>,
        %mul3A_535 = arith.mulf %gather3A_423, %get3A_534 : vector<16xf32>
        %add3A_536 = arith.addf %add3A_527, %mul3A_535 : vector<16xf32>
        %swap3A_537 = arith.constant 1 : i32
        %swap3A_538 = arith.index_cast %swap3A_537 : i32 to index
        %swap3A_539 = arith.index_cast %add3A_400 : i32 to index
        %swap3A_540 = arith.constant 32 : index
        %swap3A_541 = tpu.vector_load %arg9[%swap3A_538, %swap3A_539, %swap3A_540] {strides = array<i32>} : memref<2x96x128xf32, #tpu.memory_space<vmem>>, vector<16xf32>,
        tpu.vector_store %arg9[%swap3A_538, %swap3A_539, %swap3A_540], %add3A_536 {strides = array<i32>} : memref<2x96x128xf32, #tpu.memory_space<vmem>>, vector<16xf32>,
        %get3A_542 = arith.constant 1 : i32
        %get3A_543 = arith.constant 0 : i32
        %get3A_544 = arith.index_cast %get3A_542 : i32 to index
        %get3A_545 = arith.index_cast %get3A_543 : i32 to index
        %get3A_546 = arith.index_cast %add3A_400 : i32 to index
        %get3A_547 = arith.constant 48 : index
        %get3A_548 = tpu.vector_load %arg8[%get3A_544, %get3A_545, %get3A_546, %get3A_547] {strides = array<i32>} : memref<2x4x96x128xf32, #tpu.memory_space<vmem>>, vector<16xf32>,
        %mul3A_549 = arith.mulf %gather3A_405, %get3A_548 : vector<16xf32>
        %get3A_550 = arith.constant 1 : i32
        %get3A_551 = arith.constant 1 : i32
        %get3A_552 = arith.index_cast %get3A_550 : i32 to index
        %get3A_553 = arith.index_cast %get3A_551 : i32 to index
        %get3A_554 = arith.index_cast %add3A_400 : i32 to index
        %get3A_555 = arith.constant 48 : index
        %get3A_556 = tpu.vector_load %arg8[%get3A_552, %get3A_553, %get3A_554, %get3A_555] {strides = array<i32>} : memref<2x4x96x128xf32, #tpu.memory_space<vmem>>, vector<16xf32>,
        %mul3A_557 = arith.mulf %gather3A_411, %get3A_556 : vector<16xf32>
        %add3A_558 = arith.addf %mul3A_549, %mul3A_557 : vector<16xf32>
        %get3A_559 = arith.constant 1 : i32
        %get3A_560 = arith.constant 2 : i32
        %get3A_561 = arith.index_cast %get3A_559 : i32 to index
        %get3A_562 = arith.index_cast %get3A_560 : i32 to index
        %get3A_563 = arith.index_cast %add3A_400 : i32 to index
        %get3A_564 = arith.constant 48 : index
        %get3A_565 = tpu.vector_load %arg8[%get3A_561, %get3A_562, %get3A_563, %get3A_564] {strides = array<i32>} : memref<2x4x96x128xf32, #tpu.memory_space<vmem>>, vector<16xf32>,
        %mul3A_566 = arith.mulf %gather3A_417, %get3A_565 : vector<16xf32>
        %add3A_567 = arith.addf %add3A_558, %mul3A_566 : vector<16xf32>
        %get3A_568 = arith.constant 1 : i32
        %get3A_569 = arith.constant 3 : i32
        %get3A_570 = arith.index_cast %get3A_568 : i32 to index
        %get3A_571 = arith.index_cast %get3A_569 : i32 to index
        %get3A_572 = arith.index_cast %add3A_400 : i32 to index
        %get3A_573 = arith.constant 48 : index
        %get3A_574 = tpu.vector_load %arg8[%get3A_570, %get3A_571, %get3A_572, %get3A_573] {strides = array<i32>} : memref<2x4x96x128xf32, #tpu.memory_space<vmem>>, vector<16xf32>,
        %mul3A_575 = arith.mulf %gather3A_423, %get3A_574 : vector<16xf32>
        %add3A_576 = arith.addf %add3A_567, %mul3A_575 : vector<16xf32>
        %swap3A_577 = arith.constant 1 : i32
        %swap3A_578 = arith.index_cast %swap3A_577 : i32 to index
        %swap3A_579 = arith.index_cast %add3A_400 : i32 to index
        %swap3A_580 = arith.constant 48 : index
        %swap3A_581 = tpu.vector_load %arg9[%swap3A_578, %swap3A_579, %swap3A_580] {strides = array<i32>} : memref<2x96x128xf32, #tpu.memory_space<vmem>>, vector<16xf32>,
        tpu.vector_store %arg9[%swap3A_578, %swap3A_579, %swap3A_580], %add3A_576 {strides = array<i32>} : memref<2x96x128xf32, #tpu.memory_space<vmem>>, vector<16xf32>,
        %get3A_582 = arith.constant 1 : i32
        %get3A_583 = arith.constant 0 : i32
        %get3A_584 = arith.index_cast %get3A_582 : i32 to index
        %get3A_585 = arith.index_cast %get3A_583 : i32 to index
        %get3A_586 = arith.index_cast %add3A_400 : i32 to index
        %get3A_587 = arith.constant 64 : index
        %get3A_588 = tpu.vector_load %arg8[%get3A_584, %get3A_585, %get3A_586, %get3A_587] {strides = array<i32>} : memref<2x4x96x128xf32, #tpu.memory_space<vmem>>, vector<16xf32>,
        %mul3A_589 = arith.mulf %gather3A_405, %get3A_588 : vector<16xf32>
        %get3A_590 = arith.constant 1 : i32
        %get3A_591 = arith.constant 1 : i32
        %get3A_592 = arith.index_cast %get3A_590 : i32 to index
        %get3A_593 = arith.index_cast %get3A_591 : i32 to index
        %get3A_594 = arith.index_cast %add3A_400 : i32 to index
        %get3A_595 = arith.constant 64 : index
        %get3A_596 = tpu.vector_load %arg8[%get3A_592, %get3A_593, %get3A_594, %get3A_595] {strides = array<i32>} : memref<2x4x96x128xf32, #tpu.memory_space<vmem>>, vector<16xf32>,
        %mul3A_597 = arith.mulf %gather3A_411, %get3A_596 : vector<16xf32>
        %add3A_598 = arith.addf %mul3A_589, %mul3A_597 : vector<16xf32>
        %get3A_599 = arith.constant 1 : i32
        %get3A_600 = arith.constant 2 : i32
        %get3A_601 = arith.index_cast %get3A_599 : i32 to index
        %get3A_602 = arith.index_cast %get3A_600 : i32 to index
        %get3A_603 = arith.index_cast %add3A_400 : i32 to index
        %get3A_604 = arith.constant 64 : index
        %get3A_605 = tpu.vector_load %arg8[%get3A_601, %get3A_602, %get3A_603, %get3A_604] {strides = array<i32>} : memref<2x4x96x128xf32, #tpu.memory_space<vmem>>, vector<16xf32>,
        %mul3A_606 = arith.mulf %gather3A_417, %get3A_605 : vector<16xf32>
        %add3A_607 = arith.addf %add3A_598, %mul3A_606 : vector<16xf32>
        %get3A_608 = arith.constant 1 : i32
        %get3A_609 = arith.constant 3 : i32
        %get3A_610 = arith.index_cast %get3A_608 : i32 to index
        %get3A_611 = arith.index_cast %get3A_609 : i32 to index
        %get3A_612 = arith.index_cast %add3A_400 : i32 to index
        %get3A_613 = arith.constant 64 : index
        %get3A_614 = tpu.vector_load %arg8[%get3A_610, %get3A_611, %get3A_612, %get3A_613] {strides = array<i32>} : memref<2x4x96x128xf32, #tpu.memory_space<vmem>>, vector<16xf32>,
        %mul3A_615 = arith.mulf %gather3A_423, %get3A_614 : vector<16xf32>
        %add3A_616 = arith.addf %add3A_607, %mul3A_615 : vector<16xf32>
        %swap3A_617 = arith.constant 1 : i32
        %swap3A_618 = arith.index_cast %swap3A_617 : i32 to index
        %swap3A_619 = arith.index_cast %add3A_400 : i32 to index
        %swap3A_620 = arith.constant 64 : index
        %swap3A_621 = tpu.vector_load %arg9[%swap3A_618, %swap3A_619, %swap3A_620] {strides = array<i32>} : memref<2x96x128xf32, #tpu.memory_space<vmem>>, vector<16xf32>,
        tpu.vector_store %arg9[%swap3A_618, %swap3A_619, %swap3A_620], %add3A_616 {strides = array<i32>} : memref<2x96x128xf32, #tpu.memory_space<vmem>>, vector<16xf32>,
        %get3A_622 = arith.constant 1 : i32
        %get3A_623 = arith.constant 0 : i32
        %get3A_624 = arith.index_cast %get3A_622 : i32 to index
        %get3A_625 = arith.index_cast %get3A_623 : i32 to index
        %get3A_626 = arith.index_cast %add3A_400 : i32 to index
        %get3A_627 = arith.constant 80 : index
        %get3A_628 = tpu.vector_load %arg8[%get3A_624, %get3A_625, %get3A_626, %get3A_627] {strides = array<i32>} : memref<2x4x96x128xf32, #tpu.memory_space<vmem>>, vector<16xf32>,
        %mul3A_629 = arith.mulf %gather3A_405, %get3A_628 : vector<16xf32>
        %get3A_630 = arith.constant 1 : i32
        %get3A_631 = arith.constant 1 : i32
        %get3A_632 = arith.index_cast %get3A_630 : i32 to index
        %get3A_633 = arith.index_cast %get3A_631 : i32 to index
        %get3A_634 = arith.index_cast %add3A_400 : i32 to index
        %get3A_635 = arith.constant 80 : index
        %get3A_636 = tpu.vector_load %arg8[%get3A_632, %get3A_633, %get3A_634, %get3A_635] {strides = array<i32>} : memref<2x4x96x128xf32, #tpu.memory_space<vmem>>, vector<16xf32>,
        %mul3A_637 = arith.mulf %gather3A_411, %get3A_636 : vector<16xf32>
        %add3A_638 = arith.addf %mul3A_629, %mul3A_637 : vector<16xf32>
        %get3A_639 = arith.constant 1 : i32
        %get3A_640 = arith.constant 2 : i32
        %get3A_641 = arith.index_cast %get3A_639 : i32 to index
        %get3A_642 = arith.index_cast %get3A_640 : i32 to index
        %get3A_643 = arith.index_cast %add3A_400 : i32 to index
        %get3A_644 = arith.constant 80 : index
        %get3A_645 = tpu.vector_load %arg8[%get3A_641, %get3A_642, %get3A_643, %get3A_644] {strides = array<i32>} : memref<2x4x96x128xf32, #tpu.memory_space<vmem>>, vector<16xf32>,
        %mul3A_646 = arith.mulf %gather3A_417, %get3A_645 : vector<16xf32>
        %add3A_647 = arith.addf %add3A_638, %mul3A_646 : vector<16xf32>
        %get3A_648 = arith.constant 1 : i32
        %get3A_649 = arith.constant 3 : i32
        %get3A_650 = arith.index_cast %get3A_648 : i32 to index
        %get3A_651 = arith.index_cast %get3A_649 : i32 to index
        %get3A_652 = arith.index_cast %add3A_400 : i32 to index
        %get3A_653 = arith.constant 80 : index
        %get3A_654 = tpu.vector_load %arg8[%get3A_650, %get3A_651, %get3A_652, %get3A_653] {strides = array<i32>} : memref<2x4x96x128xf32, #tpu.memory_space<vmem>>, vector<16xf32>,
        %mul3A_655 = arith.mulf %gather3A_423, %get3A_654 : vector<16xf32>
        %add3A_656 = arith.addf %add3A_647, %mul3A_655 : vector<16xf32>
        %swap3A_657 = arith.constant 1 : i32
        %swap3A_658 = arith.index_cast %swap3A_657 : i32 to index
        %swap3A_659 = arith.index_cast %add3A_400 : i32 to index
        %swap3A_660 = arith.constant 80 : index
        %swap3A_661 = tpu.vector_load %arg9[%swap3A_658, %swap3A_659, %swap3A_660] {strides = array<i32>} : memref<2x96x128xf32, #tpu.memory_space<vmem>>, vector<16xf32>,
        tpu.vector_store %arg9[%swap3A_658, %swap3A_659, %swap3A_660], %add3A_656 {strides = array<i32>} : memref<2x96x128xf32, #tpu.memory_space<vmem>>, vector<16xf32>,
      }
      %scan3A_370 = arith.constant 96 : i32
      %mul3A_371 = arith.constant 18432 : i32
      %mul3A_372 = arith.muli %add3A, %mul3A_371 : i32
      %mul3A_373 = arith.constant 96 : i32
      %mul3A_374 = arith.muli %add3A_289, %mul3A_373 : i32
      %add3A_375 = arith.addi %mul3A_372, %mul3A_374 : i32
      %dma_start3A_376 = arith.constant 1 : i32
      %dma_start3A_377 = arith.constant 0 : i32
      %dma_start3A_378 = arith.constant 0 : i32
      %dma_start3A_379 = tpu.memref_slice %arg9[%dma_start3A_376, %dma_start3A_377, %dma_start3A_378] : memref<2x96x128xf32, #tpu.memory_space<vmem>> -> memref<1x96x128xf32, #tpu.memory_space<vmem>>
      %dma_start3A_380 = tpu.memref_squeeze %dma_start3A_379 : memref<1x96x128xf32, #tpu.memory_space<vmem>> -> memref<96x128xf32, #tpu.memory_space<vmem>>
      %dma_start3A_381 = arith.constant 0 : i32
      %dma_start3A_382 = tpu.memref_slice %arg5[%add3A_375, %dma_start3A_381] : memref<589824x128xf32, #tpu.memory_space<hbm>> -> memref<96x128xf32, #tpu.memory_space<hbm>>
      %dma_start3A_383 = arith.constant 0 : i32
      %dma_start3A_384 = tpu.memref_slice %arg5[%add3A_375, %dma_start3A_383] : memref<589824x128xf32, #tpu.memory_space<hbm>> -> memref<96x128xf32, #tpu.memory_space<hbm>>
      %dma_start3A_385 = arith.constant 0 : i32
      %dma_start3A_386 = arith.constant 0 : i32
      %dma_start3A_387 = tpu.memref_slice %arg9[%dma_start3A_376, %dma_start3A_385, %dma_start3A_386] : memref<2x96x128xf32, #tpu.memory_space<vmem>> -> memref<1x96x128xf32, #tpu.memory_space<vmem>>
      %dma_start3A_388 = tpu.memref_squeeze %dma_start3A_387 : memref<1x96x128xf32, #tpu.memory_space<vmem>> -> memref<96x128xf32, #tpu.memory_space<vmem>>
      tpu.enqueue_dma source(%dma_start3A_388 : memref<96x128xf32, #tpu.memory_space<vmem>>) target(%dma_start3A_384 : memref<96x128xf32, #tpu.memory_space<hbm>>) target_semaphore(%arg15 : memref<!tpu.dma_semaphore, #tpu.memory_space<semaphore_mem>>)
      %add3A_389 = arith.constant 2 : i32
      %add3A_390 = arith.addi %add3A_289, %add3A_389 : i32
      %lt3A_391 = arith.constant 192 : i32
      %lt3A_392 = arith.cmpi slt, %add3A_390, %lt3A_391 : i32
      %convert_element_type3A_393 = arith.extui %lt3A_392 : i1 to i32
      %cond3A_394 = arith.constant 0 : i32
      %cond3A_395 = arith.cmpi ne, %convert_element_type3A_393, %cond3A_394 : i32
      scf.if %cond3A_395 {
        %add3A_396 = arith.constant 2 : i32
        %add3A_397 = arith.addi %add3A_289, %add3A_396 : i32
        %mul3A_398 = arith.constant 18432 : i32
        %mul3A_399 = arith.muli %add3A, %mul3A_398 : i32
        %mul3A_400 = arith.constant 96 : i32
        %mul3A_401 = arith.muli %add3A_397, %mul3A_400 : i32
        %add3A_402 = arith.addi %mul3A_399, %mul3A_401 : i32
        %dma_start3A_403 = arith.constant 1 : i32
        %dma_start3A_404 = arith.constant 0 : i32
        %dma_start3A_405 = arith.constant 0 : i32
        %dma_start3A_406 = tpu.memref_slice %arg6[%dma_start3A_403, %dma_start3A_404, %dma_start3A_405] : memref<2x4x96xi32, #tpu.memory_space<vmem>> -> memref<1x4x96xi32, #tpu.memory_space<vmem>>
        %dma_start3A_407 = tpu.memref_squeeze %dma_start3A_406 : memref<1x4x96xi32, #tpu.memory_space<vmem>> -> memref<4x96xi32, #tpu.memory_space<vmem>>
        %dma_start3A_408 = arith.constant 0 : i32
        %dma_start3A_409 = tpu.memref_slice %arg3[%dma_start3A_408, %add3A_402] : memref<4x589824xi32, #tpu.memory_space<hbm>> -> memref<4x96xi32, #tpu.memory_space<hbm>>
        %dma_start3A_410 = arith.constant 0 : i32
        %dma_start3A_411 = arith.constant 0 : i32
        %dma_start3A_412 = tpu.memref_slice %arg6[%dma_start3A_403, %dma_start3A_410, %dma_start3A_411] : memref<2x4x96xi32, #tpu.memory_space<vmem>> -> memref<1x4x96xi32, #tpu.memory_space<vmem>>
        %dma_start3A_413 = tpu.memref_squeeze %dma_start3A_412 : memref<1x4x96xi32, #tpu.memory_space<vmem>> -> memref<4x96xi32, #tpu.memory_space<vmem>>
        %dma_start3A_414 = arith.constant 0 : i32
        %dma_start3A_415 = tpu.memref_slice %arg3[%dma_start3A_414, %add3A_402] : memref<4x589824xi32, #tpu.memory_space<hbm>> -> memref<4x96xi32, #tpu.memory_space<hbm>>
        tpu.enqueue_dma source(%dma_start3A_415 : memref<4x96xi32, #tpu.memory_space<hbm>>) target(%dma_start3A_413 : memref<4x96xi32, #tpu.memory_space<vmem>>) target_semaphore(%arg13 : memref<!tpu.dma_semaphore, #tpu.memory_space<semaphore_mem>>)
        %dma_start3A_416 = arith.constant 1 : i32
        %dma_start3A_417 = arith.constant 0 : i32
        %dma_start3A_418 = arith.constant 0 : i32
        %dma_start3A_419 = tpu.memref_slice %arg7[%dma_start3A_416, %dma_start3A_417, %dma_start3A_418] : memref<2x4x96xf32, #tpu.memory_space<vmem>> -> memref<1x4x96xf32, #tpu.memory_space<vmem>>
        %dma_start3A_420 = tpu.memref_squeeze %dma_start3A_419 : memref<1x4x96xf32, #tpu.memory_space<vmem>> -> memref<4x96xf32, #tpu.memory_space<vmem>>
        %dma_start3A_421 = arith.constant 0 : i32
        %dma_start3A_422 = tpu.memref_slice %arg4[%dma_start3A_421, %add3A_402] : memref<4x589824xf32, #tpu.memory_space<hbm>> -> memref<4x96xf32, #tpu.memory_space<hbm>>
        %dma_start3A_423 = arith.constant 0 : i32
        %dma_start3A_424 = arith.constant 0 : i32
        %dma_start3A_425 = tpu.memref_slice %arg7[%dma_start3A_416, %dma_start3A_423, %dma_start3A_424] : memref<2x4x96xf32, #tpu.memory_space<vmem>> -> memref<1x4x96xf32, #tpu.memory_space<vmem>>
        %dma_start3A_426 = tpu.memref_squeeze %dma_start3A_425 : memref<1x4x96xf32, #tpu.memory_space<vmem>> -> memref<4x96xf32, #tpu.memory_space<vmem>>
        %dma_start3A_427 = arith.constant 0 : i32
        %dma_start3A_428 = tpu.memref_slice %arg4[%dma_start3A_427, %add3A_402] : memref<4x589824xf32, #tpu.memory_space<hbm>> -> memref<4x96xf32, #tpu.memory_space<hbm>>
        tpu.enqueue_dma source(%dma_start3A_428 : memref<4x96xf32, #tpu.memory_space<hbm>>) target(%dma_start3A_426 : memref<4x96xf32, #tpu.memory_space<vmem>>) target_semaphore(%arg13 : memref<!tpu.dma_semaphore, #tpu.memory_space<semaphore_mem>>)
      } else {
      }
    }
    %scan3A_148 = arith.constant 96 : i32
    %dma_wait3A_149 = arith.constant 0 : i32
    %dma_wait3A_150 = arith.constant 0 : i32
    %dma_wait3A_151 = arith.constant 0 : i32
    %dma_wait3A_152 = tpu.memref_slice %arg9[%dma_wait3A_149, %dma_wait3A_150, %dma_wait3A_151] : memref<2x96x128xf32, #tpu.memory_space<vmem>> -> memref<1x96x128xf32, #tpu.memory_space<vmem>>
    %dma_wait3A_153 = tpu.memref_squeeze %dma_wait3A_152 : memref<1x96x128xf32, #tpu.memory_space<vmem>> -> memref<96x128xf32, #tpu.memory_space<vmem>>
    %dma_wait3A_154 = arith.constant 0 : i32
    %dma_wait3A_155 = arith.constant 0 : i32
    %dma_wait3A_156 = tpu.memref_slice %arg5[%dma_wait3A_154, %dma_wait3A_155] : memref<589824x128xf32, #tpu.memory_space<hbm>> -> memref<96x128xf32, #tpu.memory_space<hbm>>
    %dma_wait3A_157 = arith.constant 0 : i32
    %dma_wait3A_158 = arith.constant 0 : i32
    %dma_wait3A_159 = tpu.memref_slice %arg5[%dma_wait3A_157, %dma_wait3A_158] : memref<589824x128xf32, #tpu.memory_space<hbm>> -> memref<96x128xf32, #tpu.memory_space<hbm>>
    %dma_wait3A_160 = arith.constant 0 : i32
    %dma_wait3A_161 = arith.constant 0 : i32
    %dma_wait3A_162 = tpu.memref_slice %arg9[%dma_wait3A_149, %dma_wait3A_160, %dma_wait3A_161] : memref<2x96x128xf32, #tpu.memory_space<vmem>> -> memref<1x96x128xf32, #tpu.memory_space<vmem>>
    %dma_wait3A_163 = tpu.memref_squeeze %dma_wait3A_162 : memref<1x96x128xf32, #tpu.memory_space<vmem>> -> memref<96x128xf32, #tpu.memory_space<vmem>>
    tpu.wait_dma2 semaphore(%arg14 : memref<!tpu.dma_semaphore, #tpu.memory_space<semaphore_mem>>) src(%dma_wait3A_163 : memref<96x128xf32, #tpu.memory_space<vmem>>) dst(%dma_wait3A_159 : memref<96x128xf32, #tpu.memory_space<hbm>>)
    %dma_wait3A_164 = arith.constant 1 : i32
    %dma_wait3A_165 = arith.constant 0 : i32
    %dma_wait3A_166 = arith.constant 0 : i32
    %dma_wait3A_167 = tpu.memref_slice %arg9[%dma_wait3A_164, %dma_wait3A_165, %dma_wait3A_166] : memref<2x96x128xf32, #tpu.memory_space<vmem>> -> memref<1x96x128xf32, #tpu.memory_space<vmem>>
    %dma_wait3A_168 = tpu.memref_squeeze %dma_wait3A_167 : memref<1x96x128xf32, #tpu.memory_space<vmem>> -> memref<96x128xf32, #tpu.memory_space<vmem>>
    %dma_wait3A_169 = arith.constant 0 : i32
    %dma_wait3A_170 = arith.constant 0 : i32
    %dma_wait3A_171 = tpu.memref_slice %arg5[%dma_wait3A_169, %dma_wait3A_170] : memref<589824x128xf32, #tpu.memory_space<hbm>> -> memref<96x128xf32, #tpu.memory_space<hbm>>
    %dma_wait3A_172 = arith.constant 0 : i32
    %dma_wait3A_173 = arith.constant 0 : i32
    %dma_wait3A_174 = tpu.memref_slice %arg5[%dma_wait3A_172, %dma_wait3A_173] : memref<589824x128xf32, #tpu.memory_space<hbm>> -> memref<96x128xf32, #tpu.memory_space<hbm>>
    %dma_wait3A_175 = arith.constant 0 : i32
    %dma_wait3A_176 = arith.constant 0 : i32
    %dma_wait3A_177 = tpu.memref_slice %arg9[%dma_wait3A_164, %dma_wait3A_175, %dma_wait3A_176] : memref<2x96x128xf32, #tpu.memory_space<vmem>> -> memref<1x96x128xf32, #tpu.memory_space<vmem>>
    %dma_wait3A_178 = tpu.memref_squeeze %dma_wait3A_177 : memref<1x96x128xf32, #tpu.memory_space<vmem>> -> memref<96x128xf32, #tpu.memory_space<vmem>>
    tpu.wait_dma2 semaphore(%arg15 : memref<!tpu.dma_semaphore, #tpu.memory_space<semaphore_mem>>) src(%dma_wait3A_178 : memref<96x128xf32, #tpu.memory_space<vmem>>) dst(%dma_wait3A_174 : memref<96x128xf32, #tpu.memory_space<hbm>>)
    return
  }
}

module attributes {stable_mosaic.version = 14 : i64} {
  func.func @_prep_body(%arg0: i32, %arg1: i32, %arg2: memref<1x2x64x384xf32, #tpu.memory_space<vmem>>, %arg3: memref<4x64x384xi32, #tpu.memory_space<vmem>>, %arg4: memref<4x64x384xf32, #tpu.memory_space<vmem>>, %arg5: memref<64x384xi32, #tpu.memory_space<vmem>>) attributes {dimension_semantics = [#tpu.dimension_semantics<arbitrary>, #tpu.dimension_semantics<arbitrary>], iteration_bounds = array<i64: 4, 6>, scalar_prefetch = 0 : i64, scratch_operands = 0 : i64, tpu.core_type = #tpu.core_type<tc>, window_params = [{transform_indices = @transform_0, window_bounds = array<i64: 1, 2, 64, 384>}, {transform_indices = @transform_1, window_bounds = array<i64: 4, 64, 384>}, {transform_indices = @transform_2, window_bounds = array<i64: 4, 64, 384>}, {transform_indices = @transform_3, window_bounds = array<i64: 64, 384>}]} {
    %get3A = arith.constant 0 : index
    %get3A_0 = arith.constant 0 : index
    %get3A_1 = arith.constant 0 : index
    %get3A_2 = arith.constant 0 : index
    %get3A_3 = vector.load %arg2[%get3A, %get3A_0, %get3A_1, %get3A_2] : memref<1x2x64x384xf32, #tpu.memory_space<vmem>>, vector<1x1x64x384xf32>
    %get3A_4 = vector.shape_cast %get3A_3 : vector<1x1x64x384xf32> to vector<64x384xf32>
    %get3A_5 = arith.constant 0 : index
    %get3A_6 = arith.constant 1 : index
    %get3A_7 = arith.constant 0 : index
    %get3A_8 = arith.constant 0 : index
    %get3A_9 = vector.load %arg2[%get3A_5, %get3A_6, %get3A_7, %get3A_8] : memref<1x2x64x384xf32, #tpu.memory_space<vmem>>, vector<1x1x64x384xf32>
    %get3A_10 = vector.shape_cast %get3A_9 : vector<1x1x64x384xf32> to vector<64x384xf32>
    %iota3A = tpu.iota {dimensions = array<i32: 1>} : vector<64x384xi32>
    %convert_element_type3A = arith.sitofp %iota3A : vector<64x384xi32> to vector<64x384xf32>
    %iota3A_11 = tpu.iota {dimensions = array<i32: 0>} : vector<64x384xi32>
    %mul3A = arith.constant 64 : i32
    %mul3A_12 = arith.muli %arg1, %mul3A : i32
    %add3A = vector.broadcast %mul3A_12 : i32 to vector<64x384xi32>
    %add3A_13 = arith.addi %iota3A_11, %add3A : vector<64x384xi32>
    %convert_element_type3A_14 = arith.sitofp %add3A_13 : vector<64x384xi32> to vector<64x384xf32>
    %add3A_15 = arith.addf %convert_element_type3A, %get3A_4 : vector<64x384xf32>
    %add3A_16 = arith.addf %convert_element_type3A_14, %get3A_10 : vector<64x384xf32>
    %mul3A_17 = arith.constant 2.000000e+00 : f32
    %mul3A_18 = vector.broadcast %mul3A_17 : f32 to vector<64x384xf32>
    %mul3A_19 = arith.mulf %mul3A_18, %add3A_15 : vector<64x384xf32>
    %div3A = arith.constant 3.830000e+02 : f32
    %div3A_20 = vector.broadcast %div3A : f32 to vector<64x384xf32>
    %div3A_21 = arith.divf %mul3A_19, %div3A_20 : vector<64x384xf32>
    %sub3A = arith.constant 1.000000e+00 : f32
    %sub3A_22 = vector.broadcast %sub3A : f32 to vector<64x384xf32>
    %sub3A_23 = arith.subf %div3A_21, %sub3A_22 : vector<64x384xf32>
    %mul3A_24 = arith.constant 2.000000e+00 : f32
    %mul3A_25 = vector.broadcast %mul3A_24 : f32 to vector<64x384xf32>
    %mul3A_26 = arith.mulf %mul3A_25, %add3A_16 : vector<64x384xf32>
    %div3A_27 = arith.constant 3.830000e+02 : f32
    %div3A_28 = vector.broadcast %div3A_27 : f32 to vector<64x384xf32>
    %div3A_29 = arith.divf %mul3A_26, %div3A_28 : vector<64x384xf32>
    %sub3A_30 = arith.constant 1.000000e+00 : f32
    %sub3A_31 = vector.broadcast %sub3A_30 : f32 to vector<64x384xf32>
    %sub3A_32 = arith.subf %div3A_29, %sub3A_31 : vector<64x384xf32>
    %add3A_33 = arith.constant 1.000000e+00 : f32
    %add3A_34 = vector.broadcast %add3A_33 : f32 to vector<64x384xf32>
    %add3A_35 = arith.addf %sub3A_23, %add3A_34 : vector<64x384xf32>
    %mul3A_36 = arith.constant 3.840000e+02 : f32
    %mul3A_37 = vector.broadcast %mul3A_36 : f32 to vector<64x384xf32>
    %mul3A_38 = arith.mulf %add3A_35, %mul3A_37 : vector<64x384xf32>
    %sub3A_39 = arith.constant 1.000000e+00 : f32
    %sub3A_40 = vector.broadcast %sub3A_39 : f32 to vector<64x384xf32>
    %sub3A_41 = arith.subf %mul3A_38, %sub3A_40 : vector<64x384xf32>
    %div3A_42 = arith.constant 2.000000e+00 : f32
    %div3A_43 = vector.broadcast %div3A_42 : f32 to vector<64x384xf32>
    %div3A_44 = arith.divf %sub3A_41, %div3A_43 : vector<64x384xf32>
    %add3A_45 = arith.constant 1.000000e+00 : f32
    %add3A_46 = vector.broadcast %add3A_45 : f32 to vector<64x384xf32>
    %add3A_47 = arith.addf %sub3A_32, %add3A_46 : vector<64x384xf32>
    %mul3A_48 = arith.constant 3.840000e+02 : f32
    %mul3A_49 = vector.broadcast %mul3A_48 : f32 to vector<64x384xf32>
    %mul3A_50 = arith.mulf %add3A_47, %mul3A_49 : vector<64x384xf32>
    %sub3A_51 = arith.constant 1.000000e+00 : f32
    %sub3A_52 = vector.broadcast %sub3A_51 : f32 to vector<64x384xf32>
    %sub3A_53 = arith.subf %mul3A_50, %sub3A_52 : vector<64x384xf32>
    %div3A_54 = arith.constant 2.000000e+00 : f32
    %div3A_55 = vector.broadcast %div3A_54 : f32 to vector<64x384xf32>
    %div3A_56 = arith.divf %sub3A_53, %div3A_55 : vector<64x384xf32>
    %floor3A = math.floor %div3A_44 : vector<64x384xf32>
    %floor3A_57 = math.floor %div3A_56 : vector<64x384xf32>
    %add3A_58 = arith.constant 1.000000e+00 : f32
    %add3A_59 = vector.broadcast %add3A_58 : f32 to vector<64x384xf32>
    %add3A_60 = arith.addf %floor3A, %add3A_59 : vector<64x384xf32>
    %add3A_61 = arith.constant 1.000000e+00 : f32
    %add3A_62 = vector.broadcast %add3A_61 : f32 to vector<64x384xf32>
    %add3A_63 = arith.addf %floor3A_57, %add3A_62 : vector<64x384xf32>
    %sub3A_64 = arith.subf %div3A_44, %floor3A : vector<64x384xf32>
    %sub3A_65 = arith.constant 1.000000e+00 : f32
    %sub3A_66 = vector.broadcast %sub3A_65 : f32 to vector<64x384xf32>
    %sub3A_67 = arith.subf %sub3A_66, %sub3A_64 : vector<64x384xf32>
    %sub3A_68 = arith.subf %div3A_56, %floor3A_57 : vector<64x384xf32>
    %sub3A_69 = arith.constant 1.000000e+00 : f32
    %sub3A_70 = vector.broadcast %sub3A_69 : f32 to vector<64x384xf32>
    %sub3A_71 = arith.subf %sub3A_70, %sub3A_68 : vector<64x384xf32>
    %abs3A = math.absf %sub3A_23 : vector<64x384xf32>
    %le3A = arith.constant 1.000000e+00 : f32
    %le3A_72 = vector.broadcast %le3A : f32 to vector<64x384xf32>
    %le3A_73 = arith.cmpf ole, %abs3A, %le3A_72 : vector<64x384xf32>
    %abs3A_74 = math.absf %sub3A_32 : vector<64x384xf32>
    %le3A_75 = arith.constant 1.000000e+00 : f32
    %le3A_76 = vector.broadcast %le3A_75 : f32 to vector<64x384xf32>
    %le3A_77 = arith.cmpf ole, %abs3A_74, %le3A_76 : vector<64x384xf32>
    %and3A = arith.andi %le3A_73, %le3A_77 : vector<64x384xi1>
    %convert_element_type3A_78 = arith.extui %and3A : vector<64x384xi1> to vector<64x384xi32>
    %swap3A = arith.constant 0 : index
    %swap3A_79 = arith.constant 0 : index
    %swap3A_80 = vector.load %arg5[%swap3A, %swap3A_79] : memref<64x384xi32, #tpu.memory_space<vmem>>, vector<64x384xi32>
    tpu.vector_store %arg5[%swap3A, %swap3A_79], %convert_element_type3A_78 {strides = array<i32>} : memref<64x384xi32, #tpu.memory_space<vmem>>, vector<64x384xi32>,
    %mul3A_81 = arith.mulf %sub3A_71, %sub3A_67 : vector<64x384xf32>
    %mul3A_82 = arith.mulf %sub3A_71, %sub3A_64 : vector<64x384xf32>
    %mul3A_83 = arith.mulf %sub3A_68, %sub3A_67 : vector<64x384xf32>
    %mul3A_84 = arith.mulf %sub3A_68, %sub3A_64 : vector<64x384xf32>
    %ge3A = arith.constant 0.000000e+00 : f32
    %ge3A_85 = vector.broadcast %ge3A : f32 to vector<64x384xf32>
    %ge3A_86 = arith.cmpf oge, %floor3A, %ge3A_85 : vector<64x384xf32>
    %le3A_87 = arith.constant 3.830000e+02 : f32
    %le3A_88 = vector.broadcast %le3A_87 : f32 to vector<64x384xf32>
    %le3A_89 = arith.cmpf ole, %floor3A, %le3A_88 : vector<64x384xf32>
    %and3A_90 = arith.andi %ge3A_86, %le3A_89 : vector<64x384xi1>
    %ge3A_91 = arith.constant 0.000000e+00 : f32
    %ge3A_92 = vector.broadcast %ge3A_91 : f32 to vector<64x384xf32>
    %ge3A_93 = arith.cmpf oge, %floor3A_57, %ge3A_92 : vector<64x384xf32>
    %and3A_94 = arith.andi %and3A_90, %ge3A_93 : vector<64x384xi1>
    %le3A_95 = arith.constant 3.830000e+02 : f32
    %le3A_96 = vector.broadcast %le3A_95 : f32 to vector<64x384xf32>
    %le3A_97 = arith.cmpf ole, %floor3A_57, %le3A_96 : vector<64x384xf32>
    %and3A_98 = arith.andi %and3A_94, %le3A_97 : vector<64x384xi1>
    %jit3A = arith.constant 0 : i32
    %jit3A_99 = arith.constant 383 : i32
    %convert_element_type3A_100 = arith.sitofp %jit3A : i32 to f32
    %max3A = vector.broadcast %convert_element_type3A_100 : f32 to vector<64x384xf32>
    %max3A_101 = arith.maximumf %max3A, %floor3A : vector<64x384xf32>
    %convert_element_type3A_102 = arith.sitofp %jit3A_99 : i32 to f32
    %min3A = vector.broadcast %convert_element_type3A_102 : f32 to vector<64x384xf32>
    %min3A_103 = arith.minimumf %min3A, %max3A_101 : vector<64x384xf32>
    %convert_element_type3A_104 = arith.fptosi %min3A_103 : vector<64x384xf32> to vector<64x384xi32>
    %jit3A_105 = arith.constant 0 : i32
    %jit3A_106 = arith.constant 383 : i32
    %convert_element_type3A_107 = arith.sitofp %jit3A_105 : i32 to f32
    %max3A_108 = vector.broadcast %convert_element_type3A_107 : f32 to vector<64x384xf32>
    %max3A_109 = arith.maximumf %max3A_108, %floor3A_57 : vector<64x384xf32>
    %convert_element_type3A_110 = arith.sitofp %jit3A_106 : i32 to f32
    %min3A_111 = vector.broadcast %convert_element_type3A_110 : f32 to vector<64x384xf32>
    %min3A_112 = arith.minimumf %min3A_111, %max3A_109 : vector<64x384xf32>
    %convert_element_type3A_113 = arith.fptosi %min3A_112 : vector<64x384xf32> to vector<64x384xi32>
    %mul3A_114 = arith.constant 384 : i32
    %mul3A_115 = arith.muli %arg0, %mul3A_114 : i32
    %add3A_116 = vector.broadcast %mul3A_115 : i32 to vector<64x384xi32>
    %add3A_117 = arith.addi %add3A_116, %convert_element_type3A_113 : vector<64x384xi32>
    %mul3A_118 = arith.constant 384 : i32
    %mul3A_119 = vector.broadcast %mul3A_118 : i32 to vector<64x384xi32>
    %mul3A_120 = arith.muli %add3A_117, %mul3A_119 : vector<64x384xi32>
    %add3A_121 = arith.addi %mul3A_120, %convert_element_type3A_104 : vector<64x384xi32>
    %jit3A_122 = arith.constant 0 : i32
    %jit3A_123 = arith.constant 589823 : i32
    %max3A_124 = vector.broadcast %jit3A_122 : i32 to vector<64x384xi32>
    %max3A_125 = arith.maxsi %max3A_124, %add3A_121 : vector<64x384xi32>
    %min3A_126 = vector.broadcast %jit3A_123 : i32 to vector<64x384xi32>
    %min3A_127 = arith.minsi %min3A_126, %max3A_125 : vector<64x384xi32>
    %swap3A_128 = arith.constant 0 : index
    %swap3A_129 = arith.constant 0 : index
    %swap3A_130 = arith.constant 0 : index
    %swap3A_131 = vector.load %arg3[%swap3A_128, %swap3A_129, %swap3A_130] : memref<4x64x384xi32, #tpu.memory_space<vmem>>, vector<1x64x384xi32>
    %swap3A_132 = vector.shape_cast %swap3A_131 : vector<1x64x384xi32> to vector<64x384xi32>
    %swap3A_133 = vector.shape_cast %min3A_127 : vector<64x384xi32> to vector<1x64x384xi32>
    tpu.vector_store %arg3[%swap3A_128, %swap3A_129, %swap3A_130], %swap3A_133 {strides = array<i32>} : memref<4x64x384xi32, #tpu.memory_space<vmem>>, vector<1x64x384xi32>,
    %convert_element_type3A_134 = arith.extui %and3A_98 : vector<64x384xi1> to vector<64x384xi32>
    %convert_element_type3A_135 = arith.sitofp %convert_element_type3A_134 : vector<64x384xi32> to vector<64x384xf32>
    %mul3A_136 = arith.mulf %mul3A_81, %convert_element_type3A_135 : vector<64x384xf32>
    %swap3A_137 = arith.constant 0 : index
    %swap3A_138 = arith.constant 0 : index
    %swap3A_139 = arith.constant 0 : index
    %swap3A_140 = vector.load %arg4[%swap3A_137, %swap3A_138, %swap3A_139] : memref<4x64x384xf32, #tpu.memory_space<vmem>>, vector<1x64x384xf32>
    %swap3A_141 = vector.shape_cast %swap3A_140 : vector<1x64x384xf32> to vector<64x384xf32>
    %swap3A_142 = vector.shape_cast %mul3A_136 : vector<64x384xf32> to vector<1x64x384xf32>
    tpu.vector_store %arg4[%swap3A_137, %swap3A_138, %swap3A_139], %swap3A_142 {strides = array<i32>} : memref<4x64x384xf32, #tpu.memory_space<vmem>>, vector<1x64x384xf32>,
    %ge3A_143 = arith.constant 0.000000e+00 : f32
    %ge3A_144 = vector.broadcast %ge3A_143 : f32 to vector<64x384xf32>
    %ge3A_145 = arith.cmpf oge, %add3A_60, %ge3A_144 : vector<64x384xf32>
    %le3A_146 = arith.constant 3.830000e+02 : f32
    %le3A_147 = vector.broadcast %le3A_146 : f32 to vector<64x384xf32>
    %le3A_148 = arith.cmpf ole, %add3A_60, %le3A_147 : vector<64x384xf32>
    %and3A_149 = arith.andi %ge3A_145, %le3A_148 : vector<64x384xi1>
    %ge3A_150 = arith.constant 0.000000e+00 : f32
    %ge3A_151 = vector.broadcast %ge3A_150 : f32 to vector<64x384xf32>
    %ge3A_152 = arith.cmpf oge, %floor3A_57, %ge3A_151 : vector<64x384xf32>
    %and3A_153 = arith.andi %and3A_149, %ge3A_152 : vector<64x384xi1>
    %le3A_154 = arith.constant 3.830000e+02 : f32
    %le3A_155 = vector.broadcast %le3A_154 : f32 to vector<64x384xf32>
    %le3A_156 = arith.cmpf ole, %floor3A_57, %le3A_155 : vector<64x384xf32>
    %and3A_157 = arith.andi %and3A_153, %le3A_156 : vector<64x384xi1>
    %jit3A_158 = arith.constant 0 : i32
    %jit3A_159 = arith.constant 383 : i32
    %convert_element_type3A_160 = arith.sitofp %jit3A_158 : i32 to f32
    %max3A_161 = vector.broadcast %convert_element_type3A_160 : f32 to vector<64x384xf32>
    %max3A_162 = arith.maximumf %max3A_161, %add3A_60 : vector<64x384xf32>
    %convert_element_type3A_163 = arith.sitofp %jit3A_159 : i32 to f32
    %min3A_164 = vector.broadcast %convert_element_type3A_163 : f32 to vector<64x384xf32>
    %min3A_165 = arith.minimumf %min3A_164, %max3A_162 : vector<64x384xf32>
    %convert_element_type3A_166 = arith.fptosi %min3A_165 : vector<64x384xf32> to vector<64x384xi32>
    %jit3A_167 = arith.constant 0 : i32
    %jit3A_168 = arith.constant 383 : i32
    %convert_element_type3A_169 = arith.sitofp %jit3A_167 : i32 to f32
    %max3A_170 = vector.broadcast %convert_element_type3A_169 : f32 to vector<64x384xf32>
    %max3A_171 = arith.maximumf %max3A_170, %floor3A_57 : vector<64x384xf32>
    %convert_element_type3A_172 = arith.sitofp %jit3A_168 : i32 to f32
    %min3A_173 = vector.broadcast %convert_element_type3A_172 : f32 to vector<64x384xf32>
    %min3A_174 = arith.minimumf %min3A_173, %max3A_171 : vector<64x384xf32>
    %convert_element_type3A_175 = arith.fptosi %min3A_174 : vector<64x384xf32> to vector<64x384xi32>
    %mul3A_176 = arith.constant 384 : i32
    %mul3A_177 = arith.muli %arg0, %mul3A_176 : i32
    %add3A_178 = vector.broadcast %mul3A_177 : i32 to vector<64x384xi32>
    %add3A_179 = arith.addi %add3A_178, %convert_element_type3A_175 : vector<64x384xi32>
    %mul3A_180 = arith.constant 384 : i32
    %mul3A_181 = vector.broadcast %mul3A_180 : i32 to vector<64x384xi32>
    %mul3A_182 = arith.muli %add3A_179, %mul3A_181 : vector<64x384xi32>
    %add3A_183 = arith.addi %mul3A_182, %convert_element_type3A_166 : vector<64x384xi32>
    %jit3A_184 = arith.constant 0 : i32
    %jit3A_185 = arith.constant 589823 : i32
    %max3A_186 = vector.broadcast %jit3A_184 : i32 to vector<64x384xi32>
    %max3A_187 = arith.maxsi %max3A_186, %add3A_183 : vector<64x384xi32>
    %min3A_188 = vector.broadcast %jit3A_185 : i32 to vector<64x384xi32>
    %min3A_189 = arith.minsi %min3A_188, %max3A_187 : vector<64x384xi32>
    %swap3A_190 = arith.constant 1 : index
    %swap3A_191 = arith.constant 0 : index
    %swap3A_192 = arith.constant 0 : index
    %swap3A_193 = vector.load %arg3[%swap3A_190, %swap3A_191, %swap3A_192] : memref<4x64x384xi32, #tpu.memory_space<vmem>>, vector<1x64x384xi32>
    %swap3A_194 = vector.shape_cast %swap3A_193 : vector<1x64x384xi32> to vector<64x384xi32>
    %swap3A_195 = vector.shape_cast %min3A_189 : vector<64x384xi32> to vector<1x64x384xi32>
    tpu.vector_store %arg3[%swap3A_190, %swap3A_191, %swap3A_192], %swap3A_195 {strides = array<i32>} : memref<4x64x384xi32, #tpu.memory_space<vmem>>, vector<1x64x384xi32>,
    %convert_element_type3A_196 = arith.extui %and3A_157 : vector<64x384xi1> to vector<64x384xi32>
    %convert_element_type3A_197 = arith.sitofp %convert_element_type3A_196 : vector<64x384xi32> to vector<64x384xf32>
    %mul3A_198 = arith.mulf %mul3A_82, %convert_element_type3A_197 : vector<64x384xf32>
    %swap3A_199 = arith.constant 1 : index
    %swap3A_200 = arith.constant 0 : index
    %swap3A_201 = arith.constant 0 : index
    %swap3A_202 = vector.load %arg4[%swap3A_199, %swap3A_200, %swap3A_201] : memref<4x64x384xf32, #tpu.memory_space<vmem>>, vector<1x64x384xf32>
    %swap3A_203 = vector.shape_cast %swap3A_202 : vector<1x64x384xf32> to vector<64x384xf32>
    %swap3A_204 = vector.shape_cast %mul3A_198 : vector<64x384xf32> to vector<1x64x384xf32>
    tpu.vector_store %arg4[%swap3A_199, %swap3A_200, %swap3A_201], %swap3A_204 {strides = array<i32>} : memref<4x64x384xf32, #tpu.memory_space<vmem>>, vector<1x64x384xf32>,
    %ge3A_205 = arith.constant 0.000000e+00 : f32
    %ge3A_206 = vector.broadcast %ge3A_205 : f32 to vector<64x384xf32>
    %ge3A_207 = arith.cmpf oge, %floor3A, %ge3A_206 : vector<64x384xf32>
    %le3A_208 = arith.constant 3.830000e+02 : f32
    %le3A_209 = vector.broadcast %le3A_208 : f32 to vector<64x384xf32>
    %le3A_210 = arith.cmpf ole, %floor3A, %le3A_209 : vector<64x384xf32>
    %and3A_211 = arith.andi %ge3A_207, %le3A_210 : vector<64x384xi1>
    %ge3A_212 = arith.constant 0.000000e+00 : f32
    %ge3A_213 = vector.broadcast %ge3A_212 : f32 to vector<64x384xf32>
    %ge3A_214 = arith.cmpf oge, %add3A_63, %ge3A_213 : vector<64x384xf32>
    %and3A_215 = arith.andi %and3A_211, %ge3A_214 : vector<64x384xi1>
    %le3A_216 = arith.constant 3.830000e+02 : f32
    %le3A_217 = vector.broadcast %le3A_216 : f32 to vector<64x384xf32>
    %le3A_218 = arith.cmpf ole, %add3A_63, %le3A_217 : vector<64x384xf32>
    %and3A_219 = arith.andi %and3A_215, %le3A_218 : vector<64x384xi1>
    %jit3A_220 = arith.constant 0 : i32
    %jit3A_221 = arith.constant 383 : i32
    %convert_element_type3A_222 = arith.sitofp %jit3A_220 : i32 to f32
    %max3A_223 = vector.broadcast %convert_element_type3A_222 : f32 to vector<64x384xf32>
    %max3A_224 = arith.maximumf %max3A_223, %floor3A : vector<64x384xf32>
    %convert_element_type3A_225 = arith.sitofp %jit3A_221 : i32 to f32
    %min3A_226 = vector.broadcast %convert_element_type3A_225 : f32 to vector<64x384xf32>
    %min3A_227 = arith.minimumf %min3A_226, %max3A_224 : vector<64x384xf32>
    %convert_element_type3A_228 = arith.fptosi %min3A_227 : vector<64x384xf32> to vector<64x384xi32>
    %jit3A_229 = arith.constant 0 : i32
    %jit3A_230 = arith.constant 383 : i32
    %convert_element_type3A_231 = arith.sitofp %jit3A_229 : i32 to f32
    %max3A_232 = vector.broadcast %convert_element_type3A_231 : f32 to vector<64x384xf32>
    %max3A_233 = arith.maximumf %max3A_232, %add3A_63 : vector<64x384xf32>
    %convert_element_type3A_234 = arith.sitofp %jit3A_230 : i32 to f32
    %min3A_235 = vector.broadcast %convert_element_type3A_234 : f32 to vector<64x384xf32>
    %min3A_236 = arith.minimumf %min3A_235, %max3A_233 : vector<64x384xf32>
    %convert_element_type3A_237 = arith.fptosi %min3A_236 : vector<64x384xf32> to vector<64x384xi32>
    %mul3A_238 = arith.constant 384 : i32
    %mul3A_239 = arith.muli %arg0, %mul3A_238 : i32
    %add3A_240 = vector.broadcast %mul3A_239 : i32 to vector<64x384xi32>
    %add3A_241 = arith.addi %add3A_240, %convert_element_type3A_237 : vector<64x384xi32>
    %mul3A_242 = arith.constant 384 : i32
    %mul3A_243 = vector.broadcast %mul3A_242 : i32 to vector<64x384xi32>
    %mul3A_244 = arith.muli %add3A_241, %mul3A_243 : vector<64x384xi32>
    %add3A_245 = arith.addi %mul3A_244, %convert_element_type3A_228 : vector<64x384xi32>
    %jit3A_246 = arith.constant 0 : i32
    %jit3A_247 = arith.constant 589823 : i32
    %max3A_248 = vector.broadcast %jit3A_246 : i32 to vector<64x384xi32>
    %max3A_249 = arith.maxsi %max3A_248, %add3A_245 : vector<64x384xi32>
    %min3A_250 = vector.broadcast %jit3A_247 : i32 to vector<64x384xi32>
    %min3A_251 = arith.minsi %min3A_250, %max3A_249 : vector<64x384xi32>
    %swap3A_252 = arith.constant 2 : index
    %swap3A_253 = arith.constant 0 : index
    %swap3A_254 = arith.constant 0 : index
    %swap3A_255 = vector.load %arg3[%swap3A_252, %swap3A_253, %swap3A_254] : memref<4x64x384xi32, #tpu.memory_space<vmem>>, vector<1x64x384xi32>
    %swap3A_256 = vector.shape_cast %swap3A_255 : vector<1x64x384xi32> to vector<64x384xi32>
    %swap3A_257 = vector.shape_cast %min3A_251 : vector<64x384xi32> to vector<1x64x384xi32>
    tpu.vector_store %arg3[%swap3A_252, %swap3A_253, %swap3A_254], %swap3A_257 {strides = array<i32>} : memref<4x64x384xi32, #tpu.memory_space<vmem>>, vector<1x64x384xi32>,
    %convert_element_type3A_258 = arith.extui %and3A_219 : vector<64x384xi1> to vector<64x384xi32>
    %convert_element_type3A_259 = arith.sitofp %convert_element_type3A_258 : vector<64x384xi32> to vector<64x384xf32>
    %mul3A_260 = arith.mulf %mul3A_83, %convert_element_type3A_259 : vector<64x384xf32>
    %swap3A_261 = arith.constant 2 : index
    %swap3A_262 = arith.constant 0 : index
    %swap3A_263 = arith.constant 0 : index
    %swap3A_264 = vector.load %arg4[%swap3A_261, %swap3A_262, %swap3A_263] : memref<4x64x384xf32, #tpu.memory_space<vmem>>, vector<1x64x384xf32>
    %swap3A_265 = vector.shape_cast %swap3A_264 : vector<1x64x384xf32> to vector<64x384xf32>
    %swap3A_266 = vector.shape_cast %mul3A_260 : vector<64x384xf32> to vector<1x64x384xf32>
    tpu.vector_store %arg4[%swap3A_261, %swap3A_262, %swap3A_263], %swap3A_266 {strides = array<i32>} : memref<4x64x384xf32, #tpu.memory_space<vmem>>, vector<1x64x384xf32>,
    %ge3A_267 = arith.constant 0.000000e+00 : f32
    %ge3A_268 = vector.broadcast %ge3A_267 : f32 to vector<64x384xf32>
    %ge3A_269 = arith.cmpf oge, %add3A_60, %ge3A_268 : vector<64x384xf32>
    %le3A_270 = arith.constant 3.830000e+02 : f32
    %le3A_271 = vector.broadcast %le3A_270 : f32 to vector<64x384xf32>
    %le3A_272 = arith.cmpf ole, %add3A_60, %le3A_271 : vector<64x384xf32>
    %and3A_273 = arith.andi %ge3A_269, %le3A_272 : vector<64x384xi1>
    %ge3A_274 = arith.constant 0.000000e+00 : f32
    %ge3A_275 = vector.broadcast %ge3A_274 : f32 to vector<64x384xf32>
    %ge3A_276 = arith.cmpf oge, %add3A_63, %ge3A_275 : vector<64x384xf32>
    %and3A_277 = arith.andi %and3A_273, %ge3A_276 : vector<64x384xi1>
    %le3A_278 = arith.constant 3.830000e+02 : f32
    %le3A_279 = vector.broadcast %le3A_278 : f32 to vector<64x384xf32>
    %le3A_280 = arith.cmpf ole, %add3A_63, %le3A_279 : vector<64x384xf32>
    %and3A_281 = arith.andi %and3A_277, %le3A_280 : vector<64x384xi1>
    %jit3A_282 = arith.constant 0 : i32
    %jit3A_283 = arith.constant 383 : i32
    %convert_element_type3A_284 = arith.sitofp %jit3A_282 : i32 to f32
    %max3A_285 = vector.broadcast %convert_element_type3A_284 : f32 to vector<64x384xf32>
    %max3A_286 = arith.maximumf %max3A_285, %add3A_60 : vector<64x384xf32>
    %convert_element_type3A_287 = arith.sitofp %jit3A_283 : i32 to f32
    %min3A_288 = vector.broadcast %convert_element_type3A_287 : f32 to vector<64x384xf32>
    %min3A_289 = arith.minimumf %min3A_288, %max3A_286 : vector<64x384xf32>
    %convert_element_type3A_290 = arith.fptosi %min3A_289 : vector<64x384xf32> to vector<64x384xi32>
    %jit3A_291 = arith.constant 0 : i32
    %jit3A_292 = arith.constant 383 : i32
    %convert_element_type3A_293 = arith.sitofp %jit3A_291 : i32 to f32
    %max3A_294 = vector.broadcast %convert_element_type3A_293 : f32 to vector<64x384xf32>
    %max3A_295 = arith.maximumf %max3A_294, %add3A_63 : vector<64x384xf32>
    %convert_element_type3A_296 = arith.sitofp %jit3A_292 : i32 to f32
    %min3A_297 = vector.broadcast %convert_element_type3A_296 : f32 to vector<64x384xf32>
    %min3A_298 = arith.minimumf %min3A_297, %max3A_295 : vector<64x384xf32>
    %convert_element_type3A_299 = arith.fptosi %min3A_298 : vector<64x384xf32> to vector<64x384xi32>
    %mul3A_300 = arith.constant 384 : i32
    %mul3A_301 = arith.muli %arg0, %mul3A_300 : i32
    %add3A_302 = vector.broadcast %mul3A_301 : i32 to vector<64x384xi32>
    %add3A_303 = arith.addi %add3A_302, %convert_element_type3A_299 : vector<64x384xi32>
    %mul3A_304 = arith.constant 384 : i32
    %mul3A_305 = vector.broadcast %mul3A_304 : i32 to vector<64x384xi32>
    %mul3A_306 = arith.muli %add3A_303, %mul3A_305 : vector<64x384xi32>
    %add3A_307 = arith.addi %mul3A_306, %convert_element_type3A_290 : vector<64x384xi32>
    %jit3A_308 = arith.constant 0 : i32
    %jit3A_309 = arith.constant 589823 : i32
    %max3A_310 = vector.broadcast %jit3A_308 : i32 to vector<64x384xi32>
    %max3A_311 = arith.maxsi %max3A_310, %add3A_307 : vector<64x384xi32>
    %min3A_312 = vector.broadcast %jit3A_309 : i32 to vector<64x384xi32>
    %min3A_313 = arith.minsi %min3A_312, %max3A_311 : vector<64x384xi32>
    %swap3A_314 = arith.constant 3 : index
    %swap3A_315 = arith.constant 0 : index
    %swap3A_316 = arith.constant 0 : index
    %swap3A_317 = vector.load %arg3[%swap3A_314, %swap3A_315, %swap3A_316] : memref<4x64x384xi32, #tpu.memory_space<vmem>>, vector<1x64x384xi32>
    %swap3A_318 = vector.shape_cast %swap3A_317 : vector<1x64x384xi32> to vector<64x384xi32>
    %swap3A_319 = vector.shape_cast %min3A_313 : vector<64x384xi32> to vector<1x64x384xi32>
    tpu.vector_store %arg3[%swap3A_314, %swap3A_315, %swap3A_316], %swap3A_319 {strides = array<i32>} : memref<4x64x384xi32, #tpu.memory_space<vmem>>, vector<1x64x384xi32>,
    %convert_element_type3A_320 = arith.extui %and3A_281 : vector<64x384xi1> to vector<64x384xi32>
    %convert_element_type3A_321 = arith.sitofp %convert_element_type3A_320 : vector<64x384xi32> to vector<64x384xf32>
    %mul3A_322 = arith.mulf %mul3A_84, %convert_element_type3A_321 : vector<64x384xf32>
    %swap3A_323 = arith.constant 3 : index
    %swap3A_324 = arith.constant 0 : index
    %swap3A_325 = arith.constant 0 : index
    %swap3A_326 = vector.load %arg4[%swap3A_323, %swap3A_324, %swap3A_325] : memref<4x64x384xf32, #tpu.memory_space<vmem>>, vector<1x64x384xf32>
    %swap3A_327 = vector.shape_cast %swap3A_326 : vector<1x64x384xf32> to vector<64x384xf32>
    %swap3A_328 = vector.shape_cast %mul3A_322 : vector<64x384xf32> to vector<1x64x384xf32>
    tpu.vector_store %arg4[%swap3A_323, %swap3A_324, %swap3A_325], %swap3A_328 {strides = array<i32>} : memref<4x64x384xf32, #tpu.memory_space<vmem>>, vector<1x64x384xf32>,
    return
  }
  func.func @transform_0(%arg0: i32, %arg1: i32) -> (i32, i32, i32, i32) {
    %c0_i32 = arith.constant 0 : i32
    %c0_i32_0 = arith.constant 0 : i32
    %c0_i32_1 = arith.constant 0 : i32
    return %arg0, %c0_i32, %arg1, %c0_i32_0 : i32, i32, i32, i32
  }
  func.func @transform_1(%arg0: i32, %arg1: i32) -> (i32, i32, i32) {
    %mul3A = arith.constant 6 : i32
    %mul3A_0 = arith.muli %arg0, %mul3A : i32
    %add3A = arith.addi %mul3A_0, %arg1 : i32
    %c0_i32 = arith.constant 0 : i32
    %c0_i32_1 = arith.constant 0 : i32
    %c0_i32_2 = arith.constant 0 : i32
    return %c0_i32, %add3A, %c0_i32_1 : i32, i32, i32
  }
  func.func @transform_2(%arg0: i32, %arg1: i32) -> (i32, i32, i32) {
    %mul3A = arith.constant 6 : i32
    %mul3A_0 = arith.muli %arg0, %mul3A : i32
    %add3A = arith.addi %mul3A_0, %arg1 : i32
    %c0_i32 = arith.constant 0 : i32
    %c0_i32_1 = arith.constant 0 : i32
    %c0_i32_2 = arith.constant 0 : i32
    return %c0_i32, %add3A, %c0_i32_1 : i32, i32, i32
  }
  func.func @transform_3(%arg0: i32, %arg1: i32) -> (i32, i32) {
    %mul3A = arith.constant 6 : i32
    %mul3A_0 = arith.muli %arg0, %mul3A : i32
    %add3A = arith.addi %mul3A_0, %arg1 : i32
    %c0_i32 = arith.constant 0 : i32
    %c0_i32_1 = arith.constant 0 : i32
    return %add3A, %c0_i32 : i32, i32
  }
}

</mosaic_0001>

<sc_bundles>
// kernel: kernel.4.cloned.1.call-start
scs
__scs_entry_jumppad:
0x0: {  	(pc) =	sbr.rel $0x88, $3  }
0x1: {  	(tag) =	ssettag $0x0;
	lr =	simm.s32 $0x1  }
0x2: {  	[smem:$0x3F9F] =	sst lr;
	_ =	strace $0xD0000000  }
0x3: {  	_ = 	snop  }
0x4: {  	_ = 	snop  }
0x5: {  	_ = 	snop  }
0x6: {  	_ = 	snop  }
0x7: {  	_ = 	snop  }
__scs_overlays_trampoline_lowered:
0x8: {  	[smem:$0x3FAE] =	sst s0  }
0x9: {  	[smem:$0x3FAF] =	sst s1  }
0xa: {  	[smem:$0x3FB0] =	sst s2  }
0xb: {  	[smem:$0x3FB1] =	sst s3  }
0xc: {  	[smem:$0x3FB2] =	sst s4  }
0xd: {  	[smem:$0x3FB3] =	sst s5  }
0xe: {  	[smem:$0x3FB4] =	sst s6  }
0xf: {  	[smem:$0x3FB5] =	sst s7  }
0x10: {  	[smem:$0x3FB6] =	sst s8  }
0x11: {  	[smem:$0x3FB7] =	sst s9;
	s0 =	simm.s32 @!p0 $0x0  }
0x12: {  	s1 =	sld [smem:$0x3F9D];
	s0 =	simm.s32 @p0 $0x1  }
0x13: {  	[smem:$0x3FB8] =	sst s0;
	s0 =	simm.s32 @!p1 $0x0  }
0x14: {  	s2 =	sld [smem:$0x3F9C];
	s0 =	simm.s32 @p1 $0x1  }
0x15: {  	[smem:$0x3FB9] =	sst s0;
	s0 =	simm.s32 @!p2 $0x0  }
0x16: {  	s3 =	sld [smem:$0x3FDB];
	s0 =	simm.s32 @p2 $0x1  }
0x17: {  	s4 =	simm.s32 $0x1BF5;
	[smem:$0x3FBB] =	sst s0  }
0x18: {  	s0 =	sld [smem:$0x3F9E];
	_ =	swait.ge [sflag:s4], $0x0  }
0x19: {  	s7 =	sld [smem:$0x3F9F]  }
0x1a: {  	s8 =	sadd.s32 $0xFFFFE003, lr  }
0x1b: {  	s9 =	sadd.s32 $0xFFFFFEF7, lr;
	s5 =	simm.s32 $0xFFFFFFFF;
	p2 =	slt.u32 s8, $0xFFFFF086  }
0x1c: {  	p1 =	slt.u32 s9, $0xF7A;
	s5 =	simm.s32 @!p2 $0x0  }
0x1d: {  	s5 =	simm.s32 @p1 $0x1;
	p0 =	seq.s32 s7, s2  }
0x1e: {  	s7 =	smul.u32 @!p0 $0xF7A, s2;
	p2 =	seq.s32 @!p0 s5, $0x0  }
0x1f: {  	s9 =	smul.u32 $0xF7A, s1;
	s8 =	simm.s32 @!p0 $0x1BF5;
	p2 =	por !p2, p0  }
0x20: {  	[sflag:s8] =	ssyncset.s32 @!p0 $0xFFFFF086;
	s6 =	sadd.s32 @!p0 s3, s7;
	s7 =	simm.s32 @!p0 $0x108  }
0x21: {  	s3 =	sadd.s32 s3, s9;
	s6 =	sadd.s32 @!p0 $0x88, s6;
	s7 =	simm.s32 @p2 $0x1082  }
0x22: {  	[simem:s7], [sflag:s8] =	dma.local @!p0 [hbm:s6], $0xF7A  }
0x23: {  	s9 =	sor.u32 $0xD0000000, s2;
	s6 =	simm.s32 $0x108;
	_ =	swait.ge @!p0 [sflag:s8], $0x0  }
0x24: {  	s3 =	sadd.s32 $0x88, s3;
	s6 =	simm.s32 @!p1 $0x1082;
	[sflag:s4] =	ssyncset.s32 $0xFFFFF086  }
0x25: {  	[simem:s6], [sflag:s4] =	dma.local [hbm:s3], $0xF7A  }
0x26: {  	[smem:$0x3F9F] =	sst s1;
	(tag) =	ssettag s2;
	_ =	strace s9  }
0x27: {  	s1 =	sld [smem:$0x3FAF]  }
0x28: {  	s2 =	sld [smem:$0x3FB0]  }
0x29: {  	s4 =	sld [smem:$0x3FB2]  }
0x2a: {  	p0 =	seq.s32 s5, $0x0;
	s5 =	sld [smem:$0x3FB3]  }
0x2b: {  	s6 =	sld [smem:$0x3FB4]  }
0x2c: {  	s7 =	sld [smem:$0x3FB5]  }
0x2d: {  	s3 =	simm.s32 $0x108;
	s8 =	sld [smem:$0x3FB6]  }
0x2e: {  	s3 =	simm.s32 @!p0 $0x1082;
	s9 =	sld [smem:$0x3FB7]  }
0x2f: {  	lr =	sadd.s32 s0, s3;
	s0 =	sld [smem:$0x3FAE]  }
0x30: {  	s3 =	sld [smem:$0x3FB1]  }
0x31: {  	[smem:$0x3FBA] =	sst s10  }
0x32: {  	s10 =	sld [smem:$0x3FB8];
	_ =	sdelay $0x3  }
0x33: {  	p0 =	seq.s32 s10, $0x1;
	s10 =	sld [smem:$0x3FBA];
	_ =	sdelay $0x3  }
0x34: {  	[smem:$0x3FBA] =	sst s10  }
0x35: {  	s10 =	sld [smem:$0x3FB9];
	_ =	sdelay $0x3  }
0x36: {  	p1 =	seq.s32 s10, $0x1;
	s10 =	sld [smem:$0x3FBA];
	_ =	sdelay $0x3  }
0x37: {  	[smem:$0x3FBA] =	sst s10  }
0x38: {  	s10 =	sld [smem:$0x3FBB]  }
0x39: {  	_ = 	snop;
	(pc) =	sbr.ind lr, $3  }
0x3a: {  	_ = 	snop  }
0x3b: {  	_ = 	snop  }
0x3c: {  	p2 =	seq.s32 s10, $0x1;
	s10 =	sld [smem:$0x3FBA]  }
0x3d: {  	_ =	shalt  }
0x3e: {  	_ =	shalt  }
0x3f: {  	_ =	shalt  }
0x40: {  	_ =	shalt  }
0x41: {  	_ =	shalt  }
0x42: {  	_ =	shalt  }
0x43: {  	_ =	shalt  }
0x44: {  	_ =	shalt  }
0x45: {  	_ =	shalt  }
0x46: {  	_ =	shalt  }
0x47: {  	_ =	shalt  }
0x48: {  	_ =	shalt  }
0x49: {  	_ =	shalt  }
0x4a: {  	_ =	shalt  }
0x4b: {  	_ =	shalt  }
0x4c: {  	_ =	shalt  }
0x4d: {  	_ =	shalt  }
0x4e: {  	_ =	shalt  }
0x4f: {  	_ =	shalt  }
0x50: {  	_ =	shalt  }
0x51: {  	_ =	shalt  }
0x52: {  	_ =	shalt  }
0x53: {  	_ =	shalt  }
0x54: {  	_ =	shalt  }
0x55: {  	_ =	shalt  }
0x56: {  	_ =	shalt  }
0x57: {  	_ =	shalt  }
0x58: {  	_ =	shalt  }
0x59: {  	_ =	shalt  }
0x5a: {  	_ =	shalt  }
0x5b: {  	_ =	shalt  }
0x5c: {  	_ =	shalt  }
0x5d: {  	_ =	shalt  }
0x5e: {  	_ =	shalt  }
0x5f: {  	_ =	shalt  }
0x60: {  	_ =	shalt  }
0x61: {  	_ =	shalt  }
0x62: {  	_ =	shalt  }
0x63: {  	_ =	shalt  }
0x64: {  	_ =	shalt  }
0x65: {  	_ =	shalt  }
0x66: {  	_ =	shalt  }
0x67: {  	_ =	shalt  }
0x68: {  	_ =	shalt  }
0x69: {  	_ =	shalt  }
0x6a: {  	_ =	shalt  }
0x6b: {  	_ =	shalt  }
0x6c: {  	_ =	shalt  }
0x6d: {  	_ =	shalt  }
0x6e: {  	_ =	shalt  }
0x6f: {  	_ =	shalt  }
0x70: {  	_ =	shalt  }
0x71: {  	_ =	shalt  }
0x72: {  	_ =	shalt  }
0x73: {  	_ =	shalt  }
0x74: {  	_ =	shalt  }
0x75: {  	_ =	shalt  }
0x76: {  	_ =	shalt  }
0x77: {  	_ =	shalt  }
0x78: {  	_ =	shalt  }
0x79: {  	_ =	shalt  }
0x7a: {  	_ =	shalt  }
0x7b: {  	_ =	shalt  }
0x7c: {  	_ =	shalt  }
0x7d: {  	_ =	shalt  }
0x7e: {  	_ =	shalt  }
0x7f: {  	_ =	shalt  }
0x80: {  	_ =	shalt  }
0x81: {  	_ =	shalt  }
0x82: {  	_ =	shalt  }
0x83: {  	_ =	shalt  }
0x84: {  	_ =	shalt  }
0x85: {  	_ =	shalt  }
0x86: {  	_ =	shalt  }
0x87: {  	_ =	shalt  }
.Lfunc_end0:
.L_simem_size_0:
called_computation.2_lowered:
.L_overlay_start_0:
0x88: {  	s2 =	sld [smem:$0x3FD9]  }
0x89: {  	s3 =	sld [smem:$0x3FFE];
	_ =	sdelay $0x1  }
0x8a: {  	s1 =	srdreg.scid  }
0x8b: {  	s0 =	sand.u32 $0x1, s1  }
0x8c: {  	s14 =	sshll.u32 s0, $0xA;
	s2 =	sadd.s32 s3, s2  }
0x8d: {  	s2 =	sadd.s32 s2, s14  }
0x8e: {  	[smem:$0x3FC6] =	sst s2  }
0x8f: {  	_ = 	snop  }
0x90: {  	s2 =	sld [smem:$0x3FD0];
	_ =	sdelay $0x2  }
0x91: {  	s15 =	simm.s32 $0xA;
	s4 =	simm.s32 $0x10  }
0x92: {  	[smem:s4], [sflag:s15] =	dma.local [hbm:s2], $0x1  }
0x93: {  	_ =	swait.eq [sflag:s15], $0x1  }
0x94: {  	[sflag:s15] =	ssyncset.done $0x0  }
0x95: {  	[sflag:s15] =	ssyncadd.s32 $0xFFFFFFFF  }
0x96: {  	s16 =	sld [smem:$0x10];
	(tm) =	ssettm $0x1  }
0x97: {  	s17 =	sld [smem:$0x3FFB];
	_ =	sdelay $0x3  }
0x98: {  	_ =	strace s17  }
0x99: {  	s3 =	sld [smem:$0x3FFC];
	_ =	sdelay $0x3  }
0x9a: {  	_ =	strace s3  }
0x9b: {  	s3 =	sld [smem:$0x3FFD];
	_ =	sdelay $0x3  }
0x9c: {  	_ =	strace s3  }
0x9d: {  	_ =	strace $0x8FFFFFFF  }
0x9e: {  	s18 =	sld [smem:$0x3FDB];
	_ =	sdelay $0x1  }
0x9f: {  	s19 =	simm.s32 $_scs_section_size  }
0xa0: {  	s5 =	simm.s32 $_size__tile_overlayer_lowered;
	s6 =	simm.s32 $_tile_overlayer_lowered  }
0xa1: {  	s22 =	simm.s32 $0x1BFF;
	s21 =	sshll.u32 s6, $0x1;
	s3 =	sadd.s32 s19, s18  }
0xa2: {  	s7 =	simm.s32 $0x0;
	s20 =	sshll.u32 s5, $0x1;
	s5 =	sadd.s32 s21, s3  }
0xa3: {  	[timem:s7], [sflag:s22] =	dma.local [hbm:s5], s20  }
0xa4: {  	_ =	swait.ge [sflag:s22], s20  }
0xa5: {  	s4 =	ssub.s32 $0x0, s20;
	[sflag:s22] =	ssyncset.done $0x0  }
0xa6: {  	[sflag:s22] =	ssyncadd.s32 s4;
	_ =	sdelay $0x1  }
0xa7: {  	s23 =	simm.s32 $0x1B8B  }
0xa8: {  	_ =	swait.ge [sflag:s23], $0x1  }
0xa9: {  	[sflag:s23] =	ssyncset.done $0x0  }
0xaa: {  	s25 =	simm.s32 $0x1B8E;
	s24 =	sld [smem:$0x3FFE];
	[sflag:s23] =	ssyncadd.s32 $0xFFFFFFFF  }
0xab: {  	s26 =	simm.s32 $execute0_lowered;
	[smem:$0x3FD2] =	sst s25  }
0xac: {  	s5 =	sshll.u32 s26, $0x1;
	_ =	strace $0x80000049;
	[dreg:$0x1] =	wrdreg $0xFFFFFFFF  }
0xad: {  	s28 =	simm.s32 $_size_execute0_lowered;
	s3 =	sadd.s32 s3, s5;
	[dreg:$0x0] =	wrdreg $0x0  }
0xae: {  	s5 =	sshll.u32 s28, $0x1;
	[dreg:$0x2] =	wrdreg s3  }
0xaf: {  	[dreg:$0x3] =	wrdreg s5  }
0xb0: {  	[dreg:$0x4] =	wrdreg $0xC0  }
0xb1: {  	_ =	task [dreg:s7], $0x5FFFF  }
0xb2: {  	[dreg:$0x1] =	wrdreg $0xFFFFFFFF  }
0xb3: {  	[dreg:$0x0] =	wrdreg $0x60  }
0xb4: {  	[dreg:$0x2] =	wrdreg s24  }
0xb5: {  	[dreg:$0x3] =	wrdreg s16  }
0xb6: {  	[dreg:$0x4] =	wrdreg $0x9  }
0xb7: {  	_ =	task.clear_ibuf [dreg:s7], $0x5FFFF;
	_ =	strace $0x90000049  }
0xb8: {  	s29 =	simm.s32 $0x9;
	_ =	strace $0x8000004B  }
0xb9: {  	_ =	swait.ge [sflag:s29], $0x1  }
0xba: {  	[sflag:s29] =	ssyncadd.s32 $0xFFFFFFFF  }
0xbb: {  	_ =	strace $0x9000004B  }
0xbc: {  	_ =	sfence  }
0xbd: {  	s30 =	sld [smem:$0x0];
	_ =	sdelay $0x2  }
0xbe: {  	s31 =	sshll.u32 s1, $0xD;
	s1 =	sshrl.u32 s1, $0x2  }
0xbf: {  	s3 =	sand.u32 $0x4000, s31;
	s1 =	sadd.s32 s1, s30  }
0xc0: {  	s0 =	sor.u32 s3, s0;
	s1 =	sshll.u32 s1, $0x11  }
0xc1: {  	s0 =	sor.u32 s1, s0  }
0xc2: {  	s0 =	sadd.s32 $0x8F2B, s0  }
0xc3: {  	[sflag:s0] =	ssyncadd.remote.s32 $0x1  }
0xc4: {  	_ =	sfence.sel $0xFFFF  }
0xc5: {  	[dreg:$0x0] =	wrdreg $0xFFFFFFFF;
	(pc) =	sbr.abs _section_cstart, $3  }
0xc6: {  	[dreg:$0x1] =	wrdreg $0xFFFFFFFF  }
0xc7: {  	_ =	task.clear_ibuf [dreg:s7], $0x2FFFF;
	_ =	strace $0x9FFFFFFF  }
0xc8: {  	(tm) =	ssettm $0x7FFFFFFF  }
0xc9: {  	_ =	shalt  }
tec
execute0_lowered:
.L_overlay_start_1:
0x0: {  	(tag) =	ssettag $0x1  }
0x1: {  	s0 =	rddreg [dreg:$0x0]  }
0x2: {  	s1 =	rddreg [dreg:$0x1];
	s2 =	srdreg.scid;
	s3 =	simm.s32 $0x0  }
0x3: {  	s5 =	stileid.u32;
	s16 =	simm.s32 $0x60;
	s17 =	simm.s32 $0x90000  }
0x4: {  	s18 =	simm.s32 $0x300;
	s19 =	simm.s32 $0x180;
	s20 =	simm.s32 $0x480  }
0x5: {  	s29 =	simm.s32 $0x4;
	s28 =	simm.s32 $0x3C0;
	s10 =	simm.s32 $0x2  }
0x6: {  	s11 =	simm.s32 $0x4E0;
	s15 =	simm.s32 $0x540;
	s21 =	simm.s32 $0x5A0  }
0x7: {  	s30 =	simm.s32 $0x1B600;
	s9 =	simm.s32 $0x0;
	s2 =	sand.u32 $0x1, s2  }
0x8: {  	[smem:$0x7FF] =	sst s3;
	s6 =	sadd.s32 $0x913600, s0;
	s4 =	sshll.u32 s2, $0x4  }
0x9: {  	s7 =	sadd.s32 $0x1600, s0;
	s2 =	ssub.s32 $0x2, s2;
	s4 =	sor.u32 s5, s4  }
0xa: {  	_ =	strace $0x8000004A;
	s8 =	sshrl.u32 s2, $0x1;
	s4 =	smul.u32 $0x4800, s4  }
0xb: {  	s5 =	sadd.s32 $0x95B600, s0;
	s23 =	ssub.s32 s2, s8;
	s8 =	simm.s32 $0x420  }
0xc: {  	s0 =	smax.u32 s23, $0x1;
	s24 =	sshrl.u32 s4, $0x3;
	s12 =	sor.u32 $0xC0, s4  }
.Ltmp0:
0xd: {  	[dreg:$0x7] =	wrdreg s0;
	s25 =	sadd.s32 s6, s24;
	(pc) =	sbr.rel .LBB2_1-.Ltmp0, $4  }
0xe: {  	s26 =	sadd.s32 s1, s24;
	s2 =	sor.u32 $0xC, s24;
	[dreg:$0x3] =	wrdreg s25  }
0xf: {  	s13 =	sor.u32 $0x60, s4;
	[dreg:$0x4] =	wrdreg s26;
	s31 =	sadd.s32 s6, s2  }
0x10: {  	s14 =	sor.u32 $0x120, s4;
	s2 =	sadd.s32 s1, s2;
	[dreg:$0x5] =	wrdreg s31  }
0x11: {  	s25 =	simm.s32 $0x1;
	s26 =	simm.s32 $0x360;
	[dreg:$0x6] =	wrdreg s2  }
.LBB2_8:
0x12: {  	s0 =	simm.s32 $0x5  }
0x13: {  	_ =	swait.ge [sflag:s0], $0x3000  }
0x14: {  	[sflag:s0] =	ssyncset.done $0x0  }
0x15: {  	s2 =	simm.s32 $0x6;
	[sflag:s0] =	ssyncadd.s32 $0xFFFFD000  }
0x16: {  	_ =	swait.ge [sflag:s2], $0x3000  }
0x17: {  	s9 =	rddreg [dreg:$0x8]  }
0x18: {  	s31 =	rddreg [dreg:$0x7];
	s9 =	sadd.s32 $0x1, s9  }
0x19: {  	p0 =	sne.s32 s9, s31  }
.Ltmp1:
0x1a: {  	_ = 	snop;
	(pc) =	sbr.rel @!p0 .LBB2_9-.Ltmp1, $3  }
0x1b: {  	_ =	sdelay $0x1  }
0x1c: {  	[sflag:s2] =	ssyncset.done $0x0  }
0x1d: {  	[sflag:s2] =	ssyncadd.s32 $0xFFFFD000  }
.LBB2_1:
0x1e: {  	[dreg:$0x8] =	wrdreg s9  }
0x1f: {  	s0 =	rddreg [dreg:$0x3]  }
0x20: {  	[tilespmem:s3], [sflag:$0x3] =	stream.strided.gather [hbm4b:s0+s16], $0x180, s17, s16, $0x38;
	[tilespmem:$0x1E600] =	vst v63  }
0x21: {  	s9 =	rddreg [dreg:$0x4]  }
0x22: {  	[tilespmem:s18], [sflag:$0x3] =	stream.strided.gather [hbm4b:s9+s16], $0x180, s17, s16, $0x38;
	[tilespmem:$0x1E600] =	vst v63  }
0x23: {  	s22 =	rddreg [dreg:$0x5]  }
0x24: {  	[tilespmem:s19], [sflag:$0x4] =	stream.strided.gather [hbm4b:s22+s16], $0x180, s17, s16, $0x38;
	[tilespmem:$0x1E600] =	vst v63  }
0x25: {  	s23 =	rddreg [dreg:$0x6];
	s24 =	simm.s32 $0x3  }
0x26: {  	[tilespmem:s20], [sflag:$0x4] =	stream.strided.gather [hbm4b:s23+s16], $0x180, s17, s16, $0x38;
	[tilespmem:$0x1E600] =	vst v63  }
0x27: {  	_ =	swait.ge [sflag:s24], $0x180  }
0x28: {  	[sflag:s24] =	ssyncset.done $0x0  }
0x29: {  	[sflag:s24] =	ssyncadd.s32 $0xFFFFFE80  }
0x2a: {  	_ =	swait.ge [sflag:s24], $0x180  }
0x2b: {  	[sflag:s24] =	ssyncset.done $0x0  }
0x2c: {  	s2 =	simm.s32 $0x600;
	[sflag:s24] =	ssyncadd.s32 $0xFFFFFE80  }
0x2d: {  	[tilespmem:s2], [sflag:$0x1] =	stream.indirect.gather [hbm4b:s5+s16], $0x80, s3, s16, $0xb8;
	[tilespmem:$0x1E600] =	vst v63  }
0x2e: {  	s9 =	simm.s32 $0x3600  }
0x2f: {  	[tilespmem:s9], [sflag:$0x1] =	stream.indirect.gather [hbm4b:s5+s16], $0x80, s16, s16, $0xb8;
	[tilespmem:$0x1E600] =	vst v63  }
0x30: {  	s22 =	simm.s32 $0xC0;
	s2 =	simm.s32 $0x6600  }
0x31: {  	[tilespmem:s2], [sflag:$0x1] =	stream.indirect.gather [hbm4b:s5+s16], $0x80, s22, s16, $0xb8;
	[tilespmem:$0x1E600] =	vst v63  }
0x32: {  	s31 =	simm.s32 $0x0;
	s23 =	simm.s32 $0x120;
	s24 =	simm.s32 $0x9600  }
0x33: {  	[tilespmem:s24], [sflag:$0x1] =	stream.indirect.gather [hbm4b:s5+s16], $0x80, s23, s16, $0xb8;
	[tilespmem:$0x1E600] =	vst v63  }
.LBB2_2:
0x34: {  	_ =	swait.ge [sflag:s29], $0x180  }
0x35: {  	[sflag:s29] =	ssyncset.done $0x0  }
0x36: {  	[sflag:s29] =	ssyncadd.s32 $0xFFFFFE80  }
0x37: {  	_ =	swait.ge [sflag:s29], $0x180  }
0x38: {  	[sflag:s29] =	ssyncset.done $0x0  }
0x39: {  	s0 =	simm.s32 $0xC600;
	[sflag:s29] =	ssyncadd.s32 $0xFFFFFE80  }
0x3a: {  	[tilespmem:s0], [sflag:$0x2] =	stream.indirect.gather [hbm4b:s5+s16], $0x80, s19, s16, $0xb8;
	[tilespmem:$0x1E600] =	vst v63  }
0x3b: {  	s24 =	simm.s32 $0x1E0;
	s2 =	simm.s32 $0xF600  }
0x3c: {  	[tilespmem:s2], [sflag:$0x2] =	stream.indirect.gather [hbm4b:s5+s16], $0x80, s24, s16, $0xb8;
	[tilespmem:$0x1E600] =	vst v63  }
0x3d: {  	s9 =	simm.s32 $0x12600;
	s2 =	simm.s32 $0x240  }
0x3e: {  	[tilespmem:s9], [sflag:$0x2] =	stream.indirect.gather [hbm4b:s5+s16], $0x80, s2, s16, $0xb8;
	[tilespmem:$0x1E600] =	vst v63  }
0x3f: {  	s22 =	simm.s32 $0x2A0;
	s23 =	simm.s32 $0x15600  }
0x40: {  	[tilespmem:s23], [sflag:$0x2] =	stream.indirect.gather [hbm4b:s5+s16], $0x80, s22, s16, $0xb8;
	[tilespmem:$0x1E600] =	vst v63  }
0x41: {  	_ =	swait.ge [sflag:s25], $0x3000  }
0x42: {  	[sflag:s25] =	ssyncset.done $0x0  }
0x43: {  	[sflag:s25] =	ssyncadd.s32 $0xFFFFD000  }
0x44: {  	_ =	swait.ge [sflag:s25], $0x3000  }
0x45: {  	[sflag:s25] =	ssyncset.done $0x0  }
0x46: {  	[sflag:s25] =	ssyncadd.s32 $0xFFFFD000  }
0x47: {  	_ =	swait.ge [sflag:s25], $0x3000  }
0x48: {  	[sflag:s25] =	ssyncset.done $0x0  }
0x49: {  	[sflag:s25] =	ssyncadd.s32 $0xFFFFD000  }
0x4a: {  	_ =	swait.ge [sflag:s25], $0x3000  }
0x4b: {  	p0 =	seq.s32 s31, $0x0;
	[sflag:s25] =	ssyncset.done $0x0  }
0x4c: {  	s0 =	simm.s32 @!p0 $0x5;
	[sflag:s25] =	ssyncadd.s32 $0xFFFFD000  }
0x4d: {  	_ =	swait.ge @!p0 [sflag:s0], $0x3000  }
0x4e: {  	[sflag:s0] =	ssyncset.done @!p0 $0x0  }
0x4f: {  	s2 =	simm.s32 $0x0;
	[sflag:s0] =	ssyncadd.s32 @!p0 $0xFFFFD000  }
0x50: {  	v7 =	vld [tilespmem:s2+$0x650]  }
0x51: {  	v1 =	vld [tilespmem:s2+$0x9640]  }
0x52: {  	v6 =	vld [tilespmem:s2+$0x6610]  }
0x53: {  	v8 =	vld [tilespmem:s2+$0x3640]  }
0x54: {  	v9 =	vld [tilespmem:s2+$0x640]  }
0x55: {  	s24 =	simm.s32 $0x0;
	v10 =	vld [tilespmem:s2+$0x3610]  }
0x56: {  	v3 =	vmov s24;
	v11 =	vld [tilespmem:s2+$0x3620]  }
0x57: {  	v12 =	vld [tilespmem:s2+$0x610]  }
0x58: {  	v13 =	vld [tilespmem:s2+$0x9620]  }
0x59: {  	v5 =	vld [tilespmem:s2+$0x6600]  }
0x5a: {  	v14 =	vld [tilespmem:s2+$0x600]  }
0x5b: {  	v0 =	vld.idx.msk [tilespmem:v3+s8+$0x0], $0xffff  }
0x5c: {  	v2 =	vld.idx.msk [tilespmem:v3+s28+$0x0], $0xffff  }
0x5d: {  	v15 =	vld.idx.msk [tilespmem:v3+s26+$0x0], $0xffff  }
0x5e: {  	v3 =	vld.idx.msk [tilespmem:v3+s18+$0x0], $0xffff  }
0x5f: {  	v16 =	vld [tilespmem:s2+$0x6640]  }
0x60: {  	v17 =	vld [tilespmem:s2+$0x3600]  }
0x61: {  	v18 =	vld [tilespmem:s2+$0x620];
	v4 =	vmul.f32 v1, v0  }
0x62: {  	v19 =	vld [tilespmem:s2+$0x9610];
	v5 =	vmul.f32 v5, v2;
	v20 =	vmul.f32 v6, v2  }
0x63: {  	v21 =	vld [tilespmem:s2+$0x3650];
	v1 =	vmul.f32 v13, v0;
	v8 =	vmul.f32 v8, v15  }
0x64: {  	v22 =	vld [tilespmem:s2+$0x3630];
	v11 =	vmul.f32 v11, v15;
	v13 =	vmul.f32 v9, v3  }
0x65: {  	v23 =	vld [tilespmem:s2+$0x9600];
	v12 =	vmul.f32 v12, v3;
	v9 =	vmul.f32 v16, v2  }
0x66: {  	v24 =	vmul.f32 v14, v3;
	v16 =	vmul.f32 v10, v15;
	v6 =	vld [tilespmem:s2+$0x6620]  }
0x67: {  	v18 =	vmul.f32 v18, v3;
	v10 =	vld [tilespmem:s2+$0x6630];
	v14 =	vadd.f32 v8, v13;
	v13 =	vmul.f32 v19, v0  }
0x68: {  	v19 =	vmul.f32 v17, v15;
	v25 =	vadd.f32 v16, v12;
	v16 =	vld [tilespmem:s2+$0x630];
	v8 =	vmul.f32 v7, v3  }
0x69: {  	v7 =	vadd.f32 v11, v18;
	v11 =	vmul.f32 v22, v15;
	v12 =	vmul.f32 v21, v15;
	v17 =	vld [tilespmem:s2+$0x6650]  }
0x6a: {  	s22 =	simm.s32 $0x1;
	s0 =	simm.s32 $0x200;
	v18 =	vmul.f32 v23, v0;
	v15 =	vld [tilespmem:s2+$0x9630];
	v19 =	vadd.f32 v19, v24;
	v20 =	vadd.f32 v20, v25  }
.LBB2_3:
0x6b: {  	v21 =	vmov s22;
	s23 =	sshra.s32 s0, $0x2;
	p1 =	sne.s32 s0, $0xBE00;
	s0 =	sadd.s32 $0x200, s0;
	v9 =	vadd.f32 v9, v14;
	v14 =	vld [tilespmem:s2+$0x9650]  }
0x6c: {  	v22 =	vld [tilespmem:s23+$0x650];
	v5 =	vadd.f32 v5, v19;
	v13 =	vadd.f32 v13, v20;
	v10 =	vmul.f32 v10, v2  }
0x6d: {  	v19 =	vld [tilespmem:s23+$0x9640];
	v3 =	vmul.f32 v16, v3;
	v4 =	vadd.f32 v4, v9  }
0x6e: {  	v6 =	vmul.f32 v6, v2;
	v9 =	vld [tilespmem:s23+$0x6610];
	v5 =	vadd.f32 v18, v5;
	[tilespmem:s2+$0x18610] =	vst v13;
	v2 =	vmul.f32 v17, v2  }
0x6f: {  	v13 =	vld [tilespmem:s23+$0x3640];
	v3 =	vadd.f32 v11, v3;
	v11 =	vmul.f32 v15, v0;
	[tilespmem:s2+$0x18640] =	vst v4;
	v4 =	vadd.f32 v12, v8  }
0x70: {  	v8 =	vld [tilespmem:s23+$0x640];
	[tilespmem:s2+$0x18600] =	vst v5;
	v5 =	vadd.f32 v6, v7;
	v0 =	vmul.f32 v14, v0  }
0x71: {  	v6 =	vld [tilespmem:s23+$0x3610];
	v3 =	vadd.f32 v10, v3;
	v2 =	vadd.f32 v2, v4  }
0x72: {  	v7 =	vld [tilespmem:s23+$0x3620];
	v1 =	vadd.f32 v1, v5  }
0x73: {  	v10 =	vld [tilespmem:s23+$0x610];
	v3 =	vadd.f32 v11, v3;
	v0 =	vadd.f32 v0, v2  }
0x74: {  	v11 =	vld [tilespmem:s23+$0x9620];
	[tilespmem:s2+$0x18620] =	vst v1  }
0x75: {  	v1 =	vld [tilespmem:s23+$0x6600];
	[tilespmem:s2+$0x18650] =	vst v0  }
0x76: {  	v12 =	vld [tilespmem:s23+$0x600];
	[tilespmem:s2+$0x18630] =	vst v3;
	s2 =	smov.u32 s23  }
0x77: {  	v0 =	vld.idx.msk [tilespmem:v21+s8+$0x0], $0xffff  }
0x78: {  	v2 =	vld.idx.msk [tilespmem:v21+s28+$0x0], $0xffff  }
0x79: {  	v15 =	vld.idx.msk [tilespmem:v21+s26+$0x0], $0xffff  }
0x7a: {  	v3 =	vld.idx.msk [tilespmem:v21+s18+$0x0], $0xffff  }
0x7b: {  	v14 =	vld [tilespmem:s2+$0x6640]  }
0x7c: {  	v16 =	vld [tilespmem:s2+$0x3600]  }
0x7d: {  	v4 =	vmul.f32 v19, v0;
	v17 =	vld [tilespmem:s2+$0x620]  }
0x7e: {  	v5 =	vmul.f32 v1, v2;
	v20 =	vmul.f32 v9, v2;
	v18 =	vld [tilespmem:s2+$0x9610]  }
0x7f: {  	v1 =	vmul.f32 v11, v0;
	v11 =	vmul.f32 v13, v15;
	v19 =	vld [tilespmem:s2+$0x3650]  }
0x80: {  	v7 =	vmul.f32 v7, v15;
	v8 =	vmul.f32 v8, v3;
	v21 =	vld [tilespmem:s2+$0x3630]  }
0x81: {  	v24 =	vmul.f32 v10, v3;
	v9 =	vmul.f32 v14, v2;
	v23 =	vld [tilespmem:s2+$0x9600]  }
.Ltmp2:
0x82: {  	v25 =	vmul.f32 v12, v3;
	v12 =	vmul.f32 v6, v15;
	v14 =	vadd.f32 v11, v8;
	v6 =	vld [tilespmem:s2+$0x6620];
	(pc) =	sbr.rel @p1 .LBB2_3-.Ltmp2, $4  }
0x83: {  	v11 =	vmul.f32 v17, v3;
	v13 =	vmul.f32 v18, v0;
	v10 =	vld [tilespmem:s2+$0x6630]  }
0x84: {  	v24 =	vadd.f32 v12, v24;
	v8 =	vmul.f32 v22, v3;
	v18 =	vmul.f32 v16, v15;
	v16 =	vld [tilespmem:s2+$0x630]  }
0x85: {  	v7 =	vadd.f32 v7, v11;
	v12 =	vmul.f32 v19, v15;
	v11 =	vmul.f32 v21, v15;
	v17 =	vld [tilespmem:s2+$0x6650]  }
0x86: {  	s22 =	sadd.s32 $0x1, s22;
	v20 =	vadd.f32 v20, v24;
	v19 =	vadd.f32 v18, v25;
	v18 =	vmul.f32 v23, v0;
	v15 =	vld [tilespmem:s2+$0x9630]  }
0x87: {  	v21 =	vld [tilespmem:s2+$0x9650]  }
0x88: {  	v9 =	vadd.f32 v9, v14;
	v6 =	vmul.f32 v6, v2  }
0x89: {  	v8 =	vadd.f32 v12, v8;
	v5 =	vadd.f32 v5, v19;
	v3 =	vmul.f32 v16, v3  }
0x8a: {  	v13 =	vadd.f32 v13, v20;
	v4 =	vadd.f32 v4, v9;
	v9 =	vmul.f32 v17, v2  }
0x8b: {  	v6 =	vadd.f32 v6, v7;
	v2 =	vmul.f32 v10, v2;
	v3 =	vadd.f32 v11, v3  }
0x8c: {  	v5 =	vadd.f32 v18, v5;
	[tilespmem:s2+$0x18610] =	vst v13;
	v7 =	vmul.f32 v21, v0;
	v8 =	vadd.f32 v9, v8  }
0x8d: {  	s0 =	smul.u32 $0xC0, s31;
	[tilespmem:s2+$0x18640] =	vst v4;
	v1 =	vadd.f32 v1, v6;
	v0 =	vmul.f32 v15, v0;
	v2 =	vadd.f32 v2, v3  }
0x8e: {  	[tilespmem:s2+$0x18600] =	vst v5;
	v3 =	vadd.f32 v7, v8  }
0x8f: {  	s22 =	sadd.s32 s4, s0;
	[tilespmem:s2+$0x18620] =	vst v1;
	v0 =	vadd.f32 v0, v2  }
0x90: {  	p1 =	seq.s32 s31, $0x5F;
	s22 =	sshll.u32 s22, $0x4;
	[tilespmem:s2+$0x18650] =	vst v3  }
0x91: {  	s9 =	simm.s32 $0x18600;
	s23 =	sadd.s32 s7, s22;
	[tilespmem:s2+$0x18630] =	vst v0;
	s2 =	sadd.s32 @!p1 s0, s12  }
0x92: {  	[hbm4b:s23+s3] =	stream.linear.scatter [tilespmem:s9], [sflag:$0x5], $0x3000, $0x38;
	[tilespmem:$0x1E600] =	vst v63  }
0x93: {  	s24 =	simm.s32 @!p1 $0x90000;
	s2 =	sshrl.u32 @!p1 s2, $0x3  }
0x94: {  	s23 =	simm.s32 @!p1 $0x60;
	s9 =	simm.s32 @!p1 $0x0;
	s22 =	sadd.s32 @!p1 s6, s2  }
0x95: {  	[tilespmem:s9], [sflag:$0x3] =	stream.strided.gather @!p1 [hbm4b:s22+s23], $0x180, s24, s23, $0x38;
	[tilespmem:$0x1E600] =	vst v63  }
0x96: {  	s2 =	sadd.s32 @!p1 s1, s2;
	s22 =	simm.s32 @!p1 $0x300  }
0x97: {  	[tilespmem:s22], [sflag:$0x3] =	stream.strided.gather @!p1 [hbm4b:s2+s23], $0x180, s24, s23, $0x38;
	[tilespmem:$0x1E600] =	vst v63  }
0x98: {  	s2 =	simm.s32 @!p1 $0x3  }
0x99: {  	_ =	swait.ge @!p1 [sflag:s2], $0x180  }
0x9a: {  	[sflag:s2] =	ssyncset.done @!p1 $0x0  }
0x9b: {  	[sflag:s2] =	ssyncadd.s32 @!p1 $0xFFFFFE80  }
0x9c: {  	_ =	swait.ge @!p1 [sflag:s2], $0x180  }
0x9d: {  	[sflag:s2] =	ssyncset.done @!p1 $0x0  }
0x9e: {  	[sflag:s2] =	ssyncadd.s32 @!p1 $0xFFFFFE80;
	s2 =	simm.s32 @!p1 $0x600  }
0x9f: {  	[tilespmem:s2], [sflag:$0x1] =	stream.indirect.gather @!p1 [hbm4b:s5+s23], $0x80, s9, s23, $0xb8;
	[tilespmem:$0x1E600] =	vst v63  }
0xa0: {  	s2 =	simm.s32 @!p1 $0x3600  }
0xa1: {  	[tilespmem:s2], [sflag:$0x1] =	stream.indirect.gather @!p1 [hbm4b:s5+s23], $0x80, s23, s23, $0xb8;
	[tilespmem:$0x1E600] =	vst v63  }
0xa2: {  	s9 =	simm.s32 @!p1 $0x6600;
	s2 =	simm.s32 @!p1 $0xC0  }
0xa3: {  	[tilespmem:s9], [sflag:$0x1] =	stream.indirect.gather @!p1 [hbm4b:s5+s23], $0x80, s2, s23, $0xb8;
	[tilespmem:$0x1E600] =	vst v63  }
0xa4: {  	s2 =	simm.s32 @!p1 $0x120;
	s9 =	simm.s32 @!p1 $0x9600  }
0xa5: {  	[tilespmem:s9], [sflag:$0x1] =	stream.indirect.gather @!p1 [hbm4b:s5+s23], $0x80, s2, s23, $0xb8;
	[tilespmem:$0x1E600] =	vst v63  }
0xa6: {  	_ =	swait.ge [sflag:s10], $0x3000  }
0xa7: {  	[sflag:s10] =	ssyncset.done $0x0  }
0xa8: {  	[sflag:s10] =	ssyncadd.s32 $0xFFFFD000  }
0xa9: {  	_ =	swait.ge [sflag:s10], $0x3000  }
0xaa: {  	[sflag:s10] =	ssyncset.done $0x0  }
0xab: {  	[sflag:s10] =	ssyncadd.s32 $0xFFFFD000  }
0xac: {  	_ =	swait.ge [sflag:s10], $0x3000  }
0xad: {  	[sflag:s10] =	ssyncset.done $0x0  }
0xae: {  	[sflag:s10] =	ssyncadd.s32 $0xFFFFD000  }
0xaf: {  	_ =	swait.ge [sflag:s10], $0x3000  }
0xb0: {  	[sflag:s10] =	ssyncset.done $0x0  }
0xb1: {  	s2 =	simm.s32 @!p0 $0x6;
	[sflag:s10] =	ssyncadd.s32 $0xFFFFD000  }
0xb2: {  	_ =	swait.ge @!p0 [sflag:s2], $0x3000  }
0xb3: {  	[sflag:s2] =	ssyncset.done @!p0 $0x0  }
0xb4: {  	[sflag:s2] =	ssyncadd.s32 @!p0 $0xFFFFD000;
	s2 =	simm.s32 $0x0  }
0xb5: {  	v7 =	vld [tilespmem:s2+$0xC650]  }
0xb6: {  	v1 =	vld [tilespmem:s2+$0x15640]  }
0xb7: {  	v6 =	vld [tilespmem:s2+$0x12610]  }
0xb8: {  	v8 =	vld [tilespmem:s2+$0xF640]  }
0xb9: {  	v9 =	vld [tilespmem:s2+$0xC640]  }
0xba: {  	s24 =	simm.s32 $0x0;
	v10 =	vld [tilespmem:s2+$0xF610]  }
0xbb: {  	v3 =	vmov s24;
	v11 =	vld [tilespmem:s2+$0xF620]  }
0xbc: {  	v12 =	vld [tilespmem:s2+$0xC610]  }
0xbd: {  	v13 =	vld [tilespmem:s2+$0x15620]  }
0xbe: {  	v5 =	vld [tilespmem:s2+$0x12600]  }
0xbf: {  	v14 =	vld [tilespmem:s2+$0xC600]  }
0xc0: {  	v0 =	vld.idx.msk [tilespmem:v3+s21+$0x0], $0xffff  }
0xc1: {  	v2 =	vld.idx.msk [tilespmem:v3+s15+$0x0], $0xffff  }
0xc2: {  	v15 =	vld.idx.msk [tilespmem:v3+s11+$0x0], $0xffff  }
0xc3: {  	v3 =	vld.idx.msk [tilespmem:v3+s20+$0x0], $0xffff  }
0xc4: {  	v16 =	vld [tilespmem:s2+$0x12640]  }
0xc5: {  	v17 =	vld [tilespmem:s2+$0xF600]  }
0xc6: {  	v18 =	vld [tilespmem:s2+$0xC620];
	v4 =	vmul.f32 v1, v0  }
0xc7: {  	v19 =	vld [tilespmem:s2+$0x15610];
	v5 =	vmul.f32 v5, v2;
	v20 =	vmul.f32 v6, v2  }
0xc8: {  	v21 =	vld [tilespmem:s2+$0xF650];
	v1 =	vmul.f32 v13, v0;
	v8 =	vmul.f32 v8, v15  }
0xc9: {  	v22 =	vld [tilespmem:s2+$0xF630];
	v11 =	vmul.f32 v11, v15;
	v13 =	vmul.f32 v9, v3  }
0xca: {  	v23 =	vld [tilespmem:s2+$0x15600];
	v12 =	vmul.f32 v12, v3;
	v9 =	vmul.f32 v16, v2  }
0xcb: {  	v24 =	vmul.f32 v14, v3;
	v16 =	vmul.f32 v10, v15;
	v6 =	vld [tilespmem:s2+$0x12620]  }
0xcc: {  	v18 =	vmul.f32 v18, v3;
	v10 =	vld [tilespmem:s2+$0x12630];
	v14 =	vadd.f32 v8, v13;
	v13 =	vmul.f32 v19, v0  }
0xcd: {  	v19 =	vmul.f32 v17, v15;
	v25 =	vadd.f32 v16, v12;
	v16 =	vld [tilespmem:s2+$0xC630];
	v8 =	vmul.f32 v7, v3  }
0xce: {  	v7 =	vadd.f32 v11, v18;
	v11 =	vmul.f32 v22, v15;
	v12 =	vmul.f32 v21, v15;
	v17 =	vld [tilespmem:s2+$0x12650]  }
0xcf: {  	s22 =	simm.s32 $0x200;
	s23 =	simm.s32 $0x1;
	v18 =	vmul.f32 v23, v0;
	v15 =	vld [tilespmem:s2+$0x15630];
	v19 =	vadd.f32 v19, v24;
	v20 =	vadd.f32 v20, v25  }
.LBB2_5:
0xd0: {  	v21 =	vmov s23;
	s9 =	sshra.s32 s22, $0x2;
	p0 =	sne.s32 s22, $0xBE00;
	s22 =	sadd.s32 $0x200, s22;
	v9 =	vadd.f32 v9, v14;
	v14 =	vld [tilespmem:s2+$0x15650]  }
0xd1: {  	v22 =	vld [tilespmem:s9+$0xC650];
	v5 =	vadd.f32 v5, v19;
	v13 =	vadd.f32 v13, v20;
	v10 =	vmul.f32 v10, v2  }
0xd2: {  	v19 =	vld [tilespmem:s9+$0x15640];
	v3 =	vmul.f32 v16, v3;
	v4 =	vadd.f32 v4, v9  }
0xd3: {  	v6 =	vmul.f32 v6, v2;
	v9 =	vld [tilespmem:s9+$0x12610];
	v5 =	vadd.f32 v18, v5;
	[tilespmem:s2+$0x1B610] =	vst v13;
	v2 =	vmul.f32 v17, v2  }
0xd4: {  	v13 =	vld [tilespmem:s9+$0xF640];
	v3 =	vadd.f32 v11, v3;
	v11 =	vmul.f32 v15, v0;
	[tilespmem:s2+$0x1B640] =	vst v4;
	v4 =	vadd.f32 v12, v8  }
0xd5: {  	v8 =	vld [tilespmem:s9+$0xC640];
	[tilespmem:s2+$0x1B600] =	vst v5;
	v5 =	vadd.f32 v6, v7;
	v0 =	vmul.f32 v14, v0  }
0xd6: {  	v6 =	vld [tilespmem:s9+$0xF610];
	v3 =	vadd.f32 v10, v3;
	v2 =	vadd.f32 v2, v4  }
0xd7: {  	v7 =	vld [tilespmem:s9+$0xF620];
	v1 =	vadd.f32 v1, v5  }
0xd8: {  	v10 =	vld [tilespmem:s9+$0xC610];
	v3 =	vadd.f32 v11, v3;
	v0 =	vadd.f32 v0, v2  }
0xd9: {  	v11 =	vld [tilespmem:s9+$0x15620];
	[tilespmem:s2+$0x1B620] =	vst v1  }
0xda: {  	v1 =	vld [tilespmem:s9+$0x12600];
	[tilespmem:s2+$0x1B650] =	vst v0  }
0xdb: {  	v12 =	vld [tilespmem:s9+$0xC600];
	[tilespmem:s2+$0x1B630] =	vst v3;
	s2 =	smov.u32 s9  }
0xdc: {  	v0 =	vld.idx.msk [tilespmem:v21+s21+$0x0], $0xffff  }
0xdd: {  	v2 =	vld.idx.msk [tilespmem:v21+s15+$0x0], $0xffff  }
0xde: {  	v15 =	vld.idx.msk [tilespmem:v21+s11+$0x0], $0xffff  }
0xdf: {  	v3 =	vld.idx.msk [tilespmem:v21+s20+$0x0], $0xffff  }
0xe0: {  	v14 =	vld [tilespmem:s2+$0x12640]  }
0xe1: {  	v16 =	vld [tilespmem:s2+$0xF600]  }
0xe2: {  	v4 =	vmul.f32 v19, v0;
	v17 =	vld [tilespmem:s2+$0xC620]  }
0xe3: {  	v5 =	vmul.f32 v1, v2;
	v20 =	vmul.f32 v9, v2;
	v18 =	vld [tilespmem:s2+$0x15610]  }
0xe4: {  	v1 =	vmul.f32 v11, v0;
	v11 =	vmul.f32 v13, v15;
	v19 =	vld [tilespmem:s2+$0xF650]  }
0xe5: {  	v7 =	vmul.f32 v7, v15;
	v8 =	vmul.f32 v8, v3;
	v21 =	vld [tilespmem:s2+$0xF630]  }
0xe6: {  	v24 =	vmul.f32 v10, v3;
	v9 =	vmul.f32 v14, v2;
	v23 =	vld [tilespmem:s2+$0x15600]  }
.Ltmp3:
0xe7: {  	v25 =	vmul.f32 v12, v3;
	v12 =	vmul.f32 v6, v15;
	v14 =	vadd.f32 v11, v8;
	v6 =	vld [tilespmem:s2+$0x12620];
	(pc) =	sbr.rel @p0 .LBB2_5-.Ltmp3, $4  }
0xe8: {  	v11 =	vmul.f32 v17, v3;
	v13 =	vmul.f32 v18, v0;
	v10 =	vld [tilespmem:s2+$0x12630]  }
0xe9: {  	v24 =	vadd.f32 v12, v24;
	v8 =	vmul.f32 v22, v3;
	v18 =	vmul.f32 v16, v15;
	v16 =	vld [tilespmem:s2+$0xC630]  }
0xea: {  	v7 =	vadd.f32 v7, v11;
	v12 =	vmul.f32 v19, v15;
	v11 =	vmul.f32 v21, v15;
	v17 =	vld [tilespmem:s2+$0x12650]  }
0xeb: {  	s23 =	sadd.s32 $0x1, s23;
	v20 =	vadd.f32 v20, v24;
	v19 =	vadd.f32 v18, v25;
	v18 =	vmul.f32 v23, v0;
	v15 =	vld [tilespmem:s2+$0x15630]  }
0xec: {  	v21 =	vld [tilespmem:s2+$0x15650]  }
0xed: {  	v9 =	vadd.f32 v9, v14;
	v6 =	vmul.f32 v6, v2  }
0xee: {  	v8 =	vadd.f32 v12, v8;
	v5 =	vadd.f32 v5, v19;
	v3 =	vmul.f32 v16, v3  }
0xef: {  	v13 =	vadd.f32 v13, v20;
	v4 =	vadd.f32 v4, v9;
	v59 =	vmul.f32 v17, v2  }
0xf0: {  	v60 =	vmul.f32 v10, v2;
	v6 =	vadd.f32 v6, v7;
	v3 =	vadd.f32 v11, v3  }
0xf1: {  	v5 =	vadd.f32 v18, v5;
	[tilespmem:s2+$0x1B610] =	vst v13;
	v61 =	vmul.f32 v21, v0;
	v8 =	vadd.f32 v59, v8  }
0xf2: {  	v62 =	vmul.f32 v15, v0;
	[tilespmem:s2+$0x1B640] =	vst v4;
	v1 =	vadd.f32 v1, v6;
	v2 =	vadd.f32 v60, v3  }
.Ltmp4:
0xf3: {  	s9 =	sadd.s32 s0, s13;
	[tilespmem:s2+$0x1B600] =	vst v5;
	v63 =	vadd.f32 v61, v8;
	(pc) =	sbr.rel @p1 .LBB2_8-.Ltmp4, $4  }
0xf4: {  	s9 =	sshll.u32 s9, $0x4;
	[tilespmem:s2+$0x1B620] =	vst v1;
	v0 =	vadd.f32 v62, v2  }
0xf5: {  	s9 =	sand.u32 $0x1FFFFE00, s9;
	[tilespmem:s2+$0x1B650] =	vst v63  }
0xf6: {  	s24 =	sadd.s32 s7, s9;
	[tilespmem:s2+$0x1B630] =	vst v0  }
0xf7: {  	[hbm4b:s24+s3] =	stream.linear.scatter [tilespmem:s30], [sflag:$0x6], $0x3000, $0x38;
	[tilespmem:$0x1E600] =	vst v63  }
0xf8: {  	s0 =	sadd.s32 s0, s14  }
.Ltmp5:
0xf9: {  	s0 =	sshrl.u32 s0, $0x3;
	(pc) =	sbr.rel .LBB2_2-.Ltmp5, $4  }
0xfa: {  	s2 =	sadd.s32 s6, s0  }
0xfb: {  	[tilespmem:s19], [sflag:$0x4] =	stream.strided.gather [hbm4b:s2+s16], $0x180, s17, s16, $0x38;
	[tilespmem:$0x1E600] =	vst v63  }
0xfc: {  	s31 =	sadd.s32 $0x1, s31;
	s0 =	sadd.s32 s1, s0  }
0xfd: {  	[tilespmem:s20], [sflag:$0x4] =	stream.strided.gather [hbm4b:s0+s16], $0x180, s17, s16, $0x38;
	[tilespmem:$0x1E600] =	vst v63  }
.LBB2_9:
0xfe: {  	_ =	sfence.sel $0x180000  }
0xff: {  	[bflag:$0x0] =	sbarrier.arrive $0xFFFF  }
0x100: {  	_ =	strace $0x9000004A  }
0x101: {  	s0 =	stileid.u32;
	[bflag:$0x2] =	sbarrier.arrive $0xFFFF  }
0x102: {  	p0 =	sne.s32 s0, $0x0;
	s0 =	rddreg [dreg:$0x2]  }
0x103: {  	s0 =	sadd.s32 @!p0 $0x100000, s0  }
0x104: {  	[sflag:s0] =	ssyncadd.tile.s32 @!p0 $0x1;
	_ =	shalt  }
.Lfunc_end2:
_tile_overlayer_lowered:
.L_overlay_start_2:
0x105: {  	(tag) =	ssettag $0x2  }
0x106: {  	s0 =	rddreg [dreg:$0x0];
	s2 =	stileid.u32  }
0x107: {  	s1 =	rddreg [dreg:$0x1];
	p0 =	sne.s32 s2, $0x0  }
0x108: {  	s3 =	rddreg [dreg:$0x2];
	[bflag:$0x3] =	sbarrier.arrive $0xFFFF;
	s2 =	simm.s32 @!p0 $0x1C07  }
0x109: {  	[timem:s3], [sflag:s2] =	dma.local @!p0 [hbm:s0], s1  }
0x10a: {  	s0 =	simm.s32 @!p0 $0x7  }
0x10b: {  	_ =	swait.ge @!p0 [sflag:s0], s1  }
0x10c: {  	s1 =	ssub.s32 @!p0 $0x0, s1;
	[sflag:s0] =	ssyncset.done @!p0 $0x0  }
0x10d: {  	[sflag:s0] =	ssyncadd.s32 @!p0 s1  }
0x10e: {  	[bflag:$0x3] =	sbarrier.arrive $0xFFFF  }
0x10f: {  	_ =	shalt  }

// kernel: sparse-core-data-format-call.1.cloned.1.call-start
scs
called_computation.1_lowered:
.L_overlay_start_0:
0x0: {  	s2 =	sld [smem:$0x3FD9]  }
0x1: {  	s3 =	sld [smem:$0x3FFE];
	_ =	sdelay $0x1  }
0x2: {  	s1 =	srdreg.scid  }
0x3: {  	s0 =	sand.u32 $0x1, s1  }
0x4: {  	s18 =	sshll.u32 s0, $0xA;
	s2 =	sadd.s32 s3, s2  }
0x5: {  	s2 =	sadd.s32 s2, s18  }
0x6: {  	[smem:$0x3FC6] =	sst s2  }
0x7: {  	_ = 	snop  }
0x8: {  	s2 =	sld [smem:$0x3FC9];
	(tm) =	ssettm $0x1  }
0x9: {  	s19 =	sld [smem:$0x3FFB];
	_ =	sdelay $0x3  }
0xa: {  	_ =	strace s19  }
0xb: {  	s3 =	sld [smem:$0x3FFC];
	_ =	sdelay $0x3  }
0xc: {  	_ =	strace s3  }
0xd: {  	s3 =	sld [smem:$0x3FFD];
	_ =	sdelay $0x3  }
0xe: {  	_ =	strace s3  }
0xf: {  	_ =	strace $0x8FFFFFFF  }
0x10: {  	s20 =	sld [smem:$0x3FDB];
	_ =	sdelay $0x1  }
0x11: {  	s4 =	simm.s32 $_scs_section_size  }
0x12: {  	s5 =	simm.s32 $_size__tile_overlayer_lowered;
	s6 =	simm.s32 $_tile_overlayer_lowered  }
0x13: {  	s23 =	simm.s32 $0x1BFF;
	s22 =	sshll.u32 s6, $0x1;
	s3 =	sadd.s32 s4, s20  }
0x14: {  	s7 =	simm.s32 $0x0;
	s21 =	sshll.u32 s5, $0x1;
	s5 =	sadd.s32 s22, s3  }
0x15: {  	[timem:s7], [sflag:s23] =	dma.local [hbm:s5], s21  }
0x16: {  	_ =	swait.ge [sflag:s23], s21  }
0x17: {  	s4 =	ssub.s32 $0x0, s21;
	[sflag:s23] =	ssyncset.done $0x0  }
0x18: {  	[sflag:s23] =	ssyncadd.s32 s4;
	_ =	sdelay $0x1  }
0x19: {  	s24 =	simm.s32 $0x1B8B  }
0x1a: {  	_ =	swait.ge [sflag:s24], $0x1  }
0x1b: {  	[sflag:s24] =	ssyncset.done $0x0  }
0x1c: {  	s26 =	simm.s32 $0x1B8E;
	s25 =	sld [smem:$0x3FFE];
	[sflag:s24] =	ssyncadd.s32 $0xFFFFFFFF  }
0x1d: {  	s27 =	simm.s32 $execute0_lowered;
	[smem:$0x3FD2] =	sst s26  }
0x1e: {  	s5 =	sshll.u32 s27, $0x1;
	_ =	strace $0x80000046;
	[dreg:$0x1] =	wrdreg $0xFFFFFFFF  }
0x1f: {  	s28 =	simm.s32 $_size_execute0_lowered;
	s3 =	sadd.s32 s3, s5;
	[dreg:$0x0] =	wrdreg $0x0  }
0x20: {  	s5 =	sshll.u32 s28, $0x1;
	[dreg:$0x2] =	wrdreg s3  }
0x21: {  	[dreg:$0x3] =	wrdreg s5  }
0x22: {  	[dreg:$0x4] =	wrdreg $0xC0  }
0x23: {  	_ =	task [dreg:s7], $0x5FFFF  }
0x24: {  	[dreg:$0x1] =	wrdreg $0xFFFFFFFF  }
0x25: {  	[dreg:$0x0] =	wrdreg $0x60  }
0x26: {  	[dreg:$0x2] =	wrdreg s2  }
0x27: {  	[dreg:$0x3] =	wrdreg s25  }
0x28: {  	[dreg:$0x4] =	wrdreg $0x9  }
0x29: {  	_ =	task.clear_ibuf [dreg:s7], $0x5FFFF;
	_ =	strace $0x90000046  }
0x2a: {  	s29 =	simm.s32 $0x9;
	_ =	strace $0x80000048  }
0x2b: {  	_ =	swait.ge [sflag:s29], $0x1  }
0x2c: {  	[sflag:s29] =	ssyncadd.s32 $0xFFFFFFFF  }
0x2d: {  	_ =	strace $0x90000048  }
0x2e: {  	_ =	sfence  }
0x2f: {  	s30 =	sld [smem:$0x0];
	_ =	sdelay $0x2  }
0x30: {  	s31 =	sshll.u32 s1, $0xD;
	s1 =	sshrl.u32 s1, $0x2  }
0x31: {  	s3 =	sand.u32 $0x4000, s31;
	s1 =	sadd.s32 s1, s30  }
0x32: {  	s0 =	sor.u32 s3, s0;
	s1 =	sshll.u32 s1, $0x11  }
0x33: {  	s0 =	sor.u32 s1, s0  }
0x34: {  	s0 =	sadd.s32 $0x8F2B, s0  }
0x35: {  	[sflag:s0] =	ssyncadd.remote.s32 $0x1  }
0x36: {  	_ =	sfence.sel $0xFFFF  }
0x37: {  	[dreg:$0x0] =	wrdreg $0xFFFFFFFF;
	(pc) =	sbr.abs _section_cstart, $3  }
0x38: {  	[dreg:$0x1] =	wrdreg $0xFFFFFFFF  }
0x39: {  	_ =	task.clear_ibuf [dreg:s7], $0x2FFFF;
	_ =	strace $0x9FFFFFFF  }
0x3a: {  	(tm) =	ssettm $0x7FFFFFFF  }
0x3b: {  	_ =	shalt  }
tec
execute0_lowered:
.L_overlay_start_1:
0x0: {  	(tag) =	ssettag $0x1  }
0x1: {  	s2 =	rddreg [dreg:$0x0]  }
0x2: {  	s1 =	rddreg [dreg:$0x1]  }
0x3: {  	s0 =	rddreg [dreg:$0x2];
	s4 =	srdreg.scid  }
0x4: {  	_ =	strace $0x80000047;
	s7 =	simm.s32 $0x2;
	s16 =	simm.s32 $0x0  }
0x5: {  	p0 =	por $0x0, $0x0;
	s14 =	simm.s32 $0x0;
	s13 =	simm.s32 $0x0  }
0x6: {  	s15 =	simm.s32 $0x0;
	s9 =	simm.s32 $0x0;
	s11 =	simm.s32 $0x0  }
.Ltmp0:
0x7: {  	s3 =	sadd.s32 $0x1600, s1;
	s4 =	sshll.u32 s4, $0x4;
	(pc) =	sbr.rel .LBB1_1-.Ltmp0, $4  }
0x8: {  	s1 =	stileid.u32;
	s5 =	sand.u32 $0x10, s4;
	s4 =	simm.s32 $0x1  }
0x9: {  	s8 =	simm.s32 $0x0;
	s6 =	sor.u32 s1, s5;
	[sflag:s4] =	ssyncpa.u1 $0x0  }
0xa: {  	s5 =	sand.u32 $0x3, s1;
	s6 =	sshrl.u32 s6, $0x2;
	[sflag:s7] =	ssyncpa.u1 $0x0  }
0xb: {  	s7 =	simm.s32 $0x24000;
	s12 =	smov.u32 s5;
	s10 =	smov.u32 s6  }
.LBB1_3:
0xc: {  	p1 =	seq.s32 s8, $0x0  }
0xd: {  	p2 =	seq.s32 @!p1 s8, $0x91  }
0xe: {  	p1 =	por p1, p2  }
.Ltmp1:
0xf: {  	_ = 	snop;
	(pc) =	sbr.rel @!p1 .LBB1_4-.Ltmp1, $1  }
0x10: {  	_ =	sdelay $0x3  }
.LBB1_7:
0x11: {  	s17 =	sadd.s32 $0x80, s9  }
0x12: {  	s13 =	sadd.s32 $0x8, s10;
	s18 =	smov.u32 s10;
	p2 =	sgt.s32 s17, $0x17F  }
0x13: {  	s18 =	smov.u32 @p2 s13  }
0x14: {  	s19 =	smov.u32 s11;
	s13 =	sadd.s32 $0x80, s11;
	p3 =	sgt.s32 s18, $0x17F  }
0x15: {  	s19 =	smov.u32 @p3 s13  }
0x16: {  	s20 =	smov.u32 s12;
	s13 =	sadd.s32 $0x4, s12;
	p4 =	sgt.s32 s19, $0x5F  }
0x17: {  	p1 =	slt.u32 s8, $0x2;
	s20 =	smov.u32 @p4 s13  }
0x18: {  	s8 =	sadd.s32 $0x1, s8;
	s17 =	simm.s32 @p2 $0x0;
	p2 =	sgt.s32 s20, $0x3  }
0x19: {  	s16 =	smov.u32 s9;
	s20 =	smov.u32 @p2 s5;
	p2 =	sne.s32 s8, $0x92  }
.Ltmp2:
0x1a: {  	s14 =	smov.u32 s10;
	s21 =	simm.s32 @!p1 $0x2;
	(pc) =	sbr.rel @!p2 .LBB1_8-.Ltmp2, $4  }
0x1b: {  	s15 =	smov.u32 s12;
	p0 =	por !p0, !p0;
	_ =	swait.ge @!p1 [sflag:s21], $0x4000  }
0x1c: {  	[sflag:s21] =	ssyncset.done @!p1 $0x0;
	s9 =	smov.u32 s17;
	s18 =	smov.u32 @p3 s6  }
0x1d: {  	[sflag:s21] =	ssyncadd.s32 @!p1 $0xFFFFC000;
	s10 =	smov.u32 s18;
	s19 =	simm.s32 @p4 $0x0  }
0x1e: {  	s13 =	smov.u32 s11;
	s11 =	smov.u32 s19;
	s12 =	smov.u32 s20  }
.LBB1_1:
0x1f: {  	p1 =	sgt.u32 s8, $0x8F  }
.Ltmp3:
0x20: {  	_ = 	snop;
	(pc) =	sbr.rel @p1 .LBB1_3-.Ltmp3, $1  }
0x21: {  	_ =	sdelay $0x3  }
0x22: {  	s17 =	sshrl.u32 s10, $0x3  }
0x23: {  	s18 =	sshll.u32 s9, $0x3;
	s17 =	smul.u32 $0xC00, s17  }
0x24: {  	s19 =	sshll.u32 s10, $0x7;
	s18 =	sand.u32 $0xFFFFFC00, s18  }
0x25: {  	s24 =	sand.u32 $0x380, s19;
	s17 =	sadd.s32 s17, s18  }
0x26: {  	s25 =	sand.u32 $0x7F, s9;
	s17 =	sor.u32 s24, s17  }
0x27: {  	p1 =	sgt.s32 s12, $0x3;
	s20 =	smov.u32 s12;
	s18 =	sor.u32 s25, s17  }
0x28: {  	s21 =	sshra.s32 s12, $0x1F;
	s22 =	sxor.u32 $0xFFFFFFFF, s8;
	s19 =	smulhi.u32 $0xAAAAAAAB, s18  }
0x29: {  	s28 =	sshra.s32 s11, $0x1F;
	s20 =	simm.s32 @!p1 $0x3;
	s21 =	sand.u32 s21, s12  }
0x2a: {  	s23 =	sshra.s32 s10, $0x1F;
	s20 =	ssub.s32 s20, s21;
	s19 =	sshrl.u32 s19, $0x8  }
0x2b: {  	s31 =	sshra.s32 s9, $0x1F;
	s27 =	sadd.s32 $0xFFFFFFFD, s20;
	s19 =	smul.u32 $0x180, s19  }
0x2c: {  	s26 =	sshll.u32 s22, $0xE;
	s22 =	sand.u32 s28, s11;
	p1 =	sgt.s32 s27, $0x0  }
0x2d: {  	s17 =	smulhi.u32 $0xAAAAAAAB, s17;
	s18 =	ssub.s32 s18, s19;
	s19 =	ssub.s32 $0x4, s20  }
0x2e: {  	s20 =	smov.u32 s11;
	s19 =	simm.s32 @p1 $0x0;
	p1 =	sgt.s32 s11, $0xFFFFFFE0  }
0x2f: {  	s23 =	sand.u32 s23, s10;
	s17 =	sshrl.u32 s17, $0x8;
	s20 =	simm.s32 @!p1 $0xFFFFFFE0  }
0x30: {  	p1 =	sgt.s32 s10, $0x17F;
	s20 =	ssub.s32 s20, s22;
	s22 =	smov.u32 s10  }
0x31: {  	s29 =	smulhi.u32 $0xAAAAAB, s17;
	s24 =	sadd.s32 $0x20, s20;
	s22 =	simm.s32 @!p1 $0x17F  }
0x32: {  	s20 =	ssub.s32 $0x60, s20;
	p1 =	sgt.s32 s24, $0x7F;
	s22 =	ssub.s32 s22, s23  }
0x33: {  	s23 =	smul.u32 $0x180, s29;
	s20 =	simm.s32 @p1 $0x0;
	s30 =	sadd.s32 $0xFFFFFE81, s22  }
0x34: {  	s19 =	smul.u32 s19, s20;
	p1 =	sgt.s32 s30, $0x0;
	s20 =	ssub.s32 $0x180, s22  }
0x35: {  	s22 =	smov.u32 s9;
	s20 =	simm.s32 @p1 $0x0;
	p1 =	sgt.s32 s9, $0x100  }
0x36: {  	s27 =	smul.u32 $0x4800, s11;
	s24 =	sand.u32 s31, s9;
	s22 =	simm.s32 @!p1 $0x100  }
0x37: {  	s17 =	ssub.s32 s17, s23;
	s19 =	smul.u32 s20, s19;
	s25 =	ssub.s32 s22, s24  }
0x38: {  	s20 =	sand.u32 $0x4000, s26;
	s26 =	smul.u32 $0x1B0000, s12;
	s22 =	sadd.s32 $0xFFFFFF00, s25  }
0x39: {  	s17 =	smul.u32 $0x30, s17;
	s21 =	ssub.s32 $0x180, s25;
	p1 =	sgt.s32 s22, $0x7F  }
.Ltmp4:
0x3a: {  	s23 =	sadd.s32 s2, s26;
	s21 =	simm.s32 @p1 $0x0;
	(pc) =	sbr.rel .LBB1_3-.Ltmp4, $4  }
0x3b: {  	s29 =	sand.u32 $0x7, s18;
	s28 =	sadd.s32 s27, s23;
	s19 =	smul.u32 s21, s19  }
0x3c: {  	s18 =	sshrl.u32 s18, $0x3;
	s30 =	sshll.u32 s29, $0x12;
	s17 =	sadd.s32 s17, s28  }
0x3d: {  	s31 =	sor.u32 $0x80, s30;
	s17 =	sadd.s32 s18, s17;
	s19 =	sand.u32 $0x3FFFFFFF, s19  }
0x3e: {  	[tilespmem:s20], [sflag:$0x1] =	stream.strided.gather [hbm4b:s17+s31], s19, s7, s31, $0x38;
	[tilespmem:$0x10100] =	vst v63  }
.LBB1_4:
0x3f: {  	p1 =	sgt.s32 s15, $0x3;
	s17 =	smov.u32 s15;
	s18 =	sshra.s32 s15, $0x1F  }
0x40: {  	s19 =	smov.u32 s13;
	s20 =	sshra.s32 s13, $0x1F;
	s25 =	sshra.s32 s14, $0x1F  }
0x41: {  	s17 =	simm.s32 @!p1 $0x3;
	s18 =	sand.u32 s18, s15;
	p1 =	sgt.s32 s13, $0xFFFFFFE0  }
0x42: {  	s23 =	sand.u32 s20, s13;
	s17 =	ssub.s32 s17, s18;
	s19 =	simm.s32 @!p1 $0xFFFFFFE0  }
0x43: {  	s27 =	sshra.s32 s16, $0x1F;
	s24 =	sadd.s32 $0xFFFFFFFD, s17;
	s18 =	ssub.s32 s19, s23  }
0x44: {  	s17 =	ssub.s32 $0x4, s17;
	p1 =	sgt.s32 s24, $0x0;
	s19 =	sadd.s32 $0x20, s18  }
0x45: {  	s18 =	ssub.s32 $0x60, s18;
	s17 =	simm.s32 @p1 $0x0;
	p1 =	sgt.s32 s19, $0x7F  }
0x46: {  	s19 =	smov.u32 s14;
	s18 =	simm.s32 @p1 $0x0;
	p1 =	sgt.s32 s14, $0x17F  }
0x47: {  	s26 =	sand.u32 s25, s14;
	s17 =	smul.u32 s17, s18;
	s19 =	simm.s32 @!p1 $0x17F  }
0x48: {  	p1 =	sgt.s32 s16, $0x100;
	s18 =	ssub.s32 s19, s26;
	s19 =	smov.u32 s16  }
0x49: {  	s20 =	sand.u32 s27, s16;
	s21 =	sadd.s32 $0xFFFFFE81, s18;
	s19 =	simm.s32 @!p1 $0x100  }
0x4a: {  	s18 =	ssub.s32 $0x180, s18;
	p1 =	sgt.s32 s21, $0x0;
	s19 =	ssub.s32 s19, s20  }
0x4b: {  	s18 =	simm.s32 @p1 $0x0;
	s20 =	sadd.s32 $0xFFFFFF00, s19  }
0x4c: {  	s17 =	smul.u32 s18, s17;
	p1 =	sgt.s32 s20, $0x7F;
	s18 =	ssub.s32 $0x180, s19  }
0x4d: {  	s18 =	simm.s32 @p1 $0x0  }
0x4e: {  	s17 =	smul.u32 s18, s17;
	_ =	sdelay $0x1  }
0x4f: {  	s18 =	simm.s32 $0x1;
	s17 =	sand.u32 $0x3FFFFFFF, s17  }
0x50: {  	s18 =	simm.s32 @!p0 $0x0;
	_ =	swait.ge [sflag:s4], s17  }
0x51: {  	s28 =	sshll.u32 s18, $0xE;
	s17 =	ssub.s32 $0x0, s17;
	[sflag:s4] =	ssyncset.done $0x0  }
0x52: {  	s29 =	sor.u32 $0x40, s28;
	[sflag:s4] =	ssyncadd.s32 s17  }
0x53: {  	s30 =	smul.u32 $0x10200, s18;
	v0 =	vld [tilespmem:s29+$0x30]  }
0x54: {  	v1 =	vld [tilespmem:s29+$0xFFFFFFD0]  }
0x55: {  	s17 =	sshrl.u32 s30, $0x2;
	v5 =	vld [tilespmem:s29+$0xFFFFFFE0]  }
0x56: {  	s18 =	sor.u32 $0x8000, s17;
	v6 =	vld [tilespmem:s29+$0xFFFFFFF0]  }
0x57: {  	s31 =	sand.u32 $0x1, s8;
	v4 =	vld [tilespmem:s29+$0x0];
	s19 =	sadd.s32 $0x0, s18  }
0x58: {  	s17 =	smul.u32 $0x10200, s31;
	v2 =	vld [tilespmem:s29+$0x10];
	[tilespmem:s19+$0x3870 ss:$0x81] =	vst.msk $0xffff, v0  }
0x59: {  	v3 =	vld [tilespmem:s29+$0x20];
	[tilespmem:s19+$0x810 ss:$0x81] =	vst.msk $0xffff, v1  }
0x5a: {  	s20 =	sadd.s32 $0x80, s29;
	s17 =	sshrl.u32 s17, $0x2;
	v0 =	vld [tilespmem:s29+$0xFFFFFFC0];
	[tilespmem:s19+$0x1020 ss:$0x81] =	vst.msk $0xffff, v5  }
0x5b: {  	s22 =	simm.s32 $0x8;
	s21 =	simm.s32 $0x4;
	s17 =	sor.u32 $0x8000, s17;
	v1 =	vld [tilespmem:s20+$0x30];
	[tilespmem:s19+$0x1830 ss:$0x81] =	vst.msk $0xffff, v6  }
.LBB1_5:
0x5c: {  	p1 =	sne.s32 s22, $0x1FC;
	v5 =	vld [tilespmem:s20+$0xFFFFFFD0];
	[tilespmem:s19+$0x2040 ss:$0x81] =	vst.msk $0xffff, v4  }
0x5d: {  	v6 =	vld [tilespmem:s20+$0xFFFFFFE0];
	[tilespmem:s19+$0x2850 ss:$0x81] =	vst.msk $0xffff, v2  }
0x5e: {  	s23 =	sshra.s32 s21, $0x2;
	s21 =	smov.u32 s22;
	v7 =	vld [tilespmem:s20+$0xFFFFFFF0];
	[tilespmem:s19+$0x3060 ss:$0x81] =	vst.msk $0xffff, v3  }
.Ltmp5:
0x5f: {  	v4 =	vld [tilespmem:s20+$0x0];
	[tilespmem:s19+$0x0 ss:$0x81] =	vst.msk $0xffff, v0;
	s19 =	sadd.s32 s23, s18;
	(pc) =	sbr.rel @p1 .LBB1_5-.Ltmp5, $4  }
0x60: {  	v2 =	vld [tilespmem:s20+$0x10];
	[tilespmem:s19+$0x3870 ss:$0x81] =	vst.msk $0xffff, v1  }
0x61: {  	[tilespmem:s19+$0x810 ss:$0x81] =	vst.msk $0xffff, v5;
	v3 =	vld [tilespmem:s20+$0x20]  }
0x62: {  	v0 =	vld [tilespmem:s20+$0xFFFFFFC0];
	[tilespmem:s19+$0x1020 ss:$0x81] =	vst.msk $0xffff, v6;
	s20 =	sadd.s32 $0x80, s20  }
0x63: {  	s22 =	sadd.s32 $0x4, s22;
	v1 =	vld [tilespmem:s20+$0x30];
	[tilespmem:s19+$0x1830 ss:$0x81] =	vst.msk $0xffff, v7  }
0x64: {  	s16 =	sshll.u32 s16, $0x7;
	s22 =	sshll.u32 s13, $0x3;
	v5 =	vld [tilespmem:s20+$0xFFFFFFD0];
	[tilespmem:s19+$0x2040 ss:$0x81] =	vst.msk $0xffff, v4  }
0x65: {  	v58 =	vld [tilespmem:s20+$0xFFFFFFE0];
	s23 =	sand.u32 $0xFFFFFC00, s16;
	s22 =	sand.u32 $0xFFFFFC00, s22;
	[tilespmem:s19+$0x2850 ss:$0x81] =	vst.msk $0xffff, v2  }
0x66: {  	s21 =	sshra.s32 s21, $0x2;
	v59 =	vld [tilespmem:s20+$0xFFFFFFF0];
	s16 =	sand.u32 $0x380, s16;
	s22 =	sadd.s32 s22, s23;
	[tilespmem:s19+$0x3060 ss:$0x81] =	vst.msk $0xffff, v3  }
0x67: {  	v60 =	vld [tilespmem:s20+$0x0];
	s18 =	sadd.s32 s21, s18;
	s16 =	sor.u32 s16, s22;
	[tilespmem:s19+$0x0 ss:$0x81] =	vst.msk $0xffff, v0  }
0x68: {  	v61 =	vld [tilespmem:s20+$0x10];
	s15 =	smul.u32 $0x240000, s15;
	s16 =	sshrl.u32 s16, $0x7;
	[tilespmem:s18+$0x3870 ss:$0x81] =	vst.msk $0xffff, v1  }
0x69: {  	v62 =	vld [tilespmem:s20+$0x20];
	s27 =	smulhi.u32 $0xAAAAAB, s16;
	[tilespmem:s18+$0x810 ss:$0x81] =	vst.msk $0xffff, v5  }
0x6a: {  	v63 =	vld [tilespmem:s20+$0xFFFFFFC0];
	s14 =	smul.u32 $0x1800, s14;
	[tilespmem:s18+$0x1020 ss:$0x81] =	vst.msk $0xffff, v58  }
0x6b: {  	[tilespmem:s18+$0x1830 ss:$0x81] =	vst.msk $0xffff, v59;
	s19 =	smul.u32 $0x180, s27  }
.Ltmp6:
0x6c: {  	s28 =	sshrl.u32 s13, $0x3;
	s15 =	sadd.s32 s3, s15;
	[tilespmem:s18+$0x2040 ss:$0x81] =	vst.msk $0xffff, v60;
	(pc) =	sbr.rel .LBB1_7-.Ltmp6, $4  }
0x6d: {  	s29 =	sand.u32 $0xF, s28;
	s14 =	sadd.s32 s14, s15;
	[tilespmem:s18+$0x2850 ss:$0x81] =	vst.msk $0xffff, v61;
	s16 =	ssub.s32 s16, s19  }
0x6e: {  	s14 =	sadd.s32 s29, s14;
	[tilespmem:s18+$0x3060 ss:$0x81] =	vst.msk $0xffff, v62;
	s30 =	sshll.u32 s16, $0x4  }
0x6f: {  	s31 =	sand.u32 $0x7, s13;
	[tilespmem:s18+$0x0 ss:$0x81] =	vst.msk $0xffff, v63;
	s14 =	sadd.s32 s30, s14  }
0x70: {  	[hbm4b:s14+s31] =	stream.linear.scatter [tilespmem:s17], [sflag:$0x2], $0x4000, $0x20;
	[tilespmem:$0x10100] =	vst v63  }
.LBB1_8:
0x71: {  	_ =	sfence.sel $0x180000  }
0x72: {  	s2 =	simm.s32 $0x1;
	[bflag:$0x0] =	sbarrier.arrive $0xFFFF  }
0x73: {  	s31 =	simm.s32 $0x2;
	[sflag:s2] =	ssyncpa.u1 $0x1  }
0x74: {  	[sflag:s31] =	ssyncpa.u1 $0x1  }
0x75: {  	p0 =	sne.s32 s1, $0x0;
	_ =	strace $0x90000047  }
0x76: {  	s0 =	sadd.s32 @!p0 $0x100000, s0;
	[bflag:$0x2] =	sbarrier.arrive $0xFFFF  }
0x77: {  	[sflag:s0] =	ssyncadd.tile.s32 @!p0 $0x1;
	_ =	shalt  }
.Lfunc_end1:
_tile_overlayer_lowered:
.L_overlay_start_2:
0x78: {  	(tag) =	ssettag $0x2  }
0x79: {  	s0 =	rddreg [dreg:$0x0];
	s2 =	stileid.u32  }
0x7a: {  	s1 =	rddreg [dreg:$0x1];
	p0 =	sne.s32 s2, $0x0  }
0x7b: {  	s3 =	rddreg [dreg:$0x2];
	[bflag:$0x3] =	sbarrier.arrive $0xFFFF;
	s2 =	simm.s32 @!p0 $0x1C01  }
0x7c: {  	[timem:s3], [sflag:s2] =	dma.local @!p0 [hbm:s0], s1  }
0x7d: {  	s0 =	simm.s32 @!p0 $0x1  }
0x7e: {  	_ =	swait.ge @!p0 [sflag:s0], s1  }
0x7f: {  	s1 =	ssub.s32 @!p0 $0x0, s1;
	[sflag:s0] =	ssyncset.done @!p0 $0x0  }
0x80: {  	[sflag:s0] =	ssyncadd.s32 @!p0 s1  }
0x81: {  	[bflag:$0x3] =	sbarrier.arrive $0xFFFF  }
0x82: {  	_ =	shalt  }

// kernel: sparse-core-data-format-call.cloned.1.call-start
scs
called_computation_lowered:
.L_overlay_start_0:
0x0: {  	s2 =	sld [smem:$0x3FD9]  }
0x1: {  	s3 =	sld [smem:$0x3FFE];
	_ =	sdelay $0x1  }
0x2: {  	s1 =	srdreg.scid  }
0x3: {  	s0 =	sand.u32 $0x1, s1  }
0x4: {  	s15 =	sshll.u32 s0, $0xA;
	s2 =	sadd.s32 s3, s2  }
0x5: {  	s2 =	sadd.s32 s2, s15  }
0x6: {  	[smem:$0x3FC6] =	sst s2  }
0x7: {  	_ = 	snop  }
0x8: {  	s2 =	sld [smem:$0x3FD0];
	_ =	sdelay $0x2  }
0x9: {  	s16 =	simm.s32 $0xA;
	s4 =	simm.s32 $0x10  }
0xa: {  	[smem:s4], [sflag:s16] =	dma.local [hbm:s2], $0x1  }
0xb: {  	_ =	swait.eq [sflag:s16], $0x1  }
0xc: {  	[sflag:s16] =	ssyncset.done $0x0  }
0xd: {  	[sflag:s16] =	ssyncadd.s32 $0xFFFFFFFF  }
0xe: {  	s17 =	sld [smem:$0x10];
	(tm) =	ssettm $0x1  }
0xf: {  	s18 =	sld [smem:$0x3FFB];
	_ =	sdelay $0x3  }
0x10: {  	_ =	strace s18  }
0x11: {  	s3 =	sld [smem:$0x3FFC];
	_ =	sdelay $0x3  }
0x12: {  	_ =	strace s3  }
0x13: {  	s3 =	sld [smem:$0x3FFD];
	_ =	sdelay $0x3  }
0x14: {  	_ =	strace s3  }
0x15: {  	_ =	strace $0x8FFFFFFF  }
0x16: {  	s19 =	sld [smem:$0x3FDB];
	_ =	sdelay $0x1  }
0x17: {  	s20 =	simm.s32 $_scs_section_size  }
0x18: {  	s5 =	simm.s32 $_size__tile_overlayer_lowered;
	s6 =	simm.s32 $_tile_overlayer_lowered  }
0x19: {  	s23 =	simm.s32 $0x1BFF;
	s22 =	sshll.u32 s6, $0x1;
	s3 =	sadd.s32 s20, s19  }
0x1a: {  	s7 =	simm.s32 $0x0;
	s21 =	sshll.u32 s5, $0x1;
	s5 =	sadd.s32 s22, s3  }
0x1b: {  	[timem:s7], [sflag:s23] =	dma.local [hbm:s5], s21  }
0x1c: {  	_ =	swait.ge [sflag:s23], s21  }
0x1d: {  	s4 =	ssub.s32 $0x0, s21;
	[sflag:s23] =	ssyncset.done $0x0  }
0x1e: {  	[sflag:s23] =	ssyncadd.s32 s4;
	_ =	sdelay $0x1  }
0x1f: {  	s24 =	simm.s32 $0x1B8B  }
0x20: {  	_ =	swait.ge [sflag:s24], $0x1  }
0x21: {  	[sflag:s24] =	ssyncset.done $0x0  }
0x22: {  	s26 =	simm.s32 $0x1B8E;
	s25 =	sld [smem:$0x3FFE];
	[sflag:s24] =	ssyncadd.s32 $0xFFFFFFFF  }
0x23: {  	s27 =	simm.s32 $execute0_lowered;
	[smem:$0x3FD2] =	sst s26  }
0x24: {  	s5 =	sshll.u32 s27, $0x1;
	_ =	strace $0x8000004C;
	[dreg:$0x1] =	wrdreg $0xFFFFFFFF  }
0x25: {  	s28 =	simm.s32 $_size_execute0_lowered;
	s3 =	sadd.s32 s3, s5;
	[dreg:$0x0] =	wrdreg $0x0  }
0x26: {  	s5 =	sshll.u32 s28, $0x1;
	[dreg:$0x2] =	wrdreg s3  }
0x27: {  	[dreg:$0x3] =	wrdreg s5  }
0x28: {  	[dreg:$0x4] =	wrdreg $0xC0  }
0x29: {  	_ =	task [dreg:s7], $0x5FFFF  }
0x2a: {  	[dreg:$0x1] =	wrdreg $0xFFFFFFFF  }
0x2b: {  	[dreg:$0x0] =	wrdreg $0x60  }
0x2c: {  	[dreg:$0x2] =	wrdreg s25  }
0x2d: {  	[dreg:$0x3] =	wrdreg s17  }
0x2e: {  	[dreg:$0x4] =	wrdreg $0x9  }
0x2f: {  	_ =	task.clear_ibuf [dreg:s7], $0x5FFFF;
	_ =	strace $0x9000004C  }
0x30: {  	s29 =	simm.s32 $0x9;
	_ =	strace $0x8000004E  }
0x31: {  	_ =	swait.ge [sflag:s29], $0x1  }
0x32: {  	[sflag:s29] =	ssyncadd.s32 $0xFFFFFFFF  }
0x33: {  	_ =	strace $0x9000004E  }
0x34: {  	_ =	sfence  }
0x35: {  	s30 =	sld [smem:$0x0];
	_ =	sdelay $0x2  }
0x36: {  	s31 =	sshll.u32 s1, $0xD;
	s1 =	sshrl.u32 s1, $0x2  }
0x37: {  	s3 =	sand.u32 $0x4000, s31;
	s1 =	sadd.s32 s1, s30  }
0x38: {  	s0 =	sor.u32 s3, s0;
	s1 =	sshll.u32 s1, $0x11  }
0x39: {  	s0 =	sor.u32 s1, s0  }
0x3a: {  	s0 =	sadd.s32 $0x8F2B, s0  }
0x3b: {  	[sflag:s0] =	ssyncadd.remote.s32 $0x1  }
0x3c: {  	_ =	sfence.sel $0xFFFF  }
0x3d: {  	[dreg:$0x0] =	wrdreg $0xFFFFFFFF;
	(pc) =	sbr.abs _section_cstart, $3  }
0x3e: {  	[dreg:$0x1] =	wrdreg $0xFFFFFFFF  }
0x3f: {  	_ =	task.clear_ibuf [dreg:s7], $0x2FFFF;
	_ =	strace $0x9FFFFFFF  }
0x40: {  	(tm) =	ssettm $0x7FFFFFFF  }
0x41: {  	_ =	shalt  }
tec
execute0_lowered:
.L_overlay_start_1:
0x0: {  	(tag) =	ssettag $0x1  }
0x1: {  	s3 =	rddreg [dreg:$0x0]  }
0x2: {  	s2 =	rddreg [dreg:$0x1]  }
0x3: {  	s1 =	srdreg.scid;
	s0 =	rddreg [dreg:$0x2];
	_ =	strace $0x8000004D  }
0x4: {  	s7 =	simm.s32 $0x2;
	s15 =	simm.s32 $0x0;
	p0 =	por $0x0, $0x0  }
0x5: {  	s16 =	simm.s32 $0x0;
	s17 =	simm.s32 $0x0;
	s8 =	simm.s32 $0x0  }
0x6: {  	s10 =	simm.s32 $0x0;
	s11 =	simm.s32 $0x0;
	s12 =	simm.s32 $0x0  }
.Ltmp0:
0x7: {  	s9 =	simm.s32 $0x0;
	s4 =	sshll.u32 s1, $0x4;
	(pc) =	sbr.rel .LBB1_1-.Ltmp0, $4  }
0x8: {  	s1 =	stileid.u32;
	s3 =	sadd.s32 $0x1600, s3;
	s4 =	sand.u32 $0x10, s4  }
0x9: {  	s5 =	sand.u32 $0x3, s1;
	s6 =	sor.u32 s1, s4;
	s4 =	simm.s32 $0x1  }
0xa: {  	s14 =	smov.u32 s5;
	[sflag:s4] =	ssyncpa.u1 $0x0;
	s6 =	sshrl.u32 s6, $0x2  }
0xb: {  	[sflag:s7] =	ssyncpa.u1 $0x0;
	s7 =	simm.s32 $0x24000;
	s13 =	smov.u32 s6  }
.LBB1_5:
0xc: {  	p1 =	slt.u32 s9, $0x2  }
0xd: {  	s18 =	smov.u32 s17;
	p2 =	sgt.s32 @!p1 s17, $0x3;
	s19 =	sshra.s32 @!p1 s17, $0x1F  }
0xe: {  	p3 =	sgt.s32 @!p1 s15, $0x100;
	p2 =	por !p2, p1;
	s17 =	sand.u32 @!p1 s19, s17  }
0xf: {  	s19 =	sshra.s32 @!p1 s16, $0x1F;
	s18 =	simm.s32 @p2 $0x3;
	p2 =	sgt.s32 @!p1 s16, $0x17F  }
0x10: {  	s17 =	ssub.s32 @!p1 s18, s17;
	p2 =	por !p2, p1;
	s18 =	smov.u32 s16  }
0x11: {  	p3 =	por !p3, p1;
	s16 =	sand.u32 @!p1 s19, s16;
	s18 =	simm.s32 @p2 $0x17F  }
0x12: {  	s19 =	sadd.s32 @!p1 $0xFFFFFFFD, s17;
	s17 =	ssub.s32 @!p1 $0x4, s17;
	s16 =	ssub.s32 @!p1 s18, s16  }
0x13: {  	p2 =	sgt.s32 @!p1 s19, $0x0;
	s19 =	smov.u32 s15;
	s18 =	sadd.s32 @!p1 $0xFFFFFE81, s16  }
0x14: {  	s19 =	simm.s32 @p3 $0x100;
	p3 =	sgt.s32 @!p1 s18, $0x0;
	s18 =	sshra.s32 @!p1 s15, $0x1F  }
0x15: {  	s17 =	smul.u32 @!p1 $0x60, s17;
	p2 =	por !p2, p1;
	s15 =	sand.u32 @!p1 s18, s15  }
0x16: {  	s16 =	ssub.s32 @!p1 $0x180, s16;
	p3 =	por !p3, p1;
	s15 =	ssub.s32 @!p1 s19, s15  }
0x17: {  	s17 =	simm.s32 @!p2 $0x0;
	s16 =	simm.s32 @!p3 $0x0;
	s18 =	sadd.s32 @!p1 $0xFFFFFF00, s15  }
0x18: {  	s19 =	smov.u32 s13;
	s16 =	smul.u32 @!p1 s16, s17;
	p2 =	sgt.s32 @!p1 s18, $0x7F  }
0x19: {  	s15 =	ssub.s32 @!p1 $0x180, s15;
	s18 =	sadd.s32 $0x80, s12;
	p2 =	por !p2, p1  }
0x1a: {  	s17 =	sadd.s32 $0x8, s13;
	s15 =	simm.s32 @!p2 $0x0;
	p2 =	sgt.s32 s18, $0x17F  }
0x1b: {  	s20 =	smov.u32 s14;
	s19 =	smov.u32 @p2 s17  }
0x1c: {  	s15 =	smul.u32 @!p1 s15, s16;
	s16 =	sadd.s32 $0x4, s14;
	p3 =	sgt.s32 s19, $0x17F  }
0x1d: {  	s9 =	sadd.s32 $0x1, s9;
	p0 =	por !p0, !p0;
	s20 =	smov.u32 @p3 s16  }
0x1e: {  	s21 =	simm.s32 @!p1 $0x2;
	s18 =	simm.s32 @p2 $0x0;
	p2 =	sgt.s32 s20, $0x3  }
0x1f: {  	s17 =	smov.u32 s11;
	s20 =	smov.u32 @p2 s5;
	p2 =	sne.s32 s9, $0x92  }
.Ltmp1:
0x20: {  	s11 =	smov.u32 s14;
	s15 =	sand.u32 @!p1 $0x3FFFFFE0, s15;
	(pc) =	sbr.rel @!p2 .LBB1_6-.Ltmp1, $4  }
0x21: {  	s19 =	smov.u32 @p3 s6;
	s16 =	smov.u32 s10;
	s10 =	smov.u32 s13  }
0x22: {  	_ =	swait.ge @!p1 [sflag:s21], s15;
	s22 =	ssub.s32 @!p1 $0x0, s15;
	s15 =	smov.u32 s8  }
0x23: {  	s8 =	smov.u32 s12;
	s12 =	smov.u32 s18;
	[sflag:s21] =	ssyncset.done @!p1 $0x0  }
0x24: {  	s13 =	smov.u32 s19;
	[sflag:s21] =	ssyncadd.s32 @!p1 s22;
	s14 =	smov.u32 s20  }
.LBB1_1:
0x25: {  	p1 =	sgt.u32 s9, $0x8F  }
0x26: {  	s18 =	sand.u32 @!p1 $0x1FFFFFF, s12  }
0x27: {  	s19 =	smulhi.u32 @!p1 $0xAAAAAB, s18  }
0x28: {  	s20 =	smul.u32 @!p1 $0x240000, s14  }
0x29: {  	s19 =	smul.u32 @!p1 $0x180, s19  }
0x2a: {  	s21 =	smul.u32 @!p1 $0x1800, s13  }
0x2b: {  	s20 =	sadd.s32 @!p1 s3, s20;
	s18 =	ssub.s32 @!p1 s18, s19;
	s19 =	sxor.u32 @!p1 $0xFFFFFFFF, s9  }
0x2c: {  	s20 =	sadd.s32 @!p1 s21, s20;
	s19 =	sshll.u32 @!p1 s19, $0xE;
	s18 =	sshll.u32 @!p1 s18, $0x4  }
0x2d: {  	s19 =	sand.u32 @!p1 $0x4000, s19;
	s18 =	sadd.s32 @!p1 s18, s20;
	s20 =	simm.s32 @!p1 $0x0  }
0x2e: {  	[tilespmem:s19], [sflag:$0x1] =	stream.linear.gather @!p1 [hbm4b:s18+s20], $0x4000, $0x38;
	[tilespmem:$0x10100] =	vst v63  }
0x2f: {  	p1 =	seq.s32 s9, $0x0  }
0x30: {  	p2 =	seq.s32 @!p1 s9, $0x91  }
0x31: {  	p1 =	por p1, p2  }
.Ltmp2:
0x32: {  	_ = 	snop;
	(pc) =	sbr.rel @p1 .LBB1_5-.Ltmp2, $1  }
0x33: {  	_ =	sdelay $0x3  }
0x34: {  	s18 =	simm.s32 $0x1  }
0x35: {  	_ =	swait.ge [sflag:s4], $0x4000;
	s18 =	simm.s32 @!p0 $0x0  }
0x36: {  	[sflag:s4] =	ssyncset.done $0x0;
	s19 =	sshll.u32 s18, $0xE  }
0x37: {  	[sflag:s4] =	ssyncadd.s32 $0xFFFFC000;
	s19 =	sor.u32 $0x40, s19  }
0x38: {  	s18 =	smul.u32 $0x10200, s18;
	v0 =	vld [tilespmem:s19+$0x30]  }
0x39: {  	v1 =	vld [tilespmem:s19+$0xFFFFFFD0]  }
0x3a: {  	s18 =	sshrl.u32 s18, $0x2;
	v5 =	vld [tilespmem:s19+$0xFFFFFFE0]  }
0x3b: {  	v6 =	vld [tilespmem:s19+$0xFFFFFFF0];
	s21 =	sor.u32 $0x8000, s18  }
0x3c: {  	s31 =	sand.u32 $0x1, s9;
	v4 =	vld [tilespmem:s19+$0x0];
	s20 =	sadd.s32 $0x0, s21  }
0x3d: {  	v3 =	vld [tilespmem:s19+$0x10];
	s18 =	smul.u32 $0x10200, s31;
	[tilespmem:s20+$0x3870 ss:$0x81] =	vst.msk $0xffff, v0  }
0x3e: {  	v2 =	vld [tilespmem:s19+$0x20];
	[tilespmem:s20+$0x810 ss:$0x81] =	vst.msk $0xffff, v1  }
0x3f: {  	s18 =	sshrl.u32 s18, $0x2;
	v1 =	vld [tilespmem:s19+$0xFFFFFFC0];
	[tilespmem:s20+$0x1020 ss:$0x81] =	vst.msk $0xffff, v5;
	s19 =	sadd.s32 $0x80, s19  }
0x40: {  	s22 =	simm.s32 $0x4;
	s23 =	simm.s32 $0x8;
	s18 =	sor.u32 $0x8000, s18;
	[tilespmem:s20+$0x1830 ss:$0x81] =	vst.msk $0xffff, v6;
	v0 =	vld [tilespmem:s19+$0x30]  }
.LBB1_3:
0x41: {  	p1 =	sne.s32 s23, $0x1FC;
	v5 =	vld [tilespmem:s19+$0xFFFFFFD0];
	[tilespmem:s20+$0x2040 ss:$0x81] =	vst.msk $0xffff, v4  }
0x42: {  	v6 =	vld [tilespmem:s19+$0xFFFFFFE0];
	[tilespmem:s20+$0x2850 ss:$0x81] =	vst.msk $0xffff, v3  }
0x43: {  	s24 =	sshra.s32 s22, $0x2;
	s22 =	smov.u32 s23;
	v7 =	vld [tilespmem:s19+$0xFFFFFFF0];
	[tilespmem:s20+$0x3060 ss:$0x81] =	vst.msk $0xffff, v2  }
.Ltmp3:
0x44: {  	v4 =	vld [tilespmem:s19+$0x0];
	[tilespmem:s20+$0x0 ss:$0x81] =	vst.msk $0xffff, v1;
	s20 =	sadd.s32 s24, s21;
	(pc) =	sbr.rel @p1 .LBB1_3-.Ltmp3, $4  }
0x45: {  	v3 =	vld [tilespmem:s19+$0x10];
	[tilespmem:s20+$0x3870 ss:$0x81] =	vst.msk $0xffff, v0  }
0x46: {  	[tilespmem:s20+$0x810 ss:$0x81] =	vst.msk $0xffff, v5;
	v2 =	vld [tilespmem:s19+$0x20]  }
0x47: {  	v1 =	vld [tilespmem:s19+$0xFFFFFFC0];
	[tilespmem:s20+$0x1020 ss:$0x81] =	vst.msk $0xffff, v6;
	s19 =	sadd.s32 $0x80, s19  }
0x48: {  	s23 =	sadd.s32 $0x4, s23;
	v0 =	vld [tilespmem:s19+$0x30];
	[tilespmem:s20+$0x1830 ss:$0x81] =	vst.msk $0xffff, v7  }
0x49: {  	s23 =	sshrl.u32 s10, $0x3;
	s24 =	sshll.u32 s8, $0x3  }
0x4a: {  	s25 =	sshll.u32 s10, $0x7;
	s29 =	sand.u32 $0x7F, s8;
	s22 =	sshra.s32 s22, $0x2  }
0x4b: {  	p1 =	sgt.s32 s11, $0x3;
	s26 =	smov.u32 s11;
	s27 =	sshra.s32 s11, $0x1F  }
0x4c: {  	s31 =	sshra.s32 s8, $0x1F;
	s23 =	smul.u32 $0xC00, s23;
	s24 =	sand.u32 $0xFFFFFC00, s24  }
0x4d: {  	[tilespmem:s20+$0x2040 ss:$0x81] =	vst.msk $0xffff, v4;
	s28 =	sand.u32 $0x380, s25;
	s26 =	simm.s32 @!p1 $0x3;
	s27 =	sand.u32 s27, s11  }
0x4e: {  	s21 =	sadd.s32 s22, s21;
	p1 =	sgt.s32 s10, $0x17F;
	[tilespmem:s20+$0x2850 ss:$0x81] =	vst.msk $0xffff, v3;
	s30 =	ssub.s32 s26, s27  }
0x4f: {  	s27 =	smov.u32 s10;
	[tilespmem:s20+$0x3060 ss:$0x81] =	vst.msk $0xffff, v2;
	s23 =	sadd.s32 s23, s24;
	s26 =	sadd.s32 $0xFFFFFFFD, s30  }
0x50: {  	s22 =	ssub.s32 $0x4, s30;
	s27 =	simm.s32 @!p1 $0x17F;
	[tilespmem:s20+$0x0 ss:$0x81] =	vst.msk $0xffff, v1;
	s20 =	sand.u32 s31, s8  }
0x51: {  	s23 =	sor.u32 s28, s23;
	s28 =	sshra.s32 s10, $0x1F;
	s22 =	smul.u32 $0x60, s22  }
0x52: {  	s24 =	sor.u32 s29, s23;
	s23 =	smulhi.u32 $0xAAAAAAAB, s23;
	s28 =	sand.u32 s28, s10  }
0x53: {  	v5 =	vld [tilespmem:s19+$0xFFFFFFD0];
	p1 =	sgt.s32 s26, $0x0;
	s25 =	smulhi.u32 $0xAAAAAAAB, s24;
	s26 =	ssub.s32 s27, s28  }
0x54: {  	v58 =	vld [tilespmem:s19+$0xFFFFFFE0];
	s22 =	simm.s32 @p1 $0x0;
	p1 =	sgt.s32 s8, $0x100;
	s23 =	sshrl.u32 s23, $0x8  }
0x55: {  	v59 =	vld [tilespmem:s19+$0xFFFFFFF0];
	s28 =	smov.u32 s8;
	s27 =	sadd.s32 $0xFFFFFE81, s26;
	s29 =	smulhi.u32 $0xAAAAAB, s23  }
0x56: {  	v60 =	vld [tilespmem:s19+$0x0];
	s28 =	simm.s32 @!p1 $0x100;
	p1 =	sgt.s32 s27, $0x0;
	s27 =	smul.u32 $0x1B0000, s11  }
0x57: {  	v61 =	vld [tilespmem:s19+$0x10];
	[tilespmem:s21+$0x3870 ss:$0x81] =	vst.msk $0xffff, v0;
	s26 =	ssub.s32 $0x180, s26;
	s25 =	sshrl.u32 s25, $0x8;
	s30 =	smul.u32 $0x180, s29  }
0x58: {  	v62 =	vld [tilespmem:s19+$0x20];
	[tilespmem:s21+$0x810 ss:$0x81] =	vst.msk $0xffff, v5;
	s20 =	ssub.s32 s28, s20;
	s25 =	smul.u32 $0x180, s25;
	s26 =	simm.s32 @p1 $0x0  }
0x59: {  	v63 =	vld [tilespmem:s19+$0xFFFFFFC0];
	[tilespmem:s21+$0x1020 ss:$0x81] =	vst.msk $0xffff, v58;
	s22 =	smul.u32 s26, s22;
	s26 =	sadd.s32 $0xFFFFFF00, s20;
	s31 =	ssub.s32 s23, s30  }
0x5a: {  	[tilespmem:s21+$0x1830 ss:$0x81] =	vst.msk $0xffff, v59;
	s20 =	ssub.s32 $0x180, s20;
	p1 =	sgt.s32 s26, $0x7F;
	s19 =	smul.u32 $0x30, s31  }
.Ltmp4:
0x5b: {  	[tilespmem:s21+$0x2040 ss:$0x81] =	vst.msk $0xffff, v60;
	s24 =	ssub.s32 s24, s25;
	s20 =	simm.s32 @p1 $0x0;
	(pc) =	sbr.rel .LBB1_5-.Ltmp4, $4  }
0x5c: {  	[tilespmem:s21+$0x2850 ss:$0x81] =	vst.msk $0xffff, v61;
	s28 =	sadd.s32 s2, s27;
	s29 =	sand.u32 $0x7, s24;
	s20 =	smul.u32 s20, s22  }
0x5d: {  	[tilespmem:s21+$0x3060 ss:$0x81] =	vst.msk $0xffff, v62;
	s30 =	sshrl.u32 s24, $0x3;
	s23 =	sshll.u32 s29, $0x12;
	s19 =	sadd.s32 s19, s28  }
0x5e: {  	[tilespmem:s21+$0x0 ss:$0x81] =	vst.msk $0xffff, v63;
	s31 =	sor.u32 $0x80, s23;
	s20 =	sand.u32 $0x3FFFFFE0, s20;
	s19 =	sadd.s32 s30, s19  }
0x5f: {  	[hbm4b:s19+s31] =	stream.strided.scatter [tilespmem:s18], [sflag:$0x2], s20, s7, s31, $0x20;
	[tilespmem:$0x10100] =	vst v63  }
.LBB1_6:
0x60: {  	_ =	sfence.sel $0x180000  }
0x61: {  	s2 =	simm.s32 $0x1;
	[bflag:$0x0] =	sbarrier.arrive $0xFFFF  }
0x62: {  	s31 =	simm.s32 $0x2;
	[sflag:s2] =	ssyncpa.u1 $0x1  }
0x63: {  	[sflag:s31] =	ssyncpa.u1 $0x1  }
0x64: {  	p0 =	sne.s32 s1, $0x0;
	_ =	strace $0x9000004D  }
0x65: {  	s0 =	sadd.s32 @!p0 $0x100000, s0;
	[bflag:$0x2] =	sbarrier.arrive $0xFFFF  }
0x66: {  	[sflag:s0] =	ssyncadd.tile.s32 @!p0 $0x1;
	_ =	shalt  }
.Lfunc_end1:
_tile_overlayer_lowered:
.L_overlay_start_2:
0x67: {  	(tag) =	ssettag $0x2  }
0x68: {  	s0 =	rddreg [dreg:$0x0];
	s2 =	stileid.u32  }
0x69: {  	s1 =	rddreg [dreg:$0x1];
	p0 =	sne.s32 s2, $0x0  }
0x6a: {  	s3 =	rddreg [dreg:$0x2];
	[bflag:$0x3] =	sbarrier.arrive $0xFFFF;
	s2 =	simm.s32 @!p0 $0x1C01  }
0x6b: {  	[timem:s3], [sflag:s2] =	dma.local @!p0 [hbm:s0], s1  }
0x6c: {  	s0 =	simm.s32 @!p0 $0x1  }
0x6d: {  	_ =	swait.ge @!p0 [sflag:s0], s1  }
0x6e: {  	s1 =	ssub.s32 @!p0 $0x0, s1;
	[sflag:s0] =	ssyncset.done @!p0 $0x0  }
0x6f: {  	[sflag:s0] =	ssyncadd.s32 @!p0 s1  }
0x70: {  	[bflag:$0x3] =	sbarrier.arrive $0xFFFF  }
0x71: {  	_ =	shalt  }

</sc_bundles>
